<compile_context>
chip_gen: v7x
topology: tpu7x:2x2x1
jax: 0.10.2.dev20260603
libtpu: 0.0.44.dev20260713+nightly
codegen_flags: <defaults>
</compile_context>

<pallas_src>
import functools

import jax
import jax.numpy as jnp
from jax import lax
from jax.experimental import pallas as pl
from jax.experimental.pallas import tpu as pltpu
from jax.experimental.pallas import tpu_sc as plsc

BATCH = 16384
EMB = 16
NC = 2
NS = 16
L = 16
NW = NC * NS
BPW = BATCH // NW
CH = 8
NCH = BPW // CH
BLK = 128
PAD = BPW + 2 * CH

_mesh = plsc.VectorSubcoreMesh(core_axis_name="c", subcore_axis_name="s")


@functools.partial(
    pl.kernel,
    out_type=jax.ShapeDtypeStruct((BATCH,), jnp.float32),
    mesh=_mesh,
    scratch_types=[
        pltpu.VMEM((PAD,), jnp.int32),
        pltpu.VMEM((PAD,), jnp.int32),
        pltpu.VMEM((CH, EMB, BLK), jnp.float32),
        pltpu.VMEM((CH, EMB, BLK), jnp.float32),
        pltpu.VMEM((CH, EMB, BLK), jnp.float32),
        pltpu.VMEM((CH, EMB, BLK), jnp.float32),
        pltpu.VMEM((PAD,), jnp.float32),
        pltpu.SemaphoreType.DMA,
        pltpu.SemaphoreType.DMA,
    ],
    compiler_params=pltpu.CompilerParams(
        needs_layout_passes=False, disable_bounds_checks=True),
)
def _mf_sc(u_id_hbm, i_id_hbm, user_hbm, item_hbm, out_hbm,
           u_vm, i_vm, u_buf0, u_buf1, i_buf0, i_buf1, out_v, sem0, sem1):
    wid = lax.axis_index("s") * NC + lax.axis_index("c")
    base = wid * BPW
    u_bufs = (u_buf0, u_buf1)
    i_bufs = (i_buf0, i_buf1)
    sems = (sem0, sem1)

    pltpu.sync_copy(u_id_hbm.at[pl.ds(base, BPW)], u_vm.at[pl.ds(0, BPW)])
    pltpu.sync_copy(i_id_hbm.at[pl.ds(base, BPW)], i_vm.at[pl.ds(0, BPW)])

    lanes = lax.iota(jnp.int32, L)

    def issue(c, nb):
        uv = u_vm[pl.ds(c * CH, L)]
        iv = i_vm[pl.ds(c * CH, L)]
        for j in range(CH):
            for (v, table, bufs) in ((uv, user_hbm, u_bufs),
                                     (iv, item_hbm, i_bufs)):
                blk = pl.multiple_of((v[j] >> 7) << 7, BLK)
                pltpu.async_copy(
                    table.at[pl.ds(0, EMB), pl.ds(blk, BLK)],
                    bufs[nb].at[j], sems[nb])

    def consume(c, nb):
        for j in range(CH):
            pltpu.make_async_copy(
                user_hbm.at[pl.ds(0, EMB), pl.ds(0, BLK)],
                u_bufs[nb].at[j], sems[nb]).wait()
            pltpu.make_async_copy(
                item_hbm.at[pl.ds(0, EMB), pl.ds(0, BLK)],
                i_bufs[nb].at[j], sems[nb]).wait()

        uv = u_vm[pl.ds(c * CH, L)]
        iv = i_vm[pl.ds(c * CH, L)]
        acc = jnp.zeros((L,), jnp.float32)
        for j in range(CH):
            col_u = jnp.broadcast_to(uv[j] & 127, (L,))
            col_i = jnp.broadcast_to(iv[j] & 127, (L,))
            slot = jnp.full((L,), j, jnp.int32)
            u_col = plsc.load_gather(u_bufs[nb], [slot, lanes, col_u])
            i_col = plsc.load_gather(i_bufs[nb], [slot, lanes, col_i])
            s = jnp.sum(u_col * i_col)
            acc = jnp.where(lanes == j, s, acc)
        plsc.store_compressed(out_v.at[pl.ds(c * CH, L)], acc, mask=lanes < CH)

    def body(p, carry):
        issue(2 * p + 1, 1)
        consume(2 * p, 0)

        @pl.when(p + 1 < NCH // 2)
        def _prefetch():
            issue(2 * p + 2, 0)

        consume(2 * p + 1, 1)
        return carry

    issue(0, 0)
    lax.fori_loop(0, NCH // 2, body, 0)

    pltpu.sync_copy(out_v.at[pl.ds(0, BPW)], out_hbm.at[pl.ds(base, BPW)])


def kernel(u_id, i_id, user_table, item_table):
    return _mf_sc(u_id.astype(jnp.int32), i_id.astype(jnp.int32),
                  user_table.T, item_table.T)

# --- scband reference (transcript-rebuilt; emitter-appended) ---
"""Pipeline reference for scband-mf-72730976191177 (READ-ONLY COPY).

The authoritative reference and input builder live on the scoring server;
editing this copy changes nothing except your own understanding.
"""

import jax, jax.numpy as jnp
import numpy as np

N_USERS = 1000000
N_ITEMS = 1000000
EMB = 16
BATCH = 16384

def setup_inputs(seed: int = 0) -> dict:
    key = jax.random.key(seed)
    k1, k2, k3, k4 = jax.random.split(key, 4)
    u_id = jax.random.randint(k1, (BATCH,), 0, N_USERS, dtype=jnp.int64 if jax.config.jax_enable_x64 else jnp.int32)
    i_id = jax.random.randint(k2, (BATCH,), 0, N_ITEMS, dtype=jnp.int64 if jax.config.jax_enable_x64 else jnp.int32)
    user_table = jax.random.normal(k3, (N_USERS, EMB), dtype=jnp.float32)
    item_table = jax.random.normal(k4, (N_ITEMS, EMB), dtype=jnp.float32)
    return {"u_id": u_id, "i_id": i_id, "user_table": user_table, "item_table": item_table}

def reference(u_id, i_id, user_table, item_table):
    # MF.forward: embedding lookup for user and item, then DotProd (elementwise mul + sum over emb dim)
    user_factors = jnp.take(user_table, u_id, axis=0)  # [B, EMB]
    item_factors = jnp.take(item_table, i_id, axis=0)  # [B, EMB]
    return jnp.sum(user_factors * item_factors, axis=-1)  # [B]

if __name__ == "__main__":
    import jax
    _d = setup_inputs()
    print(jax.jit(kernel)(*tuple(_d.values())))

</pallas_src>

<mosaic_0001>
#map = affine_map<(d0, d1) -> (0)>
#map1 = affine_map<(d0, d1) -> (0, 0)>
module attributes {stable_mosaic.version = 14 : i64} {
  func.func @_mf_sc(%arg0: i32, %arg1: i32, %arg2: memref<16384xi32, #tpu.memory_space<hbm>>, %arg3: memref<16384xi32, #tpu.memory_space<hbm>>, %arg4: memref<16x1000000xf32, #tpu.memory_space<hbm>>, %arg5: memref<16x1000000xf32, #tpu.memory_space<hbm>>, %arg6: memref<16384xf32, #tpu.memory_space<hbm>>, %arg7: memref<528xi32, #tpu.memory_space<vmem>>, %arg8: memref<528xi32, #tpu.memory_space<vmem>>, %arg9: memref<8x16x128xf32, #tpu.memory_space<vmem>>, %arg10: memref<8x16x128xf32, #tpu.memory_space<vmem>>, %arg11: memref<8x16x128xf32, #tpu.memory_space<vmem>>, %arg12: memref<8x16x128xf32, #tpu.memory_space<vmem>>, %arg13: memref<528xf32, #tpu.memory_space<vmem>>, %arg14: memref<!tpu.dma_semaphore, #tpu.memory_space<semaphore_mem>>, %arg15: memref<!tpu.dma_semaphore, #tpu.memory_space<semaphore_mem>>) attributes {dimension_semantics = [#tpu.dimension_semantics<core_parallel>, #tpu.dimension_semantics<subcore_parallel>], iteration_bounds = array<i64: 2, 16>, scalar_prefetch = 0 : i64, scratch_operands = 9 : i64, tpu.core_type = #tpu.core_type<sc_vector_subcore>, window_params = [{transform_indices = #map}, {transform_indices = #map}, {transform_indices = #map1}, {transform_indices = #map1}, {transform_indices = #map}]} {
    %mul3A = arith.constant 2 : i32
    %mul3A_0 = arith.muli %arg1, %mul3A : i32
    %add3A = arith.addi %mul3A_0, %arg0 : i32
    %mul3A_1 = arith.constant 512 : i32
    %mul3A_2 = arith.muli %add3A, %mul3A_1 : i32
    "tpu.region"() ({
      %run_scoped3A = tpu.sem_alloc : memref<!tpu.dma_semaphore, #tpu.memory_space<semaphore_mem>>
      %dma_start3A_325 = arith.constant 0 : i32
      %dma_start3A_326 = tpu.memref_slice %arg7[%dma_start3A_325] : memref<528xi32, #tpu.memory_space<vmem>> -> memref<512xi32, #tpu.memory_space<vmem>>
      %dma_start3A_327 = tpu.memref_slice %arg2[%mul3A_2] : memref<16384xi32, #tpu.memory_space<hbm>> -> memref<512xi32, #tpu.memory_space<hbm>>
      %dma_start3A_328 = arith.constant 0 : i32
      %dma_start3A_329 = tpu.memref_slice %arg7[%dma_start3A_328] : memref<528xi32, #tpu.memory_space<vmem>> -> memref<512xi32, #tpu.memory_space<vmem>>
      %dma_start3A_330 = tpu.memref_slice %arg2[%mul3A_2] : memref<16384xi32, #tpu.memory_space<hbm>> -> memref<512xi32, #tpu.memory_space<hbm>>
      tpu.enqueue_dma source(%dma_start3A_330 : memref<512xi32, #tpu.memory_space<hbm>>) target(%dma_start3A_329 : memref<512xi32, #tpu.memory_space<vmem>>) target_semaphore(%run_scoped3A : memref<!tpu.dma_semaphore, #tpu.memory_space<semaphore_mem>>)
      %dma_wait3A = arith.constant 0 : i32
      %dma_wait3A_331 = tpu.memref_slice %arg7[%dma_wait3A] : memref<528xi32, #tpu.memory_space<vmem>> -> memref<512xi32, #tpu.memory_space<vmem>>
      %dma_wait3A_332 = tpu.memref_slice %arg2[%mul3A_2] : memref<16384xi32, #tpu.memory_space<hbm>> -> memref<512xi32, #tpu.memory_space<hbm>>
      %dma_wait3A_333 = arith.constant 0 : i32
      %dma_wait3A_334 = tpu.memref_slice %arg7[%dma_wait3A_333] : memref<528xi32, #tpu.memory_space<vmem>> -> memref<512xi32, #tpu.memory_space<vmem>>
      %dma_wait3A_335 = tpu.memref_slice %arg2[%mul3A_2] : memref<16384xi32, #tpu.memory_space<hbm>> -> memref<512xi32, #tpu.memory_space<hbm>>
      tpu.wait_dma2 semaphore(%run_scoped3A : memref<!tpu.dma_semaphore, #tpu.memory_space<semaphore_mem>>) src(%dma_wait3A_335 : memref<512xi32, #tpu.memory_space<hbm>>) dst(%dma_wait3A_334 : memref<512xi32, #tpu.memory_space<vmem>>)
      tpu.yield
    }) : () -> ()
    "tpu.region"() ({
      %run_scoped3A = tpu.sem_alloc : memref<!tpu.dma_semaphore, #tpu.memory_space<semaphore_mem>>
      %dma_start3A_325 = arith.constant 0 : i32
      %dma_start3A_326 = tpu.memref_slice %arg8[%dma_start3A_325] : memref<528xi32, #tpu.memory_space<vmem>> -> memref<512xi32, #tpu.memory_space<vmem>>
      %dma_start3A_327 = tpu.memref_slice %arg3[%mul3A_2] : memref<16384xi32, #tpu.memory_space<hbm>> -> memref<512xi32, #tpu.memory_space<hbm>>
      %dma_start3A_328 = arith.constant 0 : i32
      %dma_start3A_329 = tpu.memref_slice %arg8[%dma_start3A_328] : memref<528xi32, #tpu.memory_space<vmem>> -> memref<512xi32, #tpu.memory_space<vmem>>
      %dma_start3A_330 = tpu.memref_slice %arg3[%mul3A_2] : memref<16384xi32, #tpu.memory_space<hbm>> -> memref<512xi32, #tpu.memory_space<hbm>>
      tpu.enqueue_dma source(%dma_start3A_330 : memref<512xi32, #tpu.memory_space<hbm>>) target(%dma_start3A_329 : memref<512xi32, #tpu.memory_space<vmem>>) target_semaphore(%run_scoped3A : memref<!tpu.dma_semaphore, #tpu.memory_space<semaphore_mem>>)
      %dma_wait3A = arith.constant 0 : i32
      %dma_wait3A_331 = tpu.memref_slice %arg8[%dma_wait3A] : memref<528xi32, #tpu.memory_space<vmem>> -> memref<512xi32, #tpu.memory_space<vmem>>
      %dma_wait3A_332 = tpu.memref_slice %arg3[%mul3A_2] : memref<16384xi32, #tpu.memory_space<hbm>> -> memref<512xi32, #tpu.memory_space<hbm>>
      %dma_wait3A_333 = arith.constant 0 : i32
      %dma_wait3A_334 = tpu.memref_slice %arg8[%dma_wait3A_333] : memref<528xi32, #tpu.memory_space<vmem>> -> memref<512xi32, #tpu.memory_space<vmem>>
      %dma_wait3A_335 = tpu.memref_slice %arg3[%mul3A_2] : memref<16384xi32, #tpu.memory_space<hbm>> -> memref<512xi32, #tpu.memory_space<hbm>>
      tpu.wait_dma2 semaphore(%run_scoped3A : memref<!tpu.dma_semaphore, #tpu.memory_space<semaphore_mem>>) src(%dma_wait3A_335 : memref<512xi32, #tpu.memory_space<hbm>>) dst(%dma_wait3A_334 : memref<512xi32, #tpu.memory_space<vmem>>)
      tpu.yield
    }) : () -> ()
    %iota3A = tpu.iota {dimensions = array<i32: 0>} : vector<16xi32>
    %get3A = arith.constant 0 : index
    %get3A_3 = tpu.vector_load %arg7[%get3A] {strides = array<i32>} : memref<528xi32, #tpu.memory_space<vmem>>, vector<16xi32>,
    %get3A_4 = arith.constant 0 : index
    %get3A_5 = tpu.vector_load %arg8[%get3A_4] {strides = array<i32>} : memref<528xi32, #tpu.memory_space<vmem>>, vector<16xi32>,
    %slice3A = vector.extract_strided_slice %get3A_3 {offsets = [0], sizes = [1], strides = [1]} : vector<16xi32> to vector<1xi32>
    %squeeze3A = vector.extract %slice3A[0] : i32 from vector<1xi32>
    %shift_right_arithmetic3A = arith.constant 7 : i32
    %shift_right_arithmetic3A_6 = arith.shrsi %squeeze3A, %shift_right_arithmetic3A : i32
    %shift_left3A = arith.constant 7 : i32
    %shift_left3A_7 = arith.shli %shift_right_arithmetic3A_6, %shift_left3A : i32
    %multiple_of3A = tpu.assume_multiple %shift_left3A_7, 128 : i32
    %dma_start3A = arith.constant 0 : i32
    %dma_start3A_8 = arith.constant 0 : i32
    %dma_start3A_9 = arith.constant 0 : i32
    %dma_start3A_10 = tpu.memref_slice %arg9[%dma_start3A, %dma_start3A_8, %dma_start3A_9] : memref<8x16x128xf32, #tpu.memory_space<vmem>> -> memref<1x16x128xf32, #tpu.memory_space<vmem>>
    %dma_start3A_11 = tpu.memref_squeeze %dma_start3A_10 : memref<1x16x128xf32, #tpu.memory_space<vmem>> -> memref<16x128xf32, #tpu.memory_space<vmem>>
    %dma_start3A_12 = arith.constant 0 : i32
    %dma_start3A_13 = tpu.memref_slice %arg4[%dma_start3A_12, %multiple_of3A] : memref<16x1000000xf32, #tpu.memory_space<hbm>> -> memref<16x128xf32, #tpu.memory_space<hbm>>
    %dma_start3A_14 = arith.constant 0 : i32
    %dma_start3A_15 = arith.constant 0 : i32
    %dma_start3A_16 = tpu.memref_slice %arg9[%dma_start3A, %dma_start3A_14, %dma_start3A_15] : memref<8x16x128xf32, #tpu.memory_space<vmem>> -> memref<1x16x128xf32, #tpu.memory_space<vmem>>
    %dma_start3A_17 = tpu.memref_squeeze %dma_start3A_16 : memref<1x16x128xf32, #tpu.memory_space<vmem>> -> memref<16x128xf32, #tpu.memory_space<vmem>>
    %dma_start3A_18 = arith.constant 0 : i32
    %dma_start3A_19 = tpu.memref_slice %arg4[%dma_start3A_18, %multiple_of3A] : memref<16x1000000xf32, #tpu.memory_space<hbm>> -> memref<16x128xf32, #tpu.memory_space<hbm>>
    tpu.enqueue_dma source(%dma_start3A_19 : memref<16x128xf32, #tpu.memory_space<hbm>>) target(%dma_start3A_17 : memref<16x128xf32, #tpu.memory_space<vmem>>) target_semaphore(%arg14 : memref<!tpu.dma_semaphore, #tpu.memory_space<semaphore_mem>>)
    %slice3A_20 = vector.extract_strided_slice %get3A_5 {offsets = [0], sizes = [1], strides = [1]} : vector<16xi32> to vector<1xi32>
    %squeeze3A_21 = vector.extract %slice3A_20[0] : i32 from vector<1xi32>
    %shift_right_arithmetic3A_22 = arith.constant 7 : i32
    %shift_right_arithmetic3A_23 = arith.shrsi %squeeze3A_21, %shift_right_arithmetic3A_22 : i32
    %shift_left3A_24 = arith.constant 7 : i32
    %shift_left3A_25 = arith.shli %shift_right_arithmetic3A_23, %shift_left3A_24 : i32
    %multiple_of3A_26 = tpu.assume_multiple %shift_left3A_25, 128 : i32
    %dma_start3A_27 = arith.constant 0 : i32
    %dma_start3A_28 = arith.constant 0 : i32
    %dma_start3A_29 = arith.constant 0 : i32
    %dma_start3A_30 = tpu.memref_slice %arg11[%dma_start3A_27, %dma_start3A_28, %dma_start3A_29] : memref<8x16x128xf32, #tpu.memory_space<vmem>> -> memref<1x16x128xf32, #tpu.memory_space<vmem>>
    %dma_start3A_31 = tpu.memref_squeeze %dma_start3A_30 : memref<1x16x128xf32, #tpu.memory_space<vmem>> -> memref<16x128xf32, #tpu.memory_space<vmem>>
    %dma_start3A_32 = arith.constant 0 : i32
    %dma_start3A_33 = tpu.memref_slice %arg5[%dma_start3A_32, %multiple_of3A_26] : memref<16x1000000xf32, #tpu.memory_space<hbm>> -> memref<16x128xf32, #tpu.memory_space<hbm>>
    %dma_start3A_34 = arith.constant 0 : i32
    %dma_start3A_35 = arith.constant 0 : i32
    %dma_start3A_36 = tpu.memref_slice %arg11[%dma_start3A_27, %dma_start3A_34, %dma_start3A_35] : memref<8x16x128xf32, #tpu.memory_space<vmem>> -> memref<1x16x128xf32, #tpu.memory_space<vmem>>
    %dma_start3A_37 = tpu.memref_squeeze %dma_start3A_36 : memref<1x16x128xf32, #tpu.memory_space<vmem>> -> memref<16x128xf32, #tpu.memory_space<vmem>>
    %dma_start3A_38 = arith.constant 0 : i32
    %dma_start3A_39 = tpu.memref_slice %arg5[%dma_start3A_38, %multiple_of3A_26] : memref<16x1000000xf32, #tpu.memory_space<hbm>> -> memref<16x128xf32, #tpu.memory_space<hbm>>
    tpu.enqueue_dma source(%dma_start3A_39 : memref<16x128xf32, #tpu.memory_space<hbm>>) target(%dma_start3A_37 : memref<16x128xf32, #tpu.memory_space<vmem>>) target_semaphore(%arg14 : memref<!tpu.dma_semaphore, #tpu.memory_space<semaphore_mem>>)
    %slice3A_40 = vector.extract_strided_slice %get3A_3 {offsets = [1], sizes = [1], strides = [1]} : vector<16xi32> to vector<1xi32>
    %squeeze3A_41 = vector.extract %slice3A_40[0] : i32 from vector<1xi32>
    %shift_right_arithmetic3A_42 = arith.constant 7 : i32
    %shift_right_arithmetic3A_43 = arith.shrsi %squeeze3A_41, %shift_right_arithmetic3A_42 : i32
    %shift_left3A_44 = arith.constant 7 : i32
    %shift_left3A_45 = arith.shli %shift_right_arithmetic3A_43, %shift_left3A_44 : i32
    %multiple_of3A_46 = tpu.assume_multiple %shift_left3A_45, 128 : i32
    %dma_start3A_47 = arith.constant 1 : i32
    %dma_start3A_48 = arith.constant 0 : i32
    %dma_start3A_49 = arith.constant 0 : i32
    %dma_start3A_50 = tpu.memref_slice %arg9[%dma_start3A_47, %dma_start3A_48, %dma_start3A_49] : memref<8x16x128xf32, #tpu.memory_space<vmem>> -> memref<1x16x128xf32, #tpu.memory_space<vmem>>
    %dma_start3A_51 = tpu.memref_squeeze %dma_start3A_50 : memref<1x16x128xf32, #tpu.memory_space<vmem>> -> memref<16x128xf32, #tpu.memory_space<vmem>>
    %dma_start3A_52 = arith.constant 0 : i32
    %dma_start3A_53 = tpu.memref_slice %arg4[%dma_start3A_52, %multiple_of3A_46] : memref<16x1000000xf32, #tpu.memory_space<hbm>> -> memref<16x128xf32, #tpu.memory_space<hbm>>
    %dma_start3A_54 = arith.constant 0 : i32
    %dma_start3A_55 = arith.constant 0 : i32
    %dma_start3A_56 = tpu.memref_slice %arg9[%dma_start3A_47, %dma_start3A_54, %dma_start3A_55] : memref<8x16x128xf32, #tpu.memory_space<vmem>> -> memref<1x16x128xf32, #tpu.memory_space<vmem>>
    %dma_start3A_57 = tpu.memref_squeeze %dma_start3A_56 : memref<1x16x128xf32, #tpu.memory_space<vmem>> -> memref<16x128xf32, #tpu.memory_space<vmem>>
    %dma_start3A_58 = arith.constant 0 : i32
    %dma_start3A_59 = tpu.memref_slice %arg4[%dma_start3A_58, %multiple_of3A_46] : memref<16x1000000xf32, #tpu.memory_space<hbm>> -> memref<16x128xf32, #tpu.memory_space<hbm>>
    tpu.enqueue_dma source(%dma_start3A_59 : memref<16x128xf32, #tpu.memory_space<hbm>>) target(%dma_start3A_57 : memref<16x128xf32, #tpu.memory_space<vmem>>) target_semaphore(%arg14 : memref<!tpu.dma_semaphore, #tpu.memory_space<semaphore_mem>>)
    %slice3A_60 = vector.extract_strided_slice %get3A_5 {offsets = [1], sizes = [1], strides = [1]} : vector<16xi32> to vector<1xi32>
    %squeeze3A_61 = vector.extract %slice3A_60[0] : i32 from vector<1xi32>
    %shift_right_arithmetic3A_62 = arith.constant 7 : i32
    %shift_right_arithmetic3A_63 = arith.shrsi %squeeze3A_61, %shift_right_arithmetic3A_62 : i32
    %shift_left3A_64 = arith.constant 7 : i32
    %shift_left3A_65 = arith.shli %shift_right_arithmetic3A_63, %shift_left3A_64 : i32
    %multiple_of3A_66 = tpu.assume_multiple %shift_left3A_65, 128 : i32
    %dma_start3A_67 = arith.constant 1 : i32
    %dma_start3A_68 = arith.constant 0 : i32
    %dma_start3A_69 = arith.constant 0 : i32
    %dma_start3A_70 = tpu.memref_slice %arg11[%dma_start3A_67, %dma_start3A_68, %dma_start3A_69] : memref<8x16x128xf32, #tpu.memory_space<vmem>> -> memref<1x16x128xf32, #tpu.memory_space<vmem>>
    %dma_start3A_71 = tpu.memref_squeeze %dma_start3A_70 : memref<1x16x128xf32, #tpu.memory_space<vmem>> -> memref<16x128xf32, #tpu.memory_space<vmem>>
    %dma_start3A_72 = arith.constant 0 : i32
    %dma_start3A_73 = tpu.memref_slice %arg5[%dma_start3A_72, %multiple_of3A_66] : memref<16x1000000xf32, #tpu.memory_space<hbm>> -> memref<16x128xf32, #tpu.memory_space<hbm>>
    %dma_start3A_74 = arith.constant 0 : i32
    %dma_start3A_75 = arith.constant 0 : i32
    %dma_start3A_76 = tpu.memref_slice %arg11[%dma_start3A_67, %dma_start3A_74, %dma_start3A_75] : memref<8x16x128xf32, #tpu.memory_space<vmem>> -> memref<1x16x128xf32, #tpu.memory_space<vmem>>
    %dma_start3A_77 = tpu.memref_squeeze %dma_start3A_76 : memref<1x16x128xf32, #tpu.memory_space<vmem>> -> memref<16x128xf32, #tpu.memory_space<vmem>>
    %dma_start3A_78 = arith.constant 0 : i32
    %dma_start3A_79 = tpu.memref_slice %arg5[%dma_start3A_78, %multiple_of3A_66] : memref<16x1000000xf32, #tpu.memory_space<hbm>> -> memref<16x128xf32, #tpu.memory_space<hbm>>
    tpu.enqueue_dma source(%dma_start3A_79 : memref<16x128xf32, #tpu.memory_space<hbm>>) target(%dma_start3A_77 : memref<16x128xf32, #tpu.memory_space<vmem>>) target_semaphore(%arg14 : memref<!tpu.dma_semaphore, #tpu.memory_space<semaphore_mem>>)
    %slice3A_80 = vector.extract_strided_slice %get3A_3 {offsets = [2], sizes = [1], strides = [1]} : vector<16xi32> to vector<1xi32>
    %squeeze3A_81 = vector.extract %slice3A_80[0] : i32 from vector<1xi32>
    %shift_right_arithmetic3A_82 = arith.constant 7 : i32
    %shift_right_arithmetic3A_83 = arith.shrsi %squeeze3A_81, %shift_right_arithmetic3A_82 : i32
    %shift_left3A_84 = arith.constant 7 : i32
    %shift_left3A_85 = arith.shli %shift_right_arithmetic3A_83, %shift_left3A_84 : i32
    %multiple_of3A_86 = tpu.assume_multiple %shift_left3A_85, 128 : i32
    %dma_start3A_87 = arith.constant 2 : i32
    %dma_start3A_88 = arith.constant 0 : i32
    %dma_start3A_89 = arith.constant 0 : i32
    %dma_start3A_90 = tpu.memref_slice %arg9[%dma_start3A_87, %dma_start3A_88, %dma_start3A_89] : memref<8x16x128xf32, #tpu.memory_space<vmem>> -> memref<1x16x128xf32, #tpu.memory_space<vmem>>
    %dma_start3A_91 = tpu.memref_squeeze %dma_start3A_90 : memref<1x16x128xf32, #tpu.memory_space<vmem>> -> memref<16x128xf32, #tpu.memory_space<vmem>>
    %dma_start3A_92 = arith.constant 0 : i32
    %dma_start3A_93 = tpu.memref_slice %arg4[%dma_start3A_92, %multiple_of3A_86] : memref<16x1000000xf32, #tpu.memory_space<hbm>> -> memref<16x128xf32, #tpu.memory_space<hbm>>
    %dma_start3A_94 = arith.constant 0 : i32
    %dma_start3A_95 = arith.constant 0 : i32
    %dma_start3A_96 = tpu.memref_slice %arg9[%dma_start3A_87, %dma_start3A_94, %dma_start3A_95] : memref<8x16x128xf32, #tpu.memory_space<vmem>> -> memref<1x16x128xf32, #tpu.memory_space<vmem>>
    %dma_start3A_97 = tpu.memref_squeeze %dma_start3A_96 : memref<1x16x128xf32, #tpu.memory_space<vmem>> -> memref<16x128xf32, #tpu.memory_space<vmem>>
    %dma_start3A_98 = arith.constant 0 : i32
    %dma_start3A_99 = tpu.memref_slice %arg4[%dma_start3A_98, %multiple_of3A_86] : memref<16x1000000xf32, #tpu.memory_space<hbm>> -> memref<16x128xf32, #tpu.memory_space<hbm>>
    tpu.enqueue_dma source(%dma_start3A_99 : memref<16x128xf32, #tpu.memory_space<hbm>>) target(%dma_start3A_97 : memref<16x128xf32, #tpu.memory_space<vmem>>) target_semaphore(%arg14 : memref<!tpu.dma_semaphore, #tpu.memory_space<semaphore_mem>>)
    %slice3A_100 = vector.extract_strided_slice %get3A_5 {offsets = [2], sizes = [1], strides = [1]} : vector<16xi32> to vector<1xi32>
    %squeeze3A_101 = vector.extract %slice3A_100[0] : i32 from vector<1xi32>
    %shift_right_arithmetic3A_102 = arith.constant 7 : i32
    %shift_right_arithmetic3A_103 = arith.shrsi %squeeze3A_101, %shift_right_arithmetic3A_102 : i32
    %shift_left3A_104 = arith.constant 7 : i32
    %shift_left3A_105 = arith.shli %shift_right_arithmetic3A_103, %shift_left3A_104 : i32
    %multiple_of3A_106 = tpu.assume_multiple %shift_left3A_105, 128 : i32
    %dma_start3A_107 = arith.constant 2 : i32
    %dma_start3A_108 = arith.constant 0 : i32
    %dma_start3A_109 = arith.constant 0 : i32
    %dma_start3A_110 = tpu.memref_slice %arg11[%dma_start3A_107, %dma_start3A_108, %dma_start3A_109] : memref<8x16x128xf32, #tpu.memory_space<vmem>> -> memref<1x16x128xf32, #tpu.memory_space<vmem>>
    %dma_start3A_111 = tpu.memref_squeeze %dma_start3A_110 : memref<1x16x128xf32, #tpu.memory_space<vmem>> -> memref<16x128xf32, #tpu.memory_space<vmem>>
    %dma_start3A_112 = arith.constant 0 : i32
    %dma_start3A_113 = tpu.memref_slice %arg5[%dma_start3A_112, %multiple_of3A_106] : memref<16x1000000xf32, #tpu.memory_space<hbm>> -> memref<16x128xf32, #tpu.memory_space<hbm>>
    %dma_start3A_114 = arith.constant 0 : i32
    %dma_start3A_115 = arith.constant 0 : i32
    %dma_start3A_116 = tpu.memref_slice %arg11[%dma_start3A_107, %dma_start3A_114, %dma_start3A_115] : memref<8x16x128xf32, #tpu.memory_space<vmem>> -> memref<1x16x128xf32, #tpu.memory_space<vmem>>
    %dma_start3A_117 = tpu.memref_squeeze %dma_start3A_116 : memref<1x16x128xf32, #tpu.memory_space<vmem>> -> memref<16x128xf32, #tpu.memory_space<vmem>>
    %dma_start3A_118 = arith.constant 0 : i32
    %dma_start3A_119 = tpu.memref_slice %arg5[%dma_start3A_118, %multiple_of3A_106] : memref<16x1000000xf32, #tpu.memory_space<hbm>> -> memref<16x128xf32, #tpu.memory_space<hbm>>
    tpu.enqueue_dma source(%dma_start3A_119 : memref<16x128xf32, #tpu.memory_space<hbm>>) target(%dma_start3A_117 : memref<16x128xf32, #tpu.memory_space<vmem>>) target_semaphore(%arg14 : memref<!tpu.dma_semaphore, #tpu.memory_space<semaphore_mem>>)
    %slice3A_120 = vector.extract_strided_slice %get3A_3 {offsets = [3], sizes = [1], strides = [1]} : vector<16xi32> to vector<1xi32>
    %squeeze3A_121 = vector.extract %slice3A_120[0] : i32 from vector<1xi32>
    %shift_right_arithmetic3A_122 = arith.constant 7 : i32
    %shift_right_arithmetic3A_123 = arith.shrsi %squeeze3A_121, %shift_right_arithmetic3A_122 : i32
    %shift_left3A_124 = arith.constant 7 : i32
    %shift_left3A_125 = arith.shli %shift_right_arithmetic3A_123, %shift_left3A_124 : i32
    %multiple_of3A_126 = tpu.assume_multiple %shift_left3A_125, 128 : i32
    %dma_start3A_127 = arith.constant 3 : i32
    %dma_start3A_128 = arith.constant 0 : i32
    %dma_start3A_129 = arith.constant 0 : i32
    %dma_start3A_130 = tpu.memref_slice %arg9[%dma_start3A_127, %dma_start3A_128, %dma_start3A_129] : memref<8x16x128xf32, #tpu.memory_space<vmem>> -> memref<1x16x128xf32, #tpu.memory_space<vmem>>
    %dma_start3A_131 = tpu.memref_squeeze %dma_start3A_130 : memref<1x16x128xf32, #tpu.memory_space<vmem>> -> memref<16x128xf32, #tpu.memory_space<vmem>>
    %dma_start3A_132 = arith.constant 0 : i32
    %dma_start3A_133 = tpu.memref_slice %arg4[%dma_start3A_132, %multiple_of3A_126] : memref<16x1000000xf32, #tpu.memory_space<hbm>> -> memref<16x128xf32, #tpu.memory_space<hbm>>
    %dma_start3A_134 = arith.constant 0 : i32
    %dma_start3A_135 = arith.constant 0 : i32
    %dma_start3A_136 = tpu.memref_slice %arg9[%dma_start3A_127, %dma_start3A_134, %dma_start3A_135] : memref<8x16x128xf32, #tpu.memory_space<vmem>> -> memref<1x16x128xf32, #tpu.memory_space<vmem>>
    %dma_start3A_137 = tpu.memref_squeeze %dma_start3A_136 : memref<1x16x128xf32, #tpu.memory_space<vmem>> -> memref<16x128xf32, #tpu.memory_space<vmem>>
    %dma_start3A_138 = arith.constant 0 : i32
    %dma_start3A_139 = tpu.memref_slice %arg4[%dma_start3A_138, %multiple_of3A_126] : memref<16x1000000xf32, #tpu.memory_space<hbm>> -> memref<16x128xf32, #tpu.memory_space<hbm>>
    tpu.enqueue_dma source(%dma_start3A_139 : memref<16x128xf32, #tpu.memory_space<hbm>>) target(%dma_start3A_137 : memref<16x128xf32, #tpu.memory_space<vmem>>) target_semaphore(%arg14 : memref<!tpu.dma_semaphore, #tpu.memory_space<semaphore_mem>>)
    %slice3A_140 = vector.extract_strided_slice %get3A_5 {offsets = [3], sizes = [1], strides = [1]} : vector<16xi32> to vector<1xi32>
    %squeeze3A_141 = vector.extract %slice3A_140[0] : i32 from vector<1xi32>
    %shift_right_arithmetic3A_142 = arith.constant 7 : i32
    %shift_right_arithmetic3A_143 = arith.shrsi %squeeze3A_141, %shift_right_arithmetic3A_142 : i32
    %shift_left3A_144 = arith.constant 7 : i32
    %shift_left3A_145 = arith.shli %shift_right_arithmetic3A_143, %shift_left3A_144 : i32
    %multiple_of3A_146 = tpu.assume_multiple %shift_left3A_145, 128 : i32
    %dma_start3A_147 = arith.constant 3 : i32
    %dma_start3A_148 = arith.constant 0 : i32
    %dma_start3A_149 = arith.constant 0 : i32
    %dma_start3A_150 = tpu.memref_slice %arg11[%dma_start3A_147, %dma_start3A_148, %dma_start3A_149] : memref<8x16x128xf32, #tpu.memory_space<vmem>> -> memref<1x16x128xf32, #tpu.memory_space<vmem>>
    %dma_start3A_151 = tpu.memref_squeeze %dma_start3A_150 : memref<1x16x128xf32, #tpu.memory_space<vmem>> -> memref<16x128xf32, #tpu.memory_space<vmem>>
    %dma_start3A_152 = arith.constant 0 : i32
    %dma_start3A_153 = tpu.memref_slice %arg5[%dma_start3A_152, %multiple_of3A_146] : memref<16x1000000xf32, #tpu.memory_space<hbm>> -> memref<16x128xf32, #tpu.memory_space<hbm>>
    %dma_start3A_154 = arith.constant 0 : i32
    %dma_start3A_155 = arith.constant 0 : i32
    %dma_start3A_156 = tpu.memref_slice %arg11[%dma_start3A_147, %dma_start3A_154, %dma_start3A_155] : memref<8x16x128xf32, #tpu.memory_space<vmem>> -> memref<1x16x128xf32, #tpu.memory_space<vmem>>
    %dma_start3A_157 = tpu.memref_squeeze %dma_start3A_156 : memref<1x16x128xf32, #tpu.memory_space<vmem>> -> memref<16x128xf32, #tpu.memory_space<vmem>>
    %dma_start3A_158 = arith.constant 0 : i32
    %dma_start3A_159 = tpu.memref_slice %arg5[%dma_start3A_158, %multiple_of3A_146] : memref<16x1000000xf32, #tpu.memory_space<hbm>> -> memref<16x128xf32, #tpu.memory_space<hbm>>
    tpu.enqueue_dma source(%dma_start3A_159 : memref<16x128xf32, #tpu.memory_space<hbm>>) target(%dma_start3A_157 : memref<16x128xf32, #tpu.memory_space<vmem>>) target_semaphore(%arg14 : memref<!tpu.dma_semaphore, #tpu.memory_space<semaphore_mem>>)
    %slice3A_160 = vector.extract_strided_slice %get3A_3 {offsets = [4], sizes = [1], strides = [1]} : vector<16xi32> to vector<1xi32>
    %squeeze3A_161 = vector.extract %slice3A_160[0] : i32 from vector<1xi32>
    %shift_right_arithmetic3A_162 = arith.constant 7 : i32
    %shift_right_arithmetic3A_163 = arith.shrsi %squeeze3A_161, %shift_right_arithmetic3A_162 : i32
    %shift_left3A_164 = arith.constant 7 : i32
    %shift_left3A_165 = arith.shli %shift_right_arithmetic3A_163, %shift_left3A_164 : i32
    %multiple_of3A_166 = tpu.assume_multiple %shift_left3A_165, 128 : i32
    %dma_start3A_167 = arith.constant 4 : i32
    %dma_start3A_168 = arith.constant 0 : i32
    %dma_start3A_169 = arith.constant 0 : i32
    %dma_start3A_170 = tpu.memref_slice %arg9[%dma_start3A_167, %dma_start3A_168, %dma_start3A_169] : memref<8x16x128xf32, #tpu.memory_space<vmem>> -> memref<1x16x128xf32, #tpu.memory_space<vmem>>
    %dma_start3A_171 = tpu.memref_squeeze %dma_start3A_170 : memref<1x16x128xf32, #tpu.memory_space<vmem>> -> memref<16x128xf32, #tpu.memory_space<vmem>>
    %dma_start3A_172 = arith.constant 0 : i32
    %dma_start3A_173 = tpu.memref_slice %arg4[%dma_start3A_172, %multiple_of3A_166] : memref<16x1000000xf32, #tpu.memory_space<hbm>> -> memref<16x128xf32, #tpu.memory_space<hbm>>
    %dma_start3A_174 = arith.constant 0 : i32
    %dma_start3A_175 = arith.constant 0 : i32
    %dma_start3A_176 = tpu.memref_slice %arg9[%dma_start3A_167, %dma_start3A_174, %dma_start3A_175] : memref<8x16x128xf32, #tpu.memory_space<vmem>> -> memref<1x16x128xf32, #tpu.memory_space<vmem>>
    %dma_start3A_177 = tpu.memref_squeeze %dma_start3A_176 : memref<1x16x128xf32, #tpu.memory_space<vmem>> -> memref<16x128xf32, #tpu.memory_space<vmem>>
    %dma_start3A_178 = arith.constant 0 : i32
    %dma_start3A_179 = tpu.memref_slice %arg4[%dma_start3A_178, %multiple_of3A_166] : memref<16x1000000xf32, #tpu.memory_space<hbm>> -> memref<16x128xf32, #tpu.memory_space<hbm>>
    tpu.enqueue_dma source(%dma_start3A_179 : memref<16x128xf32, #tpu.memory_space<hbm>>) target(%dma_start3A_177 : memref<16x128xf32, #tpu.memory_space<vmem>>) target_semaphore(%arg14 : memref<!tpu.dma_semaphore, #tpu.memory_space<semaphore_mem>>)
    %slice3A_180 = vector.extract_strided_slice %get3A_5 {offsets = [4], sizes = [1], strides = [1]} : vector<16xi32> to vector<1xi32>
    %squeeze3A_181 = vector.extract %slice3A_180[0] : i32 from vector<1xi32>
    %shift_right_arithmetic3A_182 = arith.constant 7 : i32
    %shift_right_arithmetic3A_183 = arith.shrsi %squeeze3A_181, %shift_right_arithmetic3A_182 : i32
    %shift_left3A_184 = arith.constant 7 : i32
    %shift_left3A_185 = arith.shli %shift_right_arithmetic3A_183, %shift_left3A_184 : i32
    %multiple_of3A_186 = tpu.assume_multiple %shift_left3A_185, 128 : i32
    %dma_start3A_187 = arith.constant 4 : i32
    %dma_start3A_188 = arith.constant 0 : i32
    %dma_start3A_189 = arith.constant 0 : i32
    %dma_start3A_190 = tpu.memref_slice %arg11[%dma_start3A_187, %dma_start3A_188, %dma_start3A_189] : memref<8x16x128xf32, #tpu.memory_space<vmem>> -> memref<1x16x128xf32, #tpu.memory_space<vmem>>
    %dma_start3A_191 = tpu.memref_squeeze %dma_start3A_190 : memref<1x16x128xf32, #tpu.memory_space<vmem>> -> memref<16x128xf32, #tpu.memory_space<vmem>>
    %dma_start3A_192 = arith.constant 0 : i32
    %dma_start3A_193 = tpu.memref_slice %arg5[%dma_start3A_192, %multiple_of3A_186] : memref<16x1000000xf32, #tpu.memory_space<hbm>> -> memref<16x128xf32, #tpu.memory_space<hbm>>
    %dma_start3A_194 = arith.constant 0 : i32
    %dma_start3A_195 = arith.constant 0 : i32
    %dma_start3A_196 = tpu.memref_slice %arg11[%dma_start3A_187, %dma_start3A_194, %dma_start3A_195] : memref<8x16x128xf32, #tpu.memory_space<vmem>> -> memref<1x16x128xf32, #tpu.memory_space<vmem>>
    %dma_start3A_197 = tpu.memref_squeeze %dma_start3A_196 : memref<1x16x128xf32, #tpu.memory_space<vmem>> -> memref<16x128xf32, #tpu.memory_space<vmem>>
    %dma_start3A_198 = arith.constant 0 : i32
    %dma_start3A_199 = tpu.memref_slice %arg5[%dma_start3A_198, %multiple_of3A_186] : memref<16x1000000xf32, #tpu.memory_space<hbm>> -> memref<16x128xf32, #tpu.memory_space<hbm>>
    tpu.enqueue_dma source(%dma_start3A_199 : memref<16x128xf32, #tpu.memory_space<hbm>>) target(%dma_start3A_197 : memref<16x128xf32, #tpu.memory_space<vmem>>) target_semaphore(%arg14 : memref<!tpu.dma_semaphore, #tpu.memory_space<semaphore_mem>>)
    %slice3A_200 = vector.extract_strided_slice %get3A_3 {offsets = [5], sizes = [1], strides = [1]} : vector<16xi32> to vector<1xi32>
    %squeeze3A_201 = vector.extract %slice3A_200[0] : i32 from vector<1xi32>
    %shift_right_arithmetic3A_202 = arith.constant 7 : i32
    %shift_right_arithmetic3A_203 = arith.shrsi %squeeze3A_201, %shift_right_arithmetic3A_202 : i32
    %shift_left3A_204 = arith.constant 7 : i32
    %shift_left3A_205 = arith.shli %shift_right_arithmetic3A_203, %shift_left3A_204 : i32
    %multiple_of3A_206 = tpu.assume_multiple %shift_left3A_205, 128 : i32
    %dma_start3A_207 = arith.constant 5 : i32
    %dma_start3A_208 = arith.constant 0 : i32
    %dma_start3A_209 = arith.constant 0 : i32
    %dma_start3A_210 = tpu.memref_slice %arg9[%dma_start3A_207, %dma_start3A_208, %dma_start3A_209] : memref<8x16x128xf32, #tpu.memory_space<vmem>> -> memref<1x16x128xf32, #tpu.memory_space<vmem>>
    %dma_start3A_211 = tpu.memref_squeeze %dma_start3A_210 : memref<1x16x128xf32, #tpu.memory_space<vmem>> -> memref<16x128xf32, #tpu.memory_space<vmem>>
    %dma_start3A_212 = arith.constant 0 : i32
    %dma_start3A_213 = tpu.memref_slice %arg4[%dma_start3A_212, %multiple_of3A_206] : memref<16x1000000xf32, #tpu.memory_space<hbm>> -> memref<16x128xf32, #tpu.memory_space<hbm>>
    %dma_start3A_214 = arith.constant 0 : i32
    %dma_start3A_215 = arith.constant 0 : i32
    %dma_start3A_216 = tpu.memref_slice %arg9[%dma_start3A_207, %dma_start3A_214, %dma_start3A_215] : memref<8x16x128xf32, #tpu.memory_space<vmem>> -> memref<1x16x128xf32, #tpu.memory_space<vmem>>
    %dma_start3A_217 = tpu.memref_squeeze %dma_start3A_216 : memref<1x16x128xf32, #tpu.memory_space<vmem>> -> memref<16x128xf32, #tpu.memory_space<vmem>>
    %dma_start3A_218 = arith.constant 0 : i32
    %dma_start3A_219 = tpu.memref_slice %arg4[%dma_start3A_218, %multiple_of3A_206] : memref<16x1000000xf32, #tpu.memory_space<hbm>> -> memref<16x128xf32, #tpu.memory_space<hbm>>
    tpu.enqueue_dma source(%dma_start3A_219 : memref<16x128xf32, #tpu.memory_space<hbm>>) target(%dma_start3A_217 : memref<16x128xf32, #tpu.memory_space<vmem>>) target_semaphore(%arg14 : memref<!tpu.dma_semaphore, #tpu.memory_space<semaphore_mem>>)
    %slice3A_220 = vector.extract_strided_slice %get3A_5 {offsets = [5], sizes = [1], strides = [1]} : vector<16xi32> to vector<1xi32>
    %squeeze3A_221 = vector.extract %slice3A_220[0] : i32 from vector<1xi32>
    %shift_right_arithmetic3A_222 = arith.constant 7 : i32
    %shift_right_arithmetic3A_223 = arith.shrsi %squeeze3A_221, %shift_right_arithmetic3A_222 : i32
    %shift_left3A_224 = arith.constant 7 : i32
    %shift_left3A_225 = arith.shli %shift_right_arithmetic3A_223, %shift_left3A_224 : i32
    %multiple_of3A_226 = tpu.assume_multiple %shift_left3A_225, 128 : i32
    %dma_start3A_227 = arith.constant 5 : i32
    %dma_start3A_228 = arith.constant 0 : i32
    %dma_start3A_229 = arith.constant 0 : i32
    %dma_start3A_230 = tpu.memref_slice %arg11[%dma_start3A_227, %dma_start3A_228, %dma_start3A_229] : memref<8x16x128xf32, #tpu.memory_space<vmem>> -> memref<1x16x128xf32, #tpu.memory_space<vmem>>
    %dma_start3A_231 = tpu.memref_squeeze %dma_start3A_230 : memref<1x16x128xf32, #tpu.memory_space<vmem>> -> memref<16x128xf32, #tpu.memory_space<vmem>>
    %dma_start3A_232 = arith.constant 0 : i32
    %dma_start3A_233 = tpu.memref_slice %arg5[%dma_start3A_232, %multiple_of3A_226] : memref<16x1000000xf32, #tpu.memory_space<hbm>> -> memref<16x128xf32, #tpu.memory_space<hbm>>
    %dma_start3A_234 = arith.constant 0 : i32
    %dma_start3A_235 = arith.constant 0 : i32
    %dma_start3A_236 = tpu.memref_slice %arg11[%dma_start3A_227, %dma_start3A_234, %dma_start3A_235] : memref<8x16x128xf32, #tpu.memory_space<vmem>> -> memref<1x16x128xf32, #tpu.memory_space<vmem>>
    %dma_start3A_237 = tpu.memref_squeeze %dma_start3A_236 : memref<1x16x128xf32, #tpu.memory_space<vmem>> -> memref<16x128xf32, #tpu.memory_space<vmem>>
    %dma_start3A_238 = arith.constant 0 : i32
    %dma_start3A_239 = tpu.memref_slice %arg5[%dma_start3A_238, %multiple_of3A_226] : memref<16x1000000xf32, #tpu.memory_space<hbm>> -> memref<16x128xf32, #tpu.memory_space<hbm>>
    tpu.enqueue_dma source(%dma_start3A_239 : memref<16x128xf32, #tpu.memory_space<hbm>>) target(%dma_start3A_237 : memref<16x128xf32, #tpu.memory_space<vmem>>) target_semaphore(%arg14 : memref<!tpu.dma_semaphore, #tpu.memory_space<semaphore_mem>>)
    %slice3A_240 = vector.extract_strided_slice %get3A_3 {offsets = [6], sizes = [1], strides = [1]} : vector<16xi32> to vector<1xi32>
    %squeeze3A_241 = vector.extract %slice3A_240[0] : i32 from vector<1xi32>
    %shift_right_arithmetic3A_242 = arith.constant 7 : i32
    %shift_right_arithmetic3A_243 = arith.shrsi %squeeze3A_241, %shift_right_arithmetic3A_242 : i32
    %shift_left3A_244 = arith.constant 7 : i32
    %shift_left3A_245 = arith.shli %shift_right_arithmetic3A_243, %shift_left3A_244 : i32
    %multiple_of3A_246 = tpu.assume_multiple %shift_left3A_245, 128 : i32
    %dma_start3A_247 = arith.constant 6 : i32
    %dma_start3A_248 = arith.constant 0 : i32
    %dma_start3A_249 = arith.constant 0 : i32
    %dma_start3A_250 = tpu.memref_slice %arg9[%dma_start3A_247, %dma_start3A_248, %dma_start3A_249] : memref<8x16x128xf32, #tpu.memory_space<vmem>> -> memref<1x16x128xf32, #tpu.memory_space<vmem>>
    %dma_start3A_251 = tpu.memref_squeeze %dma_start3A_250 : memref<1x16x128xf32, #tpu.memory_space<vmem>> -> memref<16x128xf32, #tpu.memory_space<vmem>>
    %dma_start3A_252 = arith.constant 0 : i32
    %dma_start3A_253 = tpu.memref_slice %arg4[%dma_start3A_252, %multiple_of3A_246] : memref<16x1000000xf32, #tpu.memory_space<hbm>> -> memref<16x128xf32, #tpu.memory_space<hbm>>
    %dma_start3A_254 = arith.constant 0 : i32
    %dma_start3A_255 = arith.constant 0 : i32
    %dma_start3A_256 = tpu.memref_slice %arg9[%dma_start3A_247, %dma_start3A_254, %dma_start3A_255] : memref<8x16x128xf32, #tpu.memory_space<vmem>> -> memref<1x16x128xf32, #tpu.memory_space<vmem>>
    %dma_start3A_257 = tpu.memref_squeeze %dma_start3A_256 : memref<1x16x128xf32, #tpu.memory_space<vmem>> -> memref<16x128xf32, #tpu.memory_space<vmem>>
    %dma_start3A_258 = arith.constant 0 : i32
    %dma_start3A_259 = tpu.memref_slice %arg4[%dma_start3A_258, %multiple_of3A_246] : memref<16x1000000xf32, #tpu.memory_space<hbm>> -> memref<16x128xf32, #tpu.memory_space<hbm>>
    tpu.enqueue_dma source(%dma_start3A_259 : memref<16x128xf32, #tpu.memory_space<hbm>>) target(%dma_start3A_257 : memref<16x128xf32, #tpu.memory_space<vmem>>) target_semaphore(%arg14 : memref<!tpu.dma_semaphore, #tpu.memory_space<semaphore_mem>>)
    %slice3A_260 = vector.extract_strided_slice %get3A_5 {offsets = [6], sizes = [1], strides = [1]} : vector<16xi32> to vector<1xi32>
    %squeeze3A_261 = vector.extract %slice3A_260[0] : i32 from vector<1xi32>
    %shift_right_arithmetic3A_262 = arith.constant 7 : i32
    %shift_right_arithmetic3A_263 = arith.shrsi %squeeze3A_261, %shift_right_arithmetic3A_262 : i32
    %shift_left3A_264 = arith.constant 7 : i32
    %shift_left3A_265 = arith.shli %shift_right_arithmetic3A_263, %shift_left3A_264 : i32
    %multiple_of3A_266 = tpu.assume_multiple %shift_left3A_265, 128 : i32
    %dma_start3A_267 = arith.constant 6 : i32
    %dma_start3A_268 = arith.constant 0 : i32
    %dma_start3A_269 = arith.constant 0 : i32
    %dma_start3A_270 = tpu.memref_slice %arg11[%dma_start3A_267, %dma_start3A_268, %dma_start3A_269] : memref<8x16x128xf32, #tpu.memory_space<vmem>> -> memref<1x16x128xf32, #tpu.memory_space<vmem>>
    %dma_start3A_271 = tpu.memref_squeeze %dma_start3A_270 : memref<1x16x128xf32, #tpu.memory_space<vmem>> -> memref<16x128xf32, #tpu.memory_space<vmem>>
    %dma_start3A_272 = arith.constant 0 : i32
    %dma_start3A_273 = tpu.memref_slice %arg5[%dma_start3A_272, %multiple_of3A_266] : memref<16x1000000xf32, #tpu.memory_space<hbm>> -> memref<16x128xf32, #tpu.memory_space<hbm>>
    %dma_start3A_274 = arith.constant 0 : i32
    %dma_start3A_275 = arith.constant 0 : i32
    %dma_start3A_276 = tpu.memref_slice %arg11[%dma_start3A_267, %dma_start3A_274, %dma_start3A_275] : memref<8x16x128xf32, #tpu.memory_space<vmem>> -> memref<1x16x128xf32, #tpu.memory_space<vmem>>
    %dma_start3A_277 = tpu.memref_squeeze %dma_start3A_276 : memref<1x16x128xf32, #tpu.memory_space<vmem>> -> memref<16x128xf32, #tpu.memory_space<vmem>>
    %dma_start3A_278 = arith.constant 0 : i32
    %dma_start3A_279 = tpu.memref_slice %arg5[%dma_start3A_278, %multiple_of3A_266] : memref<16x1000000xf32, #tpu.memory_space<hbm>> -> memref<16x128xf32, #tpu.memory_space<hbm>>
    tpu.enqueue_dma source(%dma_start3A_279 : memref<16x128xf32, #tpu.memory_space<hbm>>) target(%dma_start3A_277 : memref<16x128xf32, #tpu.memory_space<vmem>>) target_semaphore(%arg14 : memref<!tpu.dma_semaphore, #tpu.memory_space<semaphore_mem>>)
    %slice3A_280 = vector.extract_strided_slice %get3A_3 {offsets = [7], sizes = [1], strides = [1]} : vector<16xi32> to vector<1xi32>
    %squeeze3A_281 = vector.extract %slice3A_280[0] : i32 from vector<1xi32>
    %shift_right_arithmetic3A_282 = arith.constant 7 : i32
    %shift_right_arithmetic3A_283 = arith.shrsi %squeeze3A_281, %shift_right_arithmetic3A_282 : i32
    %shift_left3A_284 = arith.constant 7 : i32
    %shift_left3A_285 = arith.shli %shift_right_arithmetic3A_283, %shift_left3A_284 : i32
    %multiple_of3A_286 = tpu.assume_multiple %shift_left3A_285, 128 : i32
    %dma_start3A_287 = arith.constant 7 : i32
    %dma_start3A_288 = arith.constant 0 : i32
    %dma_start3A_289 = arith.constant 0 : i32
    %dma_start3A_290 = tpu.memref_slice %arg9[%dma_start3A_287, %dma_start3A_288, %dma_start3A_289] : memref<8x16x128xf32, #tpu.memory_space<vmem>> -> memref<1x16x128xf32, #tpu.memory_space<vmem>>
    %dma_start3A_291 = tpu.memref_squeeze %dma_start3A_290 : memref<1x16x128xf32, #tpu.memory_space<vmem>> -> memref<16x128xf32, #tpu.memory_space<vmem>>
    %dma_start3A_292 = arith.constant 0 : i32
    %dma_start3A_293 = tpu.memref_slice %arg4[%dma_start3A_292, %multiple_of3A_286] : memref<16x1000000xf32, #tpu.memory_space<hbm>> -> memref<16x128xf32, #tpu.memory_space<hbm>>
    %dma_start3A_294 = arith.constant 0 : i32
    %dma_start3A_295 = arith.constant 0 : i32
    %dma_start3A_296 = tpu.memref_slice %arg9[%dma_start3A_287, %dma_start3A_294, %dma_start3A_295] : memref<8x16x128xf32, #tpu.memory_space<vmem>> -> memref<1x16x128xf32, #tpu.memory_space<vmem>>
    %dma_start3A_297 = tpu.memref_squeeze %dma_start3A_296 : memref<1x16x128xf32, #tpu.memory_space<vmem>> -> memref<16x128xf32, #tpu.memory_space<vmem>>
    %dma_start3A_298 = arith.constant 0 : i32
    %dma_start3A_299 = tpu.memref_slice %arg4[%dma_start3A_298, %multiple_of3A_286] : memref<16x1000000xf32, #tpu.memory_space<hbm>> -> memref<16x128xf32, #tpu.memory_space<hbm>>
    tpu.enqueue_dma source(%dma_start3A_299 : memref<16x128xf32, #tpu.memory_space<hbm>>) target(%dma_start3A_297 : memref<16x128xf32, #tpu.memory_space<vmem>>) target_semaphore(%arg14 : memref<!tpu.dma_semaphore, #tpu.memory_space<semaphore_mem>>)
    %slice3A_300 = vector.extract_strided_slice %get3A_5 {offsets = [7], sizes = [1], strides = [1]} : vector<16xi32> to vector<1xi32>
    %squeeze3A_301 = vector.extract %slice3A_300[0] : i32 from vector<1xi32>
    %shift_right_arithmetic3A_302 = arith.constant 7 : i32
    %shift_right_arithmetic3A_303 = arith.shrsi %squeeze3A_301, %shift_right_arithmetic3A_302 : i32
    %shift_left3A_304 = arith.constant 7 : i32
    %shift_left3A_305 = arith.shli %shift_right_arithmetic3A_303, %shift_left3A_304 : i32
    %multiple_of3A_306 = tpu.assume_multiple %shift_left3A_305, 128 : i32
    %dma_start3A_307 = arith.constant 7 : i32
    %dma_start3A_308 = arith.constant 0 : i32
    %dma_start3A_309 = arith.constant 0 : i32
    %dma_start3A_310 = tpu.memref_slice %arg11[%dma_start3A_307, %dma_start3A_308, %dma_start3A_309] : memref<8x16x128xf32, #tpu.memory_space<vmem>> -> memref<1x16x128xf32, #tpu.memory_space<vmem>>
    %dma_start3A_311 = tpu.memref_squeeze %dma_start3A_310 : memref<1x16x128xf32, #tpu.memory_space<vmem>> -> memref<16x128xf32, #tpu.memory_space<vmem>>
    %dma_start3A_312 = arith.constant 0 : i32
    %dma_start3A_313 = tpu.memref_slice %arg5[%dma_start3A_312, %multiple_of3A_306] : memref<16x1000000xf32, #tpu.memory_space<hbm>> -> memref<16x128xf32, #tpu.memory_space<hbm>>
    %dma_start3A_314 = arith.constant 0 : i32
    %dma_start3A_315 = arith.constant 0 : i32
    %dma_start3A_316 = tpu.memref_slice %arg11[%dma_start3A_307, %dma_start3A_314, %dma_start3A_315] : memref<8x16x128xf32, #tpu.memory_space<vmem>> -> memref<1x16x128xf32, #tpu.memory_space<vmem>>
    %dma_start3A_317 = tpu.memref_squeeze %dma_start3A_316 : memref<1x16x128xf32, #tpu.memory_space<vmem>> -> memref<16x128xf32, #tpu.memory_space<vmem>>
    %dma_start3A_318 = arith.constant 0 : i32
    %dma_start3A_319 = tpu.memref_slice %arg5[%dma_start3A_318, %multiple_of3A_306] : memref<16x1000000xf32, #tpu.memory_space<hbm>> -> memref<16x128xf32, #tpu.memory_space<hbm>>
    tpu.enqueue_dma source(%dma_start3A_319 : memref<16x128xf32, #tpu.memory_space<hbm>>) target(%dma_start3A_317 : memref<16x128xf32, #tpu.memory_space<vmem>>) target_semaphore(%arg14 : memref<!tpu.dma_semaphore, #tpu.memory_space<semaphore_mem>>)
    %scan3A = arith.constant 0 : i32
    %scan3A_320 = arith.constant 0 : i32
    %scan3A_321 = arith.constant 32 : i32
    %scan3A_322 = arith.addi %scan3A_320, %scan3A_321 : i32
    %scan3A_323 = arith.constant 1 : i32
    scf.for %scan3A_325 = %scan3A_320 to %scan3A_322 step %scan3A_323  : i32 {
      %mul3A_326 = arith.constant 2 : i32
      %mul3A_327 = arith.muli %mul3A_326, %scan3A_325 : i32
      %add3A_328 = arith.constant 1 : i32
      %add3A_329 = arith.addi %mul3A_327, %add3A_328 : i32
      %mul3A_330 = arith.constant 8 : i32
      %mul3A_331 = arith.muli %add3A_329, %mul3A_330 : i32
      %get3A_332 = arith.index_cast %mul3A_331 : i32 to index
      %get3A_333 = tpu.vector_load %arg7[%get3A_332] {strides = array<i32>} : memref<528xi32, #tpu.memory_space<vmem>>, vector<16xi32>,
      %mul3A_334 = arith.constant 8 : i32
      %mul3A_335 = arith.muli %add3A_329, %mul3A_334 : i32
      %get3A_336 = arith.index_cast %mul3A_335 : i32 to index
      %get3A_337 = tpu.vector_load %arg8[%get3A_336] {strides = array<i32>} : memref<528xi32, #tpu.memory_space<vmem>>, vector<16xi32>,
      %slice3A_338 = vector.extract_strided_slice %get3A_333 {offsets = [0], sizes = [1], strides = [1]} : vector<16xi32> to vector<1xi32>
      %squeeze3A_339 = vector.extract %slice3A_338[0] : i32 from vector<1xi32>
      %shift_right_arithmetic3A_340 = arith.constant 7 : i32
      %shift_right_arithmetic3A_341 = arith.shrsi %squeeze3A_339, %shift_right_arithmetic3A_340 : i32
      %shift_left3A_342 = arith.constant 7 : i32
      %shift_left3A_343 = arith.shli %shift_right_arithmetic3A_341, %shift_left3A_342 : i32
      %multiple_of3A_344 = tpu.assume_multiple %shift_left3A_343, 128 : i32
      %dma_start3A_345 = arith.constant 0 : i32
      %dma_start3A_346 = arith.constant 0 : i32
      %dma_start3A_347 = arith.constant 0 : i32
      %dma_start3A_348 = tpu.memref_slice %arg10[%dma_start3A_345, %dma_start3A_346, %dma_start3A_347] : memref<8x16x128xf32, #tpu.memory_space<vmem>> -> memref<1x16x128xf32, #tpu.memory_space<vmem>>
      %dma_start3A_349 = tpu.memref_squeeze %dma_start3A_348 : memref<1x16x128xf32, #tpu.memory_space<vmem>> -> memref<16x128xf32, #tpu.memory_space<vmem>>
      %dma_start3A_350 = arith.constant 0 : i32
      %dma_start3A_351 = tpu.memref_slice %arg4[%dma_start3A_350, %multiple_of3A_344] : memref<16x1000000xf32, #tpu.memory_space<hbm>> -> memref<16x128xf32, #tpu.memory_space<hbm>>
      %dma_start3A_352 = arith.constant 0 : i32
      %dma_start3A_353 = arith.constant 0 : i32
      %dma_start3A_354 = tpu.memref_slice %arg10[%dma_start3A_345, %dma_start3A_352, %dma_start3A_353] : memref<8x16x128xf32, #tpu.memory_space<vmem>> -> memref<1x16x128xf32, #tpu.memory_space<vmem>>
      %dma_start3A_355 = tpu.memref_squeeze %dma_start3A_354 : memref<1x16x128xf32, #tpu.memory_space<vmem>> -> memref<16x128xf32, #tpu.memory_space<vmem>>
      %dma_start3A_356 = arith.constant 0 : i32
      %dma_start3A_357 = tpu.memref_slice %arg4[%dma_start3A_356, %multiple_of3A_344] : memref<16x1000000xf32, #tpu.memory_space<hbm>> -> memref<16x128xf32, #tpu.memory_space<hbm>>
      tpu.enqueue_dma source(%dma_start3A_357 : memref<16x128xf32, #tpu.memory_space<hbm>>) target(%dma_start3A_355 : memref<16x128xf32, #tpu.memory_space<vmem>>) target_semaphore(%arg15 : memref<!tpu.dma_semaphore, #tpu.memory_space<semaphore_mem>>)
      %slice3A_358 = vector.extract_strided_slice %get3A_337 {offsets = [0], sizes = [1], strides = [1]} : vector<16xi32> to vector<1xi32>
      %squeeze3A_359 = vector.extract %slice3A_358[0] : i32 from vector<1xi32>
      %shift_right_arithmetic3A_360 = arith.constant 7 : i32
      %shift_right_arithmetic3A_361 = arith.shrsi %squeeze3A_359, %shift_right_arithmetic3A_360 : i32
      %shift_left3A_362 = arith.constant 7 : i32
      %shift_left3A_363 = arith.shli %shift_right_arithmetic3A_361, %shift_left3A_362 : i32
      %multiple_of3A_364 = tpu.assume_multiple %shift_left3A_363, 128 : i32
      %dma_start3A_365 = arith.constant 0 : i32
      %dma_start3A_366 = arith.constant 0 : i32
      %dma_start3A_367 = arith.constant 0 : i32
      %dma_start3A_368 = tpu.memref_slice %arg12[%dma_start3A_365, %dma_start3A_366, %dma_start3A_367] : memref<8x16x128xf32, #tpu.memory_space<vmem>> -> memref<1x16x128xf32, #tpu.memory_space<vmem>>
      %dma_start3A_369 = tpu.memref_squeeze %dma_start3A_368 : memref<1x16x128xf32, #tpu.memory_space<vmem>> -> memref<16x128xf32, #tpu.memory_space<vmem>>
      %dma_start3A_370 = arith.constant 0 : i32
      %dma_start3A_371 = tpu.memref_slice %arg5[%dma_start3A_370, %multiple_of3A_364] : memref<16x1000000xf32, #tpu.memory_space<hbm>> -> memref<16x128xf32, #tpu.memory_space<hbm>>
      %dma_start3A_372 = arith.constant 0 : i32
      %dma_start3A_373 = arith.constant 0 : i32
      %dma_start3A_374 = tpu.memref_slice %arg12[%dma_start3A_365, %dma_start3A_372, %dma_start3A_373] : memref<8x16x128xf32, #tpu.memory_space<vmem>> -> memref<1x16x128xf32, #tpu.memory_space<vmem>>
      %dma_start3A_375 = tpu.memref_squeeze %dma_start3A_374 : memref<1x16x128xf32, #tpu.memory_space<vmem>> -> memref<16x128xf32, #tpu.memory_space<vmem>>
      %dma_start3A_376 = arith.constant 0 : i32
      %dma_start3A_377 = tpu.memref_slice %arg5[%dma_start3A_376, %multiple_of3A_364] : memref<16x1000000xf32, #tpu.memory_space<hbm>> -> memref<16x128xf32, #tpu.memory_space<hbm>>
      tpu.enqueue_dma source(%dma_start3A_377 : memref<16x128xf32, #tpu.memory_space<hbm>>) target(%dma_start3A_375 : memref<16x128xf32, #tpu.memory_space<vmem>>) target_semaphore(%arg15 : memref<!tpu.dma_semaphore, #tpu.memory_space<semaphore_mem>>)
      %slice3A_378 = vector.extract_strided_slice %get3A_333 {offsets = [1], sizes = [1], strides = [1]} : vector<16xi32> to vector<1xi32>
      %squeeze3A_379 = vector.extract %slice3A_378[0] : i32 from vector<1xi32>
      %shift_right_arithmetic3A_380 = arith.constant 7 : i32
      %shift_right_arithmetic3A_381 = arith.shrsi %squeeze3A_379, %shift_right_arithmetic3A_380 : i32
      %shift_left3A_382 = arith.constant 7 : i32
      %shift_left3A_383 = arith.shli %shift_right_arithmetic3A_381, %shift_left3A_382 : i32
      %multiple_of3A_384 = tpu.assume_multiple %shift_left3A_383, 128 : i32
      %dma_start3A_385 = arith.constant 1 : i32
      %dma_start3A_386 = arith.constant 0 : i32
      %dma_start3A_387 = arith.constant 0 : i32
      %dma_start3A_388 = tpu.memref_slice %arg10[%dma_start3A_385, %dma_start3A_386, %dma_start3A_387] : memref<8x16x128xf32, #tpu.memory_space<vmem>> -> memref<1x16x128xf32, #tpu.memory_space<vmem>>
      %dma_start3A_389 = tpu.memref_squeeze %dma_start3A_388 : memref<1x16x128xf32, #tpu.memory_space<vmem>> -> memref<16x128xf32, #tpu.memory_space<vmem>>
      %dma_start3A_390 = arith.constant 0 : i32
      %dma_start3A_391 = tpu.memref_slice %arg4[%dma_start3A_390, %multiple_of3A_384] : memref<16x1000000xf32, #tpu.memory_space<hbm>> -> memref<16x128xf32, #tpu.memory_space<hbm>>
      %dma_start3A_392 = arith.constant 0 : i32
      %dma_start3A_393 = arith.constant 0 : i32
      %dma_start3A_394 = tpu.memref_slice %arg10[%dma_start3A_385, %dma_start3A_392, %dma_start3A_393] : memref<8x16x128xf32, #tpu.memory_space<vmem>> -> memref<1x16x128xf32, #tpu.memory_space<vmem>>
      %dma_start3A_395 = tpu.memref_squeeze %dma_start3A_394 : memref<1x16x128xf32, #tpu.memory_space<vmem>> -> memref<16x128xf32, #tpu.memory_space<vmem>>
      %dma_start3A_396 = arith.constant 0 : i32
      %dma_start3A_397 = tpu.memref_slice %arg4[%dma_start3A_396, %multiple_of3A_384] : memref<16x1000000xf32, #tpu.memory_space<hbm>> -> memref<16x128xf32, #tpu.memory_space<hbm>>
      tpu.enqueue_dma source(%dma_start3A_397 : memref<16x128xf32, #tpu.memory_space<hbm>>) target(%dma_start3A_395 : memref<16x128xf32, #tpu.memory_space<vmem>>) target_semaphore(%arg15 : memref<!tpu.dma_semaphore, #tpu.memory_space<semaphore_mem>>)
      %slice3A_398 = vector.extract_strided_slice %get3A_337 {offsets = [1], sizes = [1], strides = [1]} : vector<16xi32> to vector<1xi32>
      %squeeze3A_399 = vector.extract %slice3A_398[0] : i32 from vector<1xi32>
      %shift_right_arithmetic3A_400 = arith.constant 7 : i32
      %shift_right_arithmetic3A_401 = arith.shrsi %squeeze3A_399, %shift_right_arithmetic3A_400 : i32
      %shift_left3A_402 = arith.constant 7 : i32
      %shift_left3A_403 = arith.shli %shift_right_arithmetic3A_401, %shift_left3A_402 : i32
      %multiple_of3A_404 = tpu.assume_multiple %shift_left3A_403, 128 : i32
      %dma_start3A_405 = arith.constant 1 : i32
      %dma_start3A_406 = arith.constant 0 : i32
      %dma_start3A_407 = arith.constant 0 : i32
      %dma_start3A_408 = tpu.memref_slice %arg12[%dma_start3A_405, %dma_start3A_406, %dma_start3A_407] : memref<8x16x128xf32, #tpu.memory_space<vmem>> -> memref<1x16x128xf32, #tpu.memory_space<vmem>>
      %dma_start3A_409 = tpu.memref_squeeze %dma_start3A_408 : memref<1x16x128xf32, #tpu.memory_space<vmem>> -> memref<16x128xf32, #tpu.memory_space<vmem>>
      %dma_start3A_410 = arith.constant 0 : i32
      %dma_start3A_411 = tpu.memref_slice %arg5[%dma_start3A_410, %multiple_of3A_404] : memref<16x1000000xf32, #tpu.memory_space<hbm>> -> memref<16x128xf32, #tpu.memory_space<hbm>>
      %dma_start3A_412 = arith.constant 0 : i32
      %dma_start3A_413 = arith.constant 0 : i32
      %dma_start3A_414 = tpu.memref_slice %arg12[%dma_start3A_405, %dma_start3A_412, %dma_start3A_413] : memref<8x16x128xf32, #tpu.memory_space<vmem>> -> memref<1x16x128xf32, #tpu.memory_space<vmem>>
      %dma_start3A_415 = tpu.memref_squeeze %dma_start3A_414 : memref<1x16x128xf32, #tpu.memory_space<vmem>> -> memref<16x128xf32, #tpu.memory_space<vmem>>
      %dma_start3A_416 = arith.constant 0 : i32
      %dma_start3A_417 = tpu.memref_slice %arg5[%dma_start3A_416, %multiple_of3A_404] : memref<16x1000000xf32, #tpu.memory_space<hbm>> -> memref<16x128xf32, #tpu.memory_space<hbm>>
      tpu.enqueue_dma source(%dma_start3A_417 : memref<16x128xf32, #tpu.memory_space<hbm>>) target(%dma_start3A_415 : memref<16x128xf32, #tpu.memory_space<vmem>>) target_semaphore(%arg15 : memref<!tpu.dma_semaphore, #tpu.memory_space<semaphore_mem>>)
      %slice3A_418 = vector.extract_strided_slice %get3A_333 {offsets = [2], sizes = [1], strides = [1]} : vector<16xi32> to vector<1xi32>
      %squeeze3A_419 = vector.extract %slice3A_418[0] : i32 from vector<1xi32>
      %shift_right_arithmetic3A_420 = arith.constant 7 : i32
      %shift_right_arithmetic3A_421 = arith.shrsi %squeeze3A_419, %shift_right_arithmetic3A_420 : i32
      %shift_left3A_422 = arith.constant 7 : i32
      %shift_left3A_423 = arith.shli %shift_right_arithmetic3A_421, %shift_left3A_422 : i32
      %multiple_of3A_424 = tpu.assume_multiple %shift_left3A_423, 128 : i32
      %dma_start3A_425 = arith.constant 2 : i32
      %dma_start3A_426 = arith.constant 0 : i32
      %dma_start3A_427 = arith.constant 0 : i32
      %dma_start3A_428 = tpu.memref_slice %arg10[%dma_start3A_425, %dma_start3A_426, %dma_start3A_427] : memref<8x16x128xf32, #tpu.memory_space<vmem>> -> memref<1x16x128xf32, #tpu.memory_space<vmem>>
      %dma_start3A_429 = tpu.memref_squeeze %dma_start3A_428 : memref<1x16x128xf32, #tpu.memory_space<vmem>> -> memref<16x128xf32, #tpu.memory_space<vmem>>
      %dma_start3A_430 = arith.constant 0 : i32
      %dma_start3A_431 = tpu.memref_slice %arg4[%dma_start3A_430, %multiple_of3A_424] : memref<16x1000000xf32, #tpu.memory_space<hbm>> -> memref<16x128xf32, #tpu.memory_space<hbm>>
      %dma_start3A_432 = arith.constant 0 : i32
      %dma_start3A_433 = arith.constant 0 : i32
      %dma_start3A_434 = tpu.memref_slice %arg10[%dma_start3A_425, %dma_start3A_432, %dma_start3A_433] : memref<8x16x128xf32, #tpu.memory_space<vmem>> -> memref<1x16x128xf32, #tpu.memory_space<vmem>>
      %dma_start3A_435 = tpu.memref_squeeze %dma_start3A_434 : memref<1x16x128xf32, #tpu.memory_space<vmem>> -> memref<16x128xf32, #tpu.memory_space<vmem>>
      %dma_start3A_436 = arith.constant 0 : i32
      %dma_start3A_437 = tpu.memref_slice %arg4[%dma_start3A_436, %multiple_of3A_424] : memref<16x1000000xf32, #tpu.memory_space<hbm>> -> memref<16x128xf32, #tpu.memory_space<hbm>>
      tpu.enqueue_dma source(%dma_start3A_437 : memref<16x128xf32, #tpu.memory_space<hbm>>) target(%dma_start3A_435 : memref<16x128xf32, #tpu.memory_space<vmem>>) target_semaphore(%arg15 : memref<!tpu.dma_semaphore, #tpu.memory_space<semaphore_mem>>)
      %slice3A_438 = vector.extract_strided_slice %get3A_337 {offsets = [2], sizes = [1], strides = [1]} : vector<16xi32> to vector<1xi32>
      %squeeze3A_439 = vector.extract %slice3A_438[0] : i32 from vector<1xi32>
      %shift_right_arithmetic3A_440 = arith.constant 7 : i32
      %shift_right_arithmetic3A_441 = arith.shrsi %squeeze3A_439, %shift_right_arithmetic3A_440 : i32
      %shift_left3A_442 = arith.constant 7 : i32
      %shift_left3A_443 = arith.shli %shift_right_arithmetic3A_441, %shift_left3A_442 : i32
      %multiple_of3A_444 = tpu.assume_multiple %shift_left3A_443, 128 : i32
      %dma_start3A_445 = arith.constant 2 : i32
      %dma_start3A_446 = arith.constant 0 : i32
      %dma_start3A_447 = arith.constant 0 : i32
      %dma_start3A_448 = tpu.memref_slice %arg12[%dma_start3A_445, %dma_start3A_446, %dma_start3A_447] : memref<8x16x128xf32, #tpu.memory_space<vmem>> -> memref<1x16x128xf32, #tpu.memory_space<vmem>>
      %dma_start3A_449 = tpu.memref_squeeze %dma_start3A_448 : memref<1x16x128xf32, #tpu.memory_space<vmem>> -> memref<16x128xf32, #tpu.memory_space<vmem>>
      %dma_start3A_450 = arith.constant 0 : i32
      %dma_start3A_451 = tpu.memref_slice %arg5[%dma_start3A_450, %multiple_of3A_444] : memref<16x1000000xf32, #tpu.memory_space<hbm>> -> memref<16x128xf32, #tpu.memory_space<hbm>>
      %dma_start3A_452 = arith.constant 0 : i32
      %dma_start3A_453 = arith.constant 0 : i32
      %dma_start3A_454 = tpu.memref_slice %arg12[%dma_start3A_445, %dma_start3A_452, %dma_start3A_453] : memref<8x16x128xf32, #tpu.memory_space<vmem>> -> memref<1x16x128xf32, #tpu.memory_space<vmem>>
      %dma_start3A_455 = tpu.memref_squeeze %dma_start3A_454 : memref<1x16x128xf32, #tpu.memory_space<vmem>> -> memref<16x128xf32, #tpu.memory_space<vmem>>
      %dma_start3A_456 = arith.constant 0 : i32
      %dma_start3A_457 = tpu.memref_slice %arg5[%dma_start3A_456, %multiple_of3A_444] : memref<16x1000000xf32, #tpu.memory_space<hbm>> -> memref<16x128xf32, #tpu.memory_space<hbm>>
      tpu.enqueue_dma source(%dma_start3A_457 : memref<16x128xf32, #tpu.memory_space<hbm>>) target(%dma_start3A_455 : memref<16x128xf32, #tpu.memory_space<vmem>>) target_semaphore(%arg15 : memref<!tpu.dma_semaphore, #tpu.memory_space<semaphore_mem>>)
      %slice3A_458 = vector.extract_strided_slice %get3A_333 {offsets = [3], sizes = [1], strides = [1]} : vector<16xi32> to vector<1xi32>
      %squeeze3A_459 = vector.extract %slice3A_458[0] : i32 from vector<1xi32>
      %shift_right_arithmetic3A_460 = arith.constant 7 : i32
      %shift_right_arithmetic3A_461 = arith.shrsi %squeeze3A_459, %shift_right_arithmetic3A_460 : i32
      %shift_left3A_462 = arith.constant 7 : i32
      %shift_left3A_463 = arith.shli %shift_right_arithmetic3A_461, %shift_left3A_462 : i32
      %multiple_of3A_464 = tpu.assume_multiple %shift_left3A_463, 128 : i32
      %dma_start3A_465 = arith.constant 3 : i32
      %dma_start3A_466 = arith.constant 0 : i32
      %dma_start3A_467 = arith.constant 0 : i32
      %dma_start3A_468 = tpu.memref_slice %arg10[%dma_start3A_465, %dma_start3A_466, %dma_start3A_467] : memref<8x16x128xf32, #tpu.memory_space<vmem>> -> memref<1x16x128xf32, #tpu.memory_space<vmem>>
      %dma_start3A_469 = tpu.memref_squeeze %dma_start3A_468 : memref<1x16x128xf32, #tpu.memory_space<vmem>> -> memref<16x128xf32, #tpu.memory_space<vmem>>
      %dma_start3A_470 = arith.constant 0 : i32
      %dma_start3A_471 = tpu.memref_slice %arg4[%dma_start3A_470, %multiple_of3A_464] : memref<16x1000000xf32, #tpu.memory_space<hbm>> -> memref<16x128xf32, #tpu.memory_space<hbm>>
      %dma_start3A_472 = arith.constant 0 : i32
      %dma_start3A_473 = arith.constant 0 : i32
      %dma_start3A_474 = tpu.memref_slice %arg10[%dma_start3A_465, %dma_start3A_472, %dma_start3A_473] : memref<8x16x128xf32, #tpu.memory_space<vmem>> -> memref<1x16x128xf32, #tpu.memory_space<vmem>>
      %dma_start3A_475 = tpu.memref_squeeze %dma_start3A_474 : memref<1x16x128xf32, #tpu.memory_space<vmem>> -> memref<16x128xf32, #tpu.memory_space<vmem>>
      %dma_start3A_476 = arith.constant 0 : i32
      %dma_start3A_477 = tpu.memref_slice %arg4[%dma_start3A_476, %multiple_of3A_464] : memref<16x1000000xf32, #tpu.memory_space<hbm>> -> memref<16x128xf32, #tpu.memory_space<hbm>>
      tpu.enqueue_dma source(%dma_start3A_477 : memref<16x128xf32, #tpu.memory_space<hbm>>) target(%dma_start3A_475 : memref<16x128xf32, #tpu.memory_space<vmem>>) target_semaphore(%arg15 : memref<!tpu.dma_semaphore, #tpu.memory_space<semaphore_mem>>)
      %slice3A_478 = vector.extract_strided_slice %get3A_337 {offsets = [3], sizes = [1], strides = [1]} : vector<16xi32> to vector<1xi32>
      %squeeze3A_479 = vector.extract %slice3A_478[0] : i32 from vector<1xi32>
      %shift_right_arithmetic3A_480 = arith.constant 7 : i32
      %shift_right_arithmetic3A_481 = arith.shrsi %squeeze3A_479, %shift_right_arithmetic3A_480 : i32
      %shift_left3A_482 = arith.constant 7 : i32
      %shift_left3A_483 = arith.shli %shift_right_arithmetic3A_481, %shift_left3A_482 : i32
      %multiple_of3A_484 = tpu.assume_multiple %shift_left3A_483, 128 : i32
      %dma_start3A_485 = arith.constant 3 : i32
      %dma_start3A_486 = arith.constant 0 : i32
      %dma_start3A_487 = arith.constant 0 : i32
      %dma_start3A_488 = tpu.memref_slice %arg12[%dma_start3A_485, %dma_start3A_486, %dma_start3A_487] : memref<8x16x128xf32, #tpu.memory_space<vmem>> -> memref<1x16x128xf32, #tpu.memory_space<vmem>>
      %dma_start3A_489 = tpu.memref_squeeze %dma_start3A_488 : memref<1x16x128xf32, #tpu.memory_space<vmem>> -> memref<16x128xf32, #tpu.memory_space<vmem>>
      %dma_start3A_490 = arith.constant 0 : i32
      %dma_start3A_491 = tpu.memref_slice %arg5[%dma_start3A_490, %multiple_of3A_484] : memref<16x1000000xf32, #tpu.memory_space<hbm>> -> memref<16x128xf32, #tpu.memory_space<hbm>>
      %dma_start3A_492 = arith.constant 0 : i32
      %dma_start3A_493 = arith.constant 0 : i32
      %dma_start3A_494 = tpu.memref_slice %arg12[%dma_start3A_485, %dma_start3A_492, %dma_start3A_493] : memref<8x16x128xf32, #tpu.memory_space<vmem>> -> memref<1x16x128xf32, #tpu.memory_space<vmem>>
      %dma_start3A_495 = tpu.memref_squeeze %dma_start3A_494 : memref<1x16x128xf32, #tpu.memory_space<vmem>> -> memref<16x128xf32, #tpu.memory_space<vmem>>
      %dma_start3A_496 = arith.constant 0 : i32
      %dma_start3A_497 = tpu.memref_slice %arg5[%dma_start3A_496, %multiple_of3A_484] : memref<16x1000000xf32, #tpu.memory_space<hbm>> -> memref<16x128xf32, #tpu.memory_space<hbm>>
      tpu.enqueue_dma source(%dma_start3A_497 : memref<16x128xf32, #tpu.memory_space<hbm>>) target(%dma_start3A_495 : memref<16x128xf32, #tpu.memory_space<vmem>>) target_semaphore(%arg15 : memref<!tpu.dma_semaphore, #tpu.memory_space<semaphore_mem>>)
      %slice3A_498 = vector.extract_strided_slice %get3A_333 {offsets = [4], sizes = [1], strides = [1]} : vector<16xi32> to vector<1xi32>
      %squeeze3A_499 = vector.extract %slice3A_498[0] : i32 from vector<1xi32>
      %shift_right_arithmetic3A_500 = arith.constant 7 : i32
      %shift_right_arithmetic3A_501 = arith.shrsi %squeeze3A_499, %shift_right_arithmetic3A_500 : i32
      %shift_left3A_502 = arith.constant 7 : i32
      %shift_left3A_503 = arith.shli %shift_right_arithmetic3A_501, %shift_left3A_502 : i32
      %multiple_of3A_504 = tpu.assume_multiple %shift_left3A_503, 128 : i32
      %dma_start3A_505 = arith.constant 4 : i32
      %dma_start3A_506 = arith.constant 0 : i32
      %dma_start3A_507 = arith.constant 0 : i32
      %dma_start3A_508 = tpu.memref_slice %arg10[%dma_start3A_505, %dma_start3A_506, %dma_start3A_507] : memref<8x16x128xf32, #tpu.memory_space<vmem>> -> memref<1x16x128xf32, #tpu.memory_space<vmem>>
      %dma_start3A_509 = tpu.memref_squeeze %dma_start3A_508 : memref<1x16x128xf32, #tpu.memory_space<vmem>> -> memref<16x128xf32, #tpu.memory_space<vmem>>
      %dma_start3A_510 = arith.constant 0 : i32
      %dma_start3A_511 = tpu.memref_slice %arg4[%dma_start3A_510, %multiple_of3A_504] : memref<16x1000000xf32, #tpu.memory_space<hbm>> -> memref<16x128xf32, #tpu.memory_space<hbm>>
      %dma_start3A_512 = arith.constant 0 : i32
      %dma_start3A_513 = arith.constant 0 : i32
      %dma_start3A_514 = tpu.memref_slice %arg10[%dma_start3A_505, %dma_start3A_512, %dma_start3A_513] : memref<8x16x128xf32, #tpu.memory_space<vmem>> -> memref<1x16x128xf32, #tpu.memory_space<vmem>>
      %dma_start3A_515 = tpu.memref_squeeze %dma_start3A_514 : memref<1x16x128xf32, #tpu.memory_space<vmem>> -> memref<16x128xf32, #tpu.memory_space<vmem>>
      %dma_start3A_516 = arith.constant 0 : i32
      %dma_start3A_517 = tpu.memref_slice %arg4[%dma_start3A_516, %multiple_of3A_504] : memref<16x1000000xf32, #tpu.memory_space<hbm>> -> memref<16x128xf32, #tpu.memory_space<hbm>>
      tpu.enqueue_dma source(%dma_start3A_517 : memref<16x128xf32, #tpu.memory_space<hbm>>) target(%dma_start3A_515 : memref<16x128xf32, #tpu.memory_space<vmem>>) target_semaphore(%arg15 : memref<!tpu.dma_semaphore, #tpu.memory_space<semaphore_mem>>)
      %slice3A_518 = vector.extract_strided_slice %get3A_337 {offsets = [4], sizes = [1], strides = [1]} : vector<16xi32> to vector<1xi32>
      %squeeze3A_519 = vector.extract %slice3A_518[0] : i32 from vector<1xi32>
      %shift_right_arithmetic3A_520 = arith.constant 7 : i32
      %shift_right_arithmetic3A_521 = arith.shrsi %squeeze3A_519, %shift_right_arithmetic3A_520 : i32
      %shift_left3A_522 = arith.constant 7 : i32
      %shift_left3A_523 = arith.shli %shift_right_arithmetic3A_521, %shift_left3A_522 : i32
      %multiple_of3A_524 = tpu.assume_multiple %shift_left3A_523, 128 : i32
      %dma_start3A_525 = arith.constant 4 : i32
      %dma_start3A_526 = arith.constant 0 : i32
      %dma_start3A_527 = arith.constant 0 : i32
      %dma_start3A_528 = tpu.memref_slice %arg12[%dma_start3A_525, %dma_start3A_526, %dma_start3A_527] : memref<8x16x128xf32, #tpu.memory_space<vmem>> -> memref<1x16x128xf32, #tpu.memory_space<vmem>>
      %dma_start3A_529 = tpu.memref_squeeze %dma_start3A_528 : memref<1x16x128xf32, #tpu.memory_space<vmem>> -> memref<16x128xf32, #tpu.memory_space<vmem>>
      %dma_start3A_530 = arith.constant 0 : i32
      %dma_start3A_531 = tpu.memref_slice %arg5[%dma_start3A_530, %multiple_of3A_524] : memref<16x1000000xf32, #tpu.memory_space<hbm>> -> memref<16x128xf32, #tpu.memory_space<hbm>>
      %dma_start3A_532 = arith.constant 0 : i32
      %dma_start3A_533 = arith.constant 0 : i32
      %dma_start3A_534 = tpu.memref_slice %arg12[%dma_start3A_525, %dma_start3A_532, %dma_start3A_533] : memref<8x16x128xf32, #tpu.memory_space<vmem>> -> memref<1x16x128xf32, #tpu.memory_space<vmem>>
      %dma_start3A_535 = tpu.memref_squeeze %dma_start3A_534 : memref<1x16x128xf32, #tpu.memory_space<vmem>> -> memref<16x128xf32, #tpu.memory_space<vmem>>
      %dma_start3A_536 = arith.constant 0 : i32
      %dma_start3A_537 = tpu.memref_slice %arg5[%dma_start3A_536, %multiple_of3A_524] : memref<16x1000000xf32, #tpu.memory_space<hbm>> -> memref<16x128xf32, #tpu.memory_space<hbm>>
      tpu.enqueue_dma source(%dma_start3A_537 : memref<16x128xf32, #tpu.memory_space<hbm>>) target(%dma_start3A_535 : memref<16x128xf32, #tpu.memory_space<vmem>>) target_semaphore(%arg15 : memref<!tpu.dma_semaphore, #tpu.memory_space<semaphore_mem>>)
      %slice3A_538 = vector.extract_strided_slice %get3A_333 {offsets = [5], sizes = [1], strides = [1]} : vector<16xi32> to vector<1xi32>
      %squeeze3A_539 = vector.extract %slice3A_538[0] : i32 from vector<1xi32>
      %shift_right_arithmetic3A_540 = arith.constant 7 : i32
      %shift_right_arithmetic3A_541 = arith.shrsi %squeeze3A_539, %shift_right_arithmetic3A_540 : i32
      %shift_left3A_542 = arith.constant 7 : i32
      %shift_left3A_543 = arith.shli %shift_right_arithmetic3A_541, %shift_left3A_542 : i32
      %multiple_of3A_544 = tpu.assume_multiple %shift_left3A_543, 128 : i32
      %dma_start3A_545 = arith.constant 5 : i32
      %dma_start3A_546 = arith.constant 0 : i32
      %dma_start3A_547 = arith.constant 0 : i32
      %dma_start3A_548 = tpu.memref_slice %arg10[%dma_start3A_545, %dma_start3A_546, %dma_start3A_547] : memref<8x16x128xf32, #tpu.memory_space<vmem>> -> memref<1x16x128xf32, #tpu.memory_space<vmem>>
      %dma_start3A_549 = tpu.memref_squeeze %dma_start3A_548 : memref<1x16x128xf32, #tpu.memory_space<vmem>> -> memref<16x128xf32, #tpu.memory_space<vmem>>
      %dma_start3A_550 = arith.constant 0 : i32
      %dma_start3A_551 = tpu.memref_slice %arg4[%dma_start3A_550, %multiple_of3A_544] : memref<16x1000000xf32, #tpu.memory_space<hbm>> -> memref<16x128xf32, #tpu.memory_space<hbm>>
      %dma_start3A_552 = arith.constant 0 : i32
      %dma_start3A_553 = arith.constant 0 : i32
      %dma_start3A_554 = tpu.memref_slice %arg10[%dma_start3A_545, %dma_start3A_552, %dma_start3A_553] : memref<8x16x128xf32, #tpu.memory_space<vmem>> -> memref<1x16x128xf32, #tpu.memory_space<vmem>>
      %dma_start3A_555 = tpu.memref_squeeze %dma_start3A_554 : memref<1x16x128xf32, #tpu.memory_space<vmem>> -> memref<16x128xf32, #tpu.memory_space<vmem>>
      %dma_start3A_556 = arith.constant 0 : i32
      %dma_start3A_557 = tpu.memref_slice %arg4[%dma_start3A_556, %multiple_of3A_544] : memref<16x1000000xf32, #tpu.memory_space<hbm>> -> memref<16x128xf32, #tpu.memory_space<hbm>>
      tpu.enqueue_dma source(%dma_start3A_557 : memref<16x128xf32, #tpu.memory_space<hbm>>) target(%dma_start3A_555 : memref<16x128xf32, #tpu.memory_space<vmem>>) target_semaphore(%arg15 : memref<!tpu.dma_semaphore, #tpu.memory_space<semaphore_mem>>)
      %slice3A_558 = vector.extract_strided_slice %get3A_337 {offsets = [5], sizes = [1], strides = [1]} : vector<16xi32> to vector<1xi32>
      %squeeze3A_559 = vector.extract %slice3A_558[0] : i32 from vector<1xi32>
      %shift_right_arithmetic3A_560 = arith.constant 7 : i32
      %shift_right_arithmetic3A_561 = arith.shrsi %squeeze3A_559, %shift_right_arithmetic3A_560 : i32
      %shift_left3A_562 = arith.constant 7 : i32
      %shift_left3A_563 = arith.shli %shift_right_arithmetic3A_561, %shift_left3A_562 : i32
      %multiple_of3A_564 = tpu.assume_multiple %shift_left3A_563, 128 : i32
      %dma_start3A_565 = arith.constant 5 : i32
      %dma_start3A_566 = arith.constant 0 : i32
      %dma_start3A_567 = arith.constant 0 : i32
      %dma_start3A_568 = tpu.memref_slice %arg12[%dma_start3A_565, %dma_start3A_566, %dma_start3A_567] : memref<8x16x128xf32, #tpu.memory_space<vmem>> -> memref<1x16x128xf32, #tpu.memory_space<vmem>>
      %dma_start3A_569 = tpu.memref_squeeze %dma_start3A_568 : memref<1x16x128xf32, #tpu.memory_space<vmem>> -> memref<16x128xf32, #tpu.memory_space<vmem>>
      %dma_start3A_570 = arith.constant 0 : i32
      %dma_start3A_571 = tpu.memref_slice %arg5[%dma_start3A_570, %multiple_of3A_564] : memref<16x1000000xf32, #tpu.memory_space<hbm>> -> memref<16x128xf32, #tpu.memory_space<hbm>>
      %dma_start3A_572 = arith.constant 0 : i32
      %dma_start3A_573 = arith.constant 0 : i32
      %dma_start3A_574 = tpu.memref_slice %arg12[%dma_start3A_565, %dma_start3A_572, %dma_start3A_573] : memref<8x16x128xf32, #tpu.memory_space<vmem>> -> memref<1x16x128xf32, #tpu.memory_space<vmem>>
      %dma_start3A_575 = tpu.memref_squeeze %dma_start3A_574 : memref<1x16x128xf32, #tpu.memory_space<vmem>> -> memref<16x128xf32, #tpu.memory_space<vmem>>
      %dma_start3A_576 = arith.constant 0 : i32
      %dma_start3A_577 = tpu.memref_slice %arg5[%dma_start3A_576, %multiple_of3A_564] : memref<16x1000000xf32, #tpu.memory_space<hbm>> -> memref<16x128xf32, #tpu.memory_space<hbm>>
      tpu.enqueue_dma source(%dma_start3A_577 : memref<16x128xf32, #tpu.memory_space<hbm>>) target(%dma_start3A_575 : memref<16x128xf32, #tpu.memory_space<vmem>>) target_semaphore(%arg15 : memref<!tpu.dma_semaphore, #tpu.memory_space<semaphore_mem>>)
      %slice3A_578 = vector.extract_strided_slice %get3A_333 {offsets = [6], sizes = [1], strides = [1]} : vector<16xi32> to vector<1xi32>
      %squeeze3A_579 = vector.extract %slice3A_578[0] : i32 from vector<1xi32>
      %shift_right_arithmetic3A_580 = arith.constant 7 : i32
      %shift_right_arithmetic3A_581 = arith.shrsi %squeeze3A_579, %shift_right_arithmetic3A_580 : i32
      %shift_left3A_582 = arith.constant 7 : i32
      %shift_left3A_583 = arith.shli %shift_right_arithmetic3A_581, %shift_left3A_582 : i32
      %multiple_of3A_584 = tpu.assume_multiple %shift_left3A_583, 128 : i32
      %dma_start3A_585 = arith.constant 6 : i32
      %dma_start3A_586 = arith.constant 0 : i32
      %dma_start3A_587 = arith.constant 0 : i32
      %dma_start3A_588 = tpu.memref_slice %arg10[%dma_start3A_585, %dma_start3A_586, %dma_start3A_587] : memref<8x16x128xf32, #tpu.memory_space<vmem>> -> memref<1x16x128xf32, #tpu.memory_space<vmem>>
      %dma_start3A_589 = tpu.memref_squeeze %dma_start3A_588 : memref<1x16x128xf32, #tpu.memory_space<vmem>> -> memref<16x128xf32, #tpu.memory_space<vmem>>
      %dma_start3A_590 = arith.constant 0 : i32
      %dma_start3A_591 = tpu.memref_slice %arg4[%dma_start3A_590, %multiple_of3A_584] : memref<16x1000000xf32, #tpu.memory_space<hbm>> -> memref<16x128xf32, #tpu.memory_space<hbm>>
      %dma_start3A_592 = arith.constant 0 : i32
      %dma_start3A_593 = arith.constant 0 : i32
      %dma_start3A_594 = tpu.memref_slice %arg10[%dma_start3A_585, %dma_start3A_592, %dma_start3A_593] : memref<8x16x128xf32, #tpu.memory_space<vmem>> -> memref<1x16x128xf32, #tpu.memory_space<vmem>>
      %dma_start3A_595 = tpu.memref_squeeze %dma_start3A_594 : memref<1x16x128xf32, #tpu.memory_space<vmem>> -> memref<16x128xf32, #tpu.memory_space<vmem>>
      %dma_start3A_596 = arith.constant 0 : i32
      %dma_start3A_597 = tpu.memref_slice %arg4[%dma_start3A_596, %multiple_of3A_584] : memref<16x1000000xf32, #tpu.memory_space<hbm>> -> memref<16x128xf32, #tpu.memory_space<hbm>>
      tpu.enqueue_dma source(%dma_start3A_597 : memref<16x128xf32, #tpu.memory_space<hbm>>) target(%dma_start3A_595 : memref<16x128xf32, #tpu.memory_space<vmem>>) target_semaphore(%arg15 : memref<!tpu.dma_semaphore, #tpu.memory_space<semaphore_mem>>)
      %slice3A_598 = vector.extract_strided_slice %get3A_337 {offsets = [6], sizes = [1], strides = [1]} : vector<16xi32> to vector<1xi32>
      %squeeze3A_599 = vector.extract %slice3A_598[0] : i32 from vector<1xi32>
      %shift_right_arithmetic3A_600 = arith.constant 7 : i32
      %shift_right_arithmetic3A_601 = arith.shrsi %squeeze3A_599, %shift_right_arithmetic3A_600 : i32
      %shift_left3A_602 = arith.constant 7 : i32
      %shift_left3A_603 = arith.shli %shift_right_arithmetic3A_601, %shift_left3A_602 : i32
      %multiple_of3A_604 = tpu.assume_multiple %shift_left3A_603, 128 : i32
      %dma_start3A_605 = arith.constant 6 : i32
      %dma_start3A_606 = arith.constant 0 : i32
      %dma_start3A_607 = arith.constant 0 : i32
      %dma_start3A_608 = tpu.memref_slice %arg12[%dma_start3A_605, %dma_start3A_606, %dma_start3A_607] : memref<8x16x128xf32, #tpu.memory_space<vmem>> -> memref<1x16x128xf32, #tpu.memory_space<vmem>>
      %dma_start3A_609 = tpu.memref_squeeze %dma_start3A_608 : memref<1x16x128xf32, #tpu.memory_space<vmem>> -> memref<16x128xf32, #tpu.memory_space<vmem>>
      %dma_start3A_610 = arith.constant 0 : i32
      %dma_start3A_611 = tpu.memref_slice %arg5[%dma_start3A_610, %multiple_of3A_604] : memref<16x1000000xf32, #tpu.memory_space<hbm>> -> memref<16x128xf32, #tpu.memory_space<hbm>>
      %dma_start3A_612 = arith.constant 0 : i32
      %dma_start3A_613 = arith.constant 0 : i32
      %dma_start3A_614 = tpu.memref_slice %arg12[%dma_start3A_605, %dma_start3A_612, %dma_start3A_613] : memref<8x16x128xf32, #tpu.memory_space<vmem>> -> memref<1x16x128xf32, #tpu.memory_space<vmem>>
      %dma_start3A_615 = tpu.memref_squeeze %dma_start3A_614 : memref<1x16x128xf32, #tpu.memory_space<vmem>> -> memref<16x128xf32, #tpu.memory_space<vmem>>
      %dma_start3A_616 = arith.constant 0 : i32
      %dma_start3A_617 = tpu.memref_slice %arg5[%dma_start3A_616, %multiple_of3A_604] : memref<16x1000000xf32, #tpu.memory_space<hbm>> -> memref<16x128xf32, #tpu.memory_space<hbm>>
      tpu.enqueue_dma source(%dma_start3A_617 : memref<16x128xf32, #tpu.memory_space<hbm>>) target(%dma_start3A_615 : memref<16x128xf32, #tpu.memory_space<vmem>>) target_semaphore(%arg15 : memref<!tpu.dma_semaphore, #tpu.memory_space<semaphore_mem>>)
      %slice3A_618 = vector.extract_strided_slice %get3A_333 {offsets = [7], sizes = [1], strides = [1]} : vector<16xi32> to vector<1xi32>
      %squeeze3A_619 = vector.extract %slice3A_618[0] : i32 from vector<1xi32>
      %shift_right_arithmetic3A_620 = arith.constant 7 : i32
      %shift_right_arithmetic3A_621 = arith.shrsi %squeeze3A_619, %shift_right_arithmetic3A_620 : i32
      %shift_left3A_622 = arith.constant 7 : i32
      %shift_left3A_623 = arith.shli %shift_right_arithmetic3A_621, %shift_left3A_622 : i32
      %multiple_of3A_624 = tpu.assume_multiple %shift_left3A_623, 128 : i32
      %dma_start3A_625 = arith.constant 7 : i32
      %dma_start3A_626 = arith.constant 0 : i32
      %dma_start3A_627 = arith.constant 0 : i32
      %dma_start3A_628 = tpu.memref_slice %arg10[%dma_start3A_625, %dma_start3A_626, %dma_start3A_627] : memref<8x16x128xf32, #tpu.memory_space<vmem>> -> memref<1x16x128xf32, #tpu.memory_space<vmem>>
      %dma_start3A_629 = tpu.memref_squeeze %dma_start3A_628 : memref<1x16x128xf32, #tpu.memory_space<vmem>> -> memref<16x128xf32, #tpu.memory_space<vmem>>
      %dma_start3A_630 = arith.constant 0 : i32
      %dma_start3A_631 = tpu.memref_slice %arg4[%dma_start3A_630, %multiple_of3A_624] : memref<16x1000000xf32, #tpu.memory_space<hbm>> -> memref<16x128xf32, #tpu.memory_space<hbm>>
      %dma_start3A_632 = arith.constant 0 : i32
      %dma_start3A_633 = arith.constant 0 : i32
      %dma_start3A_634 = tpu.memref_slice %arg10[%dma_start3A_625, %dma_start3A_632, %dma_start3A_633] : memref<8x16x128xf32, #tpu.memory_space<vmem>> -> memref<1x16x128xf32, #tpu.memory_space<vmem>>
      %dma_start3A_635 = tpu.memref_squeeze %dma_start3A_634 : memref<1x16x128xf32, #tpu.memory_space<vmem>> -> memref<16x128xf32, #tpu.memory_space<vmem>>
      %dma_start3A_636 = arith.constant 0 : i32
      %dma_start3A_637 = tpu.memref_slice %arg4[%dma_start3A_636, %multiple_of3A_624] : memref<16x1000000xf32, #tpu.memory_space<hbm>> -> memref<16x128xf32, #tpu.memory_space<hbm>>
      tpu.enqueue_dma source(%dma_start3A_637 : memref<16x128xf32, #tpu.memory_space<hbm>>) target(%dma_start3A_635 : memref<16x128xf32, #tpu.memory_space<vmem>>) target_semaphore(%arg15 : memref<!tpu.dma_semaphore, #tpu.memory_space<semaphore_mem>>)
      %slice3A_638 = vector.extract_strided_slice %get3A_337 {offsets = [7], sizes = [1], strides = [1]} : vector<16xi32> to vector<1xi32>
      %squeeze3A_639 = vector.extract %slice3A_638[0] : i32 from vector<1xi32>
      %shift_right_arithmetic3A_640 = arith.constant 7 : i32
      %shift_right_arithmetic3A_641 = arith.shrsi %squeeze3A_639, %shift_right_arithmetic3A_640 : i32
      %shift_left3A_642 = arith.constant 7 : i32
      %shift_left3A_643 = arith.shli %shift_right_arithmetic3A_641, %shift_left3A_642 : i32
      %multiple_of3A_644 = tpu.assume_multiple %shift_left3A_643, 128 : i32
      %dma_start3A_645 = arith.constant 7 : i32
      %dma_start3A_646 = arith.constant 0 : i32
      %dma_start3A_647 = arith.constant 0 : i32
      %dma_start3A_648 = tpu.memref_slice %arg12[%dma_start3A_645, %dma_start3A_646, %dma_start3A_647] : memref<8x16x128xf32, #tpu.memory_space<vmem>> -> memref<1x16x128xf32, #tpu.memory_space<vmem>>
      %dma_start3A_649 = tpu.memref_squeeze %dma_start3A_648 : memref<1x16x128xf32, #tpu.memory_space<vmem>> -> memref<16x128xf32, #tpu.memory_space<vmem>>
      %dma_start3A_650 = arith.constant 0 : i32
      %dma_start3A_651 = tpu.memref_slice %arg5[%dma_start3A_650, %multiple_of3A_644] : memref<16x1000000xf32, #tpu.memory_space<hbm>> -> memref<16x128xf32, #tpu.memory_space<hbm>>
      %dma_start3A_652 = arith.constant 0 : i32
      %dma_start3A_653 = arith.constant 0 : i32
      %dma_start3A_654 = tpu.memref_slice %arg12[%dma_start3A_645, %dma_start3A_652, %dma_start3A_653] : memref<8x16x128xf32, #tpu.memory_space<vmem>> -> memref<1x16x128xf32, #tpu.memory_space<vmem>>
      %dma_start3A_655 = tpu.memref_squeeze %dma_start3A_654 : memref<1x16x128xf32, #tpu.memory_space<vmem>> -> memref<16x128xf32, #tpu.memory_space<vmem>>
      %dma_start3A_656 = arith.constant 0 : i32
      %dma_start3A_657 = tpu.memref_slice %arg5[%dma_start3A_656, %multiple_of3A_644] : memref<16x1000000xf32, #tpu.memory_space<hbm>> -> memref<16x128xf32, #tpu.memory_space<hbm>>
      tpu.enqueue_dma source(%dma_start3A_657 : memref<16x128xf32, #tpu.memory_space<hbm>>) target(%dma_start3A_655 : memref<16x128xf32, #tpu.memory_space<vmem>>) target_semaphore(%arg15 : memref<!tpu.dma_semaphore, #tpu.memory_space<semaphore_mem>>)
      %mul3A_658 = arith.constant 2 : i32
      %mul3A_659 = arith.muli %mul3A_658, %scan3A_325 : i32
      %dma_wait3A = arith.constant 0 : i32
      %dma_wait3A_660 = arith.constant 0 : i32
      %dma_wait3A_661 = arith.constant 0 : i32
      %dma_wait3A_662 = tpu.memref_slice %arg9[%dma_wait3A, %dma_wait3A_660, %dma_wait3A_661] : memref<8x16x128xf32, #tpu.memory_space<vmem>> -> memref<1x16x128xf32, #tpu.memory_space<vmem>>
      %dma_wait3A_663 = tpu.memref_squeeze %dma_wait3A_662 : memref<1x16x128xf32, #tpu.memory_space<vmem>> -> memref<16x128xf32, #tpu.memory_space<vmem>>
      %dma_wait3A_664 = arith.constant 0 : i32
      %dma_wait3A_665 = arith.constant 0 : i32
      %dma_wait3A_666 = tpu.memref_slice %arg4[%dma_wait3A_664, %dma_wait3A_665] : memref<16x1000000xf32, #tpu.memory_space<hbm>> -> memref<16x128xf32, #tpu.memory_space<hbm>>
      %dma_wait3A_667 = arith.constant 0 : i32
      %dma_wait3A_668 = arith.constant 0 : i32
      %dma_wait3A_669 = tpu.memref_slice %arg9[%dma_wait3A, %dma_wait3A_667, %dma_wait3A_668] : memref<8x16x128xf32, #tpu.memory_space<vmem>> -> memref<1x16x128xf32, #tpu.memory_space<vmem>>
      %dma_wait3A_670 = tpu.memref_squeeze %dma_wait3A_669 : memref<1x16x128xf32, #tpu.memory_space<vmem>> -> memref<16x128xf32, #tpu.memory_space<vmem>>
      %dma_wait3A_671 = arith.constant 0 : i32
      %dma_wait3A_672 = arith.constant 0 : i32
      %dma_wait3A_673 = tpu.memref_slice %arg4[%dma_wait3A_671, %dma_wait3A_672] : memref<16x1000000xf32, #tpu.memory_space<hbm>> -> memref<16x128xf32, #tpu.memory_space<hbm>>
      tpu.wait_dma2 semaphore(%arg14 : memref<!tpu.dma_semaphore, #tpu.memory_space<semaphore_mem>>) src(%dma_wait3A_673 : memref<16x128xf32, #tpu.memory_space<hbm>>) dst(%dma_wait3A_670 : memref<16x128xf32, #tpu.memory_space<vmem>>)
      %dma_wait3A_674 = arith.constant 0 : i32
      %dma_wait3A_675 = arith.constant 0 : i32
      %dma_wait3A_676 = arith.constant 0 : i32
      %dma_wait3A_677 = tpu.memref_slice %arg11[%dma_wait3A_674, %dma_wait3A_675, %dma_wait3A_676] : memref<8x16x128xf32, #tpu.memory_space<vmem>> -> memref<1x16x128xf32, #tpu.memory_space<vmem>>
      %dma_wait3A_678 = tpu.memref_squeeze %dma_wait3A_677 : memref<1x16x128xf32, #tpu.memory_space<vmem>> -> memref<16x128xf32, #tpu.memory_space<vmem>>
      %dma_wait3A_679 = arith.constant 0 : i32
      %dma_wait3A_680 = arith.constant 0 : i32
      %dma_wait3A_681 = tpu.memref_slice %arg5[%dma_wait3A_679, %dma_wait3A_680] : memref<16x1000000xf32, #tpu.memory_space<hbm>> -> memref<16x128xf32, #tpu.memory_space<hbm>>
      %dma_wait3A_682 = arith.constant 0 : i32
      %dma_wait3A_683 = arith.constant 0 : i32
      %dma_wait3A_684 = tpu.memref_slice %arg11[%dma_wait3A_674, %dma_wait3A_682, %dma_wait3A_683] : memref<8x16x128xf32, #tpu.memory_space<vmem>> -> memref<1x16x128xf32, #tpu.memory_space<vmem>>
      %dma_wait3A_685 = tpu.memref_squeeze %dma_wait3A_684 : memref<1x16x128xf32, #tpu.memory_space<vmem>> -> memref<16x128xf32, #tpu.memory_space<vmem>>
      %dma_wait3A_686 = arith.constant 0 : i32
      %dma_wait3A_687 = arith.constant 0 : i32
      %dma_wait3A_688 = tpu.memref_slice %arg5[%dma_wait3A_686, %dma_wait3A_687] : memref<16x1000000xf32, #tpu.memory_space<hbm>> -> memref<16x128xf32, #tpu.memory_space<hbm>>
      tpu.wait_dma2 semaphore(%arg14 : memref<!tpu.dma_semaphore, #tpu.memory_space<semaphore_mem>>) src(%dma_wait3A_688 : memref<16x128xf32, #tpu.memory_space<hbm>>) dst(%dma_wait3A_685 : memref<16x128xf32, #tpu.memory_space<vmem>>)
      %dma_wait3A_689 = arith.constant 1 : i32
      %dma_wait3A_690 = arith.constant 0 : i32
      %dma_wait3A_691 = arith.constant 0 : i32
      %dma_wait3A_692 = tpu.memref_slice %arg9[%dma_wait3A_689, %dma_wait3A_690, %dma_wait3A_691] : memref<8x16x128xf32, #tpu.memory_space<vmem>> -> memref<1x16x128xf32, #tpu.memory_space<vmem>>
      %dma_wait3A_693 = tpu.memref_squeeze %dma_wait3A_692 : memref<1x16x128xf32, #tpu.memory_space<vmem>> -> memref<16x128xf32, #tpu.memory_space<vmem>>
      %dma_wait3A_694 = arith.constant 0 : i32
      %dma_wait3A_695 = arith.constant 0 : i32
      %dma_wait3A_696 = tpu.memref_slice %arg4[%dma_wait3A_694, %dma_wait3A_695] : memref<16x1000000xf32, #tpu.memory_space<hbm>> -> memref<16x128xf32, #tpu.memory_space<hbm>>
      %dma_wait3A_697 = arith.constant 0 : i32
      %dma_wait3A_698 = arith.constant 0 : i32
      %dma_wait3A_699 = tpu.memref_slice %arg9[%dma_wait3A_689, %dma_wait3A_697, %dma_wait3A_698] : memref<8x16x128xf32, #tpu.memory_space<vmem>> -> memref<1x16x128xf32, #tpu.memory_space<vmem>>
      %dma_wait3A_700 = tpu.memref_squeeze %dma_wait3A_699 : memref<1x16x128xf32, #tpu.memory_space<vmem>> -> memref<16x128xf32, #tpu.memory_space<vmem>>
      %dma_wait3A_701 = arith.constant 0 : i32
      %dma_wait3A_702 = arith.constant 0 : i32
      %dma_wait3A_703 = tpu.memref_slice %arg4[%dma_wait3A_701, %dma_wait3A_702] : memref<16x1000000xf32, #tpu.memory_space<hbm>> -> memref<16x128xf32, #tpu.memory_space<hbm>>
      tpu.wait_dma2 semaphore(%arg14 : memref<!tpu.dma_semaphore, #tpu.memory_space<semaphore_mem>>) src(%dma_wait3A_703 : memref<16x128xf32, #tpu.memory_space<hbm>>) dst(%dma_wait3A_700 : memref<16x128xf32, #tpu.memory_space<vmem>>)
      %dma_wait3A_704 = arith.constant 1 : i32
      %dma_wait3A_705 = arith.constant 0 : i32
      %dma_wait3A_706 = arith.constant 0 : i32
      %dma_wait3A_707 = tpu.memref_slice %arg11[%dma_wait3A_704, %dma_wait3A_705, %dma_wait3A_706] : memref<8x16x128xf32, #tpu.memory_space<vmem>> -> memref<1x16x128xf32, #tpu.memory_space<vmem>>
      %dma_wait3A_708 = tpu.memref_squeeze %dma_wait3A_707 : memref<1x16x128xf32, #tpu.memory_space<vmem>> -> memref<16x128xf32, #tpu.memory_space<vmem>>
      %dma_wait3A_709 = arith.constant 0 : i32
      %dma_wait3A_710 = arith.constant 0 : i32
      %dma_wait3A_711 = tpu.memref_slice %arg5[%dma_wait3A_709, %dma_wait3A_710] : memref<16x1000000xf32, #tpu.memory_space<hbm>> -> memref<16x128xf32, #tpu.memory_space<hbm>>
      %dma_wait3A_712 = arith.constant 0 : i32
      %dma_wait3A_713 = arith.constant 0 : i32
      %dma_wait3A_714 = tpu.memref_slice %arg11[%dma_wait3A_704, %dma_wait3A_712, %dma_wait3A_713] : memref<8x16x128xf32, #tpu.memory_space<vmem>> -> memref<1x16x128xf32, #tpu.memory_space<vmem>>
      %dma_wait3A_715 = tpu.memref_squeeze %dma_wait3A_714 : memref<1x16x128xf32, #tpu.memory_space<vmem>> -> memref<16x128xf32, #tpu.memory_space<vmem>>
      %dma_wait3A_716 = arith.constant 0 : i32
      %dma_wait3A_717 = arith.constant 0 : i32
      %dma_wait3A_718 = tpu.memref_slice %arg5[%dma_wait3A_716, %dma_wait3A_717] : memref<16x1000000xf32, #tpu.memory_space<hbm>> -> memref<16x128xf32, #tpu.memory_space<hbm>>
      tpu.wait_dma2 semaphore(%arg14 : memref<!tpu.dma_semaphore, #tpu.memory_space<semaphore_mem>>) src(%dma_wait3A_718 : memref<16x128xf32, #tpu.memory_space<hbm>>) dst(%dma_wait3A_715 : memref<16x128xf32, #tpu.memory_space<vmem>>)
      %dma_wait3A_719 = arith.constant 2 : i32
      %dma_wait3A_720 = arith.constant 0 : i32
      %dma_wait3A_721 = arith.constant 0 : i32
      %dma_wait3A_722 = tpu.memref_slice %arg9[%dma_wait3A_719, %dma_wait3A_720, %dma_wait3A_721] : memref<8x16x128xf32, #tpu.memory_space<vmem>> -> memref<1x16x128xf32, #tpu.memory_space<vmem>>
      %dma_wait3A_723 = tpu.memref_squeeze %dma_wait3A_722 : memref<1x16x128xf32, #tpu.memory_space<vmem>> -> memref<16x128xf32, #tpu.memory_space<vmem>>
      %dma_wait3A_724 = arith.constant 0 : i32
      %dma_wait3A_725 = arith.constant 0 : i32
      %dma_wait3A_726 = tpu.memref_slice %arg4[%dma_wait3A_724, %dma_wait3A_725] : memref<16x1000000xf32, #tpu.memory_space<hbm>> -> memref<16x128xf32, #tpu.memory_space<hbm>>
      %dma_wait3A_727 = arith.constant 0 : i32
      %dma_wait3A_728 = arith.constant 0 : i32
      %dma_wait3A_729 = tpu.memref_slice %arg9[%dma_wait3A_719, %dma_wait3A_727, %dma_wait3A_728] : memref<8x16x128xf32, #tpu.memory_space<vmem>> -> memref<1x16x128xf32, #tpu.memory_space<vmem>>
      %dma_wait3A_730 = tpu.memref_squeeze %dma_wait3A_729 : memref<1x16x128xf32, #tpu.memory_space<vmem>> -> memref<16x128xf32, #tpu.memory_space<vmem>>
      %dma_wait3A_731 = arith.constant 0 : i32
      %dma_wait3A_732 = arith.constant 0 : i32
      %dma_wait3A_733 = tpu.memref_slice %arg4[%dma_wait3A_731, %dma_wait3A_732] : memref<16x1000000xf32, #tpu.memory_space<hbm>> -> memref<16x128xf32, #tpu.memory_space<hbm>>
      tpu.wait_dma2 semaphore(%arg14 : memref<!tpu.dma_semaphore, #tpu.memory_space<semaphore_mem>>) src(%dma_wait3A_733 : memref<16x128xf32, #tpu.memory_space<hbm>>) dst(%dma_wait3A_730 : memref<16x128xf32, #tpu.memory_space<vmem>>)
      %dma_wait3A_734 = arith.constant 2 : i32
      %dma_wait3A_735 = arith.constant 0 : i32
      %dma_wait3A_736 = arith.constant 0 : i32
      %dma_wait3A_737 = tpu.memref_slice %arg11[%dma_wait3A_734, %dma_wait3A_735, %dma_wait3A_736] : memref<8x16x128xf32, #tpu.memory_space<vmem>> -> memref<1x16x128xf32, #tpu.memory_space<vmem>>
      %dma_wait3A_738 = tpu.memref_squeeze %dma_wait3A_737 : memref<1x16x128xf32, #tpu.memory_space<vmem>> -> memref<16x128xf32, #tpu.memory_space<vmem>>
      %dma_wait3A_739 = arith.constant 0 : i32
      %dma_wait3A_740 = arith.constant 0 : i32
      %dma_wait3A_741 = tpu.memref_slice %arg5[%dma_wait3A_739, %dma_wait3A_740] : memref<16x1000000xf32, #tpu.memory_space<hbm>> -> memref<16x128xf32, #tpu.memory_space<hbm>>
      %dma_wait3A_742 = arith.constant 0 : i32
      %dma_wait3A_743 = arith.constant 0 : i32
      %dma_wait3A_744 = tpu.memref_slice %arg11[%dma_wait3A_734, %dma_wait3A_742, %dma_wait3A_743] : memref<8x16x128xf32, #tpu.memory_space<vmem>> -> memref<1x16x128xf32, #tpu.memory_space<vmem>>
      %dma_wait3A_745 = tpu.memref_squeeze %dma_wait3A_744 : memref<1x16x128xf32, #tpu.memory_space<vmem>> -> memref<16x128xf32, #tpu.memory_space<vmem>>
      %dma_wait3A_746 = arith.constant 0 : i32
      %dma_wait3A_747 = arith.constant 0 : i32
      %dma_wait3A_748 = tpu.memref_slice %arg5[%dma_wait3A_746, %dma_wait3A_747] : memref<16x1000000xf32, #tpu.memory_space<hbm>> -> memref<16x128xf32, #tpu.memory_space<hbm>>
      tpu.wait_dma2 semaphore(%arg14 : memref<!tpu.dma_semaphore, #tpu.memory_space<semaphore_mem>>) src(%dma_wait3A_748 : memref<16x128xf32, #tpu.memory_space<hbm>>) dst(%dma_wait3A_745 : memref<16x128xf32, #tpu.memory_space<vmem>>)
      %dma_wait3A_749 = arith.constant 3 : i32
      %dma_wait3A_750 = arith.constant 0 : i32
      %dma_wait3A_751 = arith.constant 0 : i32
      %dma_wait3A_752 = tpu.memref_slice %arg9[%dma_wait3A_749, %dma_wait3A_750, %dma_wait3A_751] : memref<8x16x128xf32, #tpu.memory_space<vmem>> -> memref<1x16x128xf32, #tpu.memory_space<vmem>>
      %dma_wait3A_753 = tpu.memref_squeeze %dma_wait3A_752 : memref<1x16x128xf32, #tpu.memory_space<vmem>> -> memref<16x128xf32, #tpu.memory_space<vmem>>
      %dma_wait3A_754 = arith.constant 0 : i32
      %dma_wait3A_755 = arith.constant 0 : i32
      %dma_wait3A_756 = tpu.memref_slice %arg4[%dma_wait3A_754, %dma_wait3A_755] : memref<16x1000000xf32, #tpu.memory_space<hbm>> -> memref<16x128xf32, #tpu.memory_space<hbm>>
      %dma_wait3A_757 = arith.constant 0 : i32
      %dma_wait3A_758 = arith.constant 0 : i32
      %dma_wait3A_759 = tpu.memref_slice %arg9[%dma_wait3A_749, %dma_wait3A_757, %dma_wait3A_758] : memref<8x16x128xf32, #tpu.memory_space<vmem>> -> memref<1x16x128xf32, #tpu.memory_space<vmem>>
      %dma_wait3A_760 = tpu.memref_squeeze %dma_wait3A_759 : memref<1x16x128xf32, #tpu.memory_space<vmem>> -> memref<16x128xf32, #tpu.memory_space<vmem>>
      %dma_wait3A_761 = arith.constant 0 : i32
      %dma_wait3A_762 = arith.constant 0 : i32
      %dma_wait3A_763 = tpu.memref_slice %arg4[%dma_wait3A_761, %dma_wait3A_762] : memref<16x1000000xf32, #tpu.memory_space<hbm>> -> memref<16x128xf32, #tpu.memory_space<hbm>>
      tpu.wait_dma2 semaphore(%arg14 : memref<!tpu.dma_semaphore, #tpu.memory_space<semaphore_mem>>) src(%dma_wait3A_763 : memref<16x128xf32, #tpu.memory_space<hbm>>) dst(%dma_wait3A_760 : memref<16x128xf32, #tpu.memory_space<vmem>>)
      %dma_wait3A_764 = arith.constant 3 : i32
      %dma_wait3A_765 = arith.constant 0 : i32
      %dma_wait3A_766 = arith.constant 0 : i32
      %dma_wait3A_767 = tpu.memref_slice %arg11[%dma_wait3A_764, %dma_wait3A_765, %dma_wait3A_766] : memref<8x16x128xf32, #tpu.memory_space<vmem>> -> memref<1x16x128xf32, #tpu.memory_space<vmem>>
      %dma_wait3A_768 = tpu.memref_squeeze %dma_wait3A_767 : memref<1x16x128xf32, #tpu.memory_space<vmem>> -> memref<16x128xf32, #tpu.memory_space<vmem>>
      %dma_wait3A_769 = arith.constant 0 : i32
      %dma_wait3A_770 = arith.constant 0 : i32
      %dma_wait3A_771 = tpu.memref_slice %arg5[%dma_wait3A_769, %dma_wait3A_770] : memref<16x1000000xf32, #tpu.memory_space<hbm>> -> memref<16x128xf32, #tpu.memory_space<hbm>>
      %dma_wait3A_772 = arith.constant 0 : i32
      %dma_wait3A_773 = arith.constant 0 : i32
      %dma_wait3A_774 = tpu.memref_slice %arg11[%dma_wait3A_764, %dma_wait3A_772, %dma_wait3A_773] : memref<8x16x128xf32, #tpu.memory_space<vmem>> -> memref<1x16x128xf32, #tpu.memory_space<vmem>>
      %dma_wait3A_775 = tpu.memref_squeeze %dma_wait3A_774 : memref<1x16x128xf32, #tpu.memory_space<vmem>> -> memref<16x128xf32, #tpu.memory_space<vmem>>
      %dma_wait3A_776 = arith.constant 0 : i32
      %dma_wait3A_777 = arith.constant 0 : i32
      %dma_wait3A_778 = tpu.memref_slice %arg5[%dma_wait3A_776, %dma_wait3A_777] : memref<16x1000000xf32, #tpu.memory_space<hbm>> -> memref<16x128xf32, #tpu.memory_space<hbm>>
      tpu.wait_dma2 semaphore(%arg14 : memref<!tpu.dma_semaphore, #tpu.memory_space<semaphore_mem>>) src(%dma_wait3A_778 : memref<16x128xf32, #tpu.memory_space<hbm>>) dst(%dma_wait3A_775 : memref<16x128xf32, #tpu.memory_space<vmem>>)
      %dma_wait3A_779 = arith.constant 4 : i32
      %dma_wait3A_780 = arith.constant 0 : i32
      %dma_wait3A_781 = arith.constant 0 : i32
      %dma_wait3A_782 = tpu.memref_slice %arg9[%dma_wait3A_779, %dma_wait3A_780, %dma_wait3A_781] : memref<8x16x128xf32, #tpu.memory_space<vmem>> -> memref<1x16x128xf32, #tpu.memory_space<vmem>>
      %dma_wait3A_783 = tpu.memref_squeeze %dma_wait3A_782 : memref<1x16x128xf32, #tpu.memory_space<vmem>> -> memref<16x128xf32, #tpu.memory_space<vmem>>
      %dma_wait3A_784 = arith.constant 0 : i32
      %dma_wait3A_785 = arith.constant 0 : i32
      %dma_wait3A_786 = tpu.memref_slice %arg4[%dma_wait3A_784, %dma_wait3A_785] : memref<16x1000000xf32, #tpu.memory_space<hbm>> -> memref<16x128xf32, #tpu.memory_space<hbm>>
      %dma_wait3A_787 = arith.constant 0 : i32
      %dma_wait3A_788 = arith.constant 0 : i32
      %dma_wait3A_789 = tpu.memref_slice %arg9[%dma_wait3A_779, %dma_wait3A_787, %dma_wait3A_788] : memref<8x16x128xf32, #tpu.memory_space<vmem>> -> memref<1x16x128xf32, #tpu.memory_space<vmem>>
      %dma_wait3A_790 = tpu.memref_squeeze %dma_wait3A_789 : memref<1x16x128xf32, #tpu.memory_space<vmem>> -> memref<16x128xf32, #tpu.memory_space<vmem>>
      %dma_wait3A_791 = arith.constant 0 : i32
      %dma_wait3A_792 = arith.constant 0 : i32
      %dma_wait3A_793 = tpu.memref_slice %arg4[%dma_wait3A_791, %dma_wait3A_792] : memref<16x1000000xf32, #tpu.memory_space<hbm>> -> memref<16x128xf32, #tpu.memory_space<hbm>>
      tpu.wait_dma2 semaphore(%arg14 : memref<!tpu.dma_semaphore, #tpu.memory_space<semaphore_mem>>) src(%dma_wait3A_793 : memref<16x128xf32, #tpu.memory_space<hbm>>) dst(%dma_wait3A_790 : memref<16x128xf32, #tpu.memory_space<vmem>>)
      %dma_wait3A_794 = arith.constant 4 : i32
      %dma_wait3A_795 = arith.constant 0 : i32
      %dma_wait3A_796 = arith.constant 0 : i32
      %dma_wait3A_797 = tpu.memref_slice %arg11[%dma_wait3A_794, %dma_wait3A_795, %dma_wait3A_796] : memref<8x16x128xf32, #tpu.memory_space<vmem>> -> memref<1x16x128xf32, #tpu.memory_space<vmem>>
      %dma_wait3A_798 = tpu.memref_squeeze %dma_wait3A_797 : memref<1x16x128xf32, #tpu.memory_space<vmem>> -> memref<16x128xf32, #tpu.memory_space<vmem>>
      %dma_wait3A_799 = arith.constant 0 : i32
      %dma_wait3A_800 = arith.constant 0 : i32
      %dma_wait3A_801 = tpu.memref_slice %arg5[%dma_wait3A_799, %dma_wait3A_800] : memref<16x1000000xf32, #tpu.memory_space<hbm>> -> memref<16x128xf32, #tpu.memory_space<hbm>>
      %dma_wait3A_802 = arith.constant 0 : i32
      %dma_wait3A_803 = arith.constant 0 : i32
      %dma_wait3A_804 = tpu.memref_slice %arg11[%dma_wait3A_794, %dma_wait3A_802, %dma_wait3A_803] : memref<8x16x128xf32, #tpu.memory_space<vmem>> -> memref<1x16x128xf32, #tpu.memory_space<vmem>>
      %dma_wait3A_805 = tpu.memref_squeeze %dma_wait3A_804 : memref<1x16x128xf32, #tpu.memory_space<vmem>> -> memref<16x128xf32, #tpu.memory_space<vmem>>
      %dma_wait3A_806 = arith.constant 0 : i32
      %dma_wait3A_807 = arith.constant 0 : i32
      %dma_wait3A_808 = tpu.memref_slice %arg5[%dma_wait3A_806, %dma_wait3A_807] : memref<16x1000000xf32, #tpu.memory_space<hbm>> -> memref<16x128xf32, #tpu.memory_space<hbm>>
      tpu.wait_dma2 semaphore(%arg14 : memref<!tpu.dma_semaphore, #tpu.memory_space<semaphore_mem>>) src(%dma_wait3A_808 : memref<16x128xf32, #tpu.memory_space<hbm>>) dst(%dma_wait3A_805 : memref<16x128xf32, #tpu.memory_space<vmem>>)
      %dma_wait3A_809 = arith.constant 5 : i32
      %dma_wait3A_810 = arith.constant 0 : i32
      %dma_wait3A_811 = arith.constant 0 : i32
      %dma_wait3A_812 = tpu.memref_slice %arg9[%dma_wait3A_809, %dma_wait3A_810, %dma_wait3A_811] : memref<8x16x128xf32, #tpu.memory_space<vmem>> -> memref<1x16x128xf32, #tpu.memory_space<vmem>>
      %dma_wait3A_813 = tpu.memref_squeeze %dma_wait3A_812 : memref<1x16x128xf32, #tpu.memory_space<vmem>> -> memref<16x128xf32, #tpu.memory_space<vmem>>
      %dma_wait3A_814 = arith.constant 0 : i32
      %dma_wait3A_815 = arith.constant 0 : i32
      %dma_wait3A_816 = tpu.memref_slice %arg4[%dma_wait3A_814, %dma_wait3A_815] : memref<16x1000000xf32, #tpu.memory_space<hbm>> -> memref<16x128xf32, #tpu.memory_space<hbm>>
      %dma_wait3A_817 = arith.constant 0 : i32
      %dma_wait3A_818 = arith.constant 0 : i32
      %dma_wait3A_819 = tpu.memref_slice %arg9[%dma_wait3A_809, %dma_wait3A_817, %dma_wait3A_818] : memref<8x16x128xf32, #tpu.memory_space<vmem>> -> memref<1x16x128xf32, #tpu.memory_space<vmem>>
      %dma_wait3A_820 = tpu.memref_squeeze %dma_wait3A_819 : memref<1x16x128xf32, #tpu.memory_space<vmem>> -> memref<16x128xf32, #tpu.memory_space<vmem>>
      %dma_wait3A_821 = arith.constant 0 : i32
      %dma_wait3A_822 = arith.constant 0 : i32
      %dma_wait3A_823 = tpu.memref_slice %arg4[%dma_wait3A_821, %dma_wait3A_822] : memref<16x1000000xf32, #tpu.memory_space<hbm>> -> memref<16x128xf32, #tpu.memory_space<hbm>>
      tpu.wait_dma2 semaphore(%arg14 : memref<!tpu.dma_semaphore, #tpu.memory_space<semaphore_mem>>) src(%dma_wait3A_823 : memref<16x128xf32, #tpu.memory_space<hbm>>) dst(%dma_wait3A_820 : memref<16x128xf32, #tpu.memory_space<vmem>>)
      %dma_wait3A_824 = arith.constant 5 : i32
      %dma_wait3A_825 = arith.constant 0 : i32
      %dma_wait3A_826 = arith.constant 0 : i32
      %dma_wait3A_827 = tpu.memref_slice %arg11[%dma_wait3A_824, %dma_wait3A_825, %dma_wait3A_826] : memref<8x16x128xf32, #tpu.memory_space<vmem>> -> memref<1x16x128xf32, #tpu.memory_space<vmem>>
      %dma_wait3A_828 = tpu.memref_squeeze %dma_wait3A_827 : memref<1x16x128xf32, #tpu.memory_space<vmem>> -> memref<16x128xf32, #tpu.memory_space<vmem>>
      %dma_wait3A_829 = arith.constant 0 : i32
      %dma_wait3A_830 = arith.constant 0 : i32
      %dma_wait3A_831 = tpu.memref_slice %arg5[%dma_wait3A_829, %dma_wait3A_830] : memref<16x1000000xf32, #tpu.memory_space<hbm>> -> memref<16x128xf32, #tpu.memory_space<hbm>>
      %dma_wait3A_832 = arith.constant 0 : i32
      %dma_wait3A_833 = arith.constant 0 : i32
      %dma_wait3A_834 = tpu.memref_slice %arg11[%dma_wait3A_824, %dma_wait3A_832, %dma_wait3A_833] : memref<8x16x128xf32, #tpu.memory_space<vmem>> -> memref<1x16x128xf32, #tpu.memory_space<vmem>>
      %dma_wait3A_835 = tpu.memref_squeeze %dma_wait3A_834 : memref<1x16x128xf32, #tpu.memory_space<vmem>> -> memref<16x128xf32, #tpu.memory_space<vmem>>
      %dma_wait3A_836 = arith.constant 0 : i32
      %dma_wait3A_837 = arith.constant 0 : i32
      %dma_wait3A_838 = tpu.memref_slice %arg5[%dma_wait3A_836, %dma_wait3A_837] : memref<16x1000000xf32, #tpu.memory_space<hbm>> -> memref<16x128xf32, #tpu.memory_space<hbm>>
      tpu.wait_dma2 semaphore(%arg14 : memref<!tpu.dma_semaphore, #tpu.memory_space<semaphore_mem>>) src(%dma_wait3A_838 : memref<16x128xf32, #tpu.memory_space<hbm>>) dst(%dma_wait3A_835 : memref<16x128xf32, #tpu.memory_space<vmem>>)
      %dma_wait3A_839 = arith.constant 6 : i32
      %dma_wait3A_840 = arith.constant 0 : i32
      %dma_wait3A_841 = arith.constant 0 : i32
      %dma_wait3A_842 = tpu.memref_slice %arg9[%dma_wait3A_839, %dma_wait3A_840, %dma_wait3A_841] : memref<8x16x128xf32, #tpu.memory_space<vmem>> -> memref<1x16x128xf32, #tpu.memory_space<vmem>>
      %dma_wait3A_843 = tpu.memref_squeeze %dma_wait3A_842 : memref<1x16x128xf32, #tpu.memory_space<vmem>> -> memref<16x128xf32, #tpu.memory_space<vmem>>
      %dma_wait3A_844 = arith.constant 0 : i32
      %dma_wait3A_845 = arith.constant 0 : i32
      %dma_wait3A_846 = tpu.memref_slice %arg4[%dma_wait3A_844, %dma_wait3A_845] : memref<16x1000000xf32, #tpu.memory_space<hbm>> -> memref<16x128xf32, #tpu.memory_space<hbm>>
      %dma_wait3A_847 = arith.constant 0 : i32
      %dma_wait3A_848 = arith.constant 0 : i32
      %dma_wait3A_849 = tpu.memref_slice %arg9[%dma_wait3A_839, %dma_wait3A_847, %dma_wait3A_848] : memref<8x16x128xf32, #tpu.memory_space<vmem>> -> memref<1x16x128xf32, #tpu.memory_space<vmem>>
      %dma_wait3A_850 = tpu.memref_squeeze %dma_wait3A_849 : memref<1x16x128xf32, #tpu.memory_space<vmem>> -> memref<16x128xf32, #tpu.memory_space<vmem>>
      %dma_wait3A_851 = arith.constant 0 : i32
      %dma_wait3A_852 = arith.constant 0 : i32
      %dma_wait3A_853 = tpu.memref_slice %arg4[%dma_wait3A_851, %dma_wait3A_852] : memref<16x1000000xf32, #tpu.memory_space<hbm>> -> memref<16x128xf32, #tpu.memory_space<hbm>>
      tpu.wait_dma2 semaphore(%arg14 : memref<!tpu.dma_semaphore, #tpu.memory_space<semaphore_mem>>) src(%dma_wait3A_853 : memref<16x128xf32, #tpu.memory_space<hbm>>) dst(%dma_wait3A_850 : memref<16x128xf32, #tpu.memory_space<vmem>>)
      %dma_wait3A_854 = arith.constant 6 : i32
      %dma_wait3A_855 = arith.constant 0 : i32
      %dma_wait3A_856 = arith.constant 0 : i32
      %dma_wait3A_857 = tpu.memref_slice %arg11[%dma_wait3A_854, %dma_wait3A_855, %dma_wait3A_856] : memref<8x16x128xf32, #tpu.memory_space<vmem>> -> memref<1x16x128xf32, #tpu.memory_space<vmem>>
      %dma_wait3A_858 = tpu.memref_squeeze %dma_wait3A_857 : memref<1x16x128xf32, #tpu.memory_space<vmem>> -> memref<16x128xf32, #tpu.memory_space<vmem>>
      %dma_wait3A_859 = arith.constant 0 : i32
      %dma_wait3A_860 = arith.constant 0 : i32
      %dma_wait3A_861 = tpu.memref_slice %arg5[%dma_wait3A_859, %dma_wait3A_860] : memref<16x1000000xf32, #tpu.memory_space<hbm>> -> memref<16x128xf32, #tpu.memory_space<hbm>>
      %dma_wait3A_862 = arith.constant 0 : i32
      %dma_wait3A_863 = arith.constant 0 : i32
      %dma_wait3A_864 = tpu.memref_slice %arg11[%dma_wait3A_854, %dma_wait3A_862, %dma_wait3A_863] : memref<8x16x128xf32, #tpu.memory_space<vmem>> -> memref<1x16x128xf32, #tpu.memory_space<vmem>>
      %dma_wait3A_865 = tpu.memref_squeeze %dma_wait3A_864 : memref<1x16x128xf32, #tpu.memory_space<vmem>> -> memref<16x128xf32, #tpu.memory_space<vmem>>
      %dma_wait3A_866 = arith.constant 0 : i32
      %dma_wait3A_867 = arith.constant 0 : i32
      %dma_wait3A_868 = tpu.memref_slice %arg5[%dma_wait3A_866, %dma_wait3A_867] : memref<16x1000000xf32, #tpu.memory_space<hbm>> -> memref<16x128xf32, #tpu.memory_space<hbm>>
      tpu.wait_dma2 semaphore(%arg14 : memref<!tpu.dma_semaphore, #tpu.memory_space<semaphore_mem>>) src(%dma_wait3A_868 : memref<16x128xf32, #tpu.memory_space<hbm>>) dst(%dma_wait3A_865 : memref<16x128xf32, #tpu.memory_space<vmem>>)
      %dma_wait3A_869 = arith.constant 7 : i32
      %dma_wait3A_870 = arith.constant 0 : i32
      %dma_wait3A_871 = arith.constant 0 : i32
      %dma_wait3A_872 = tpu.memref_slice %arg9[%dma_wait3A_869, %dma_wait3A_870, %dma_wait3A_871] : memref<8x16x128xf32, #tpu.memory_space<vmem>> -> memref<1x16x128xf32, #tpu.memory_space<vmem>>
      %dma_wait3A_873 = tpu.memref_squeeze %dma_wait3A_872 : memref<1x16x128xf32, #tpu.memory_space<vmem>> -> memref<16x128xf32, #tpu.memory_space<vmem>>
      %dma_wait3A_874 = arith.constant 0 : i32
      %dma_wait3A_875 = arith.constant 0 : i32
      %dma_wait3A_876 = tpu.memref_slice %arg4[%dma_wait3A_874, %dma_wait3A_875] : memref<16x1000000xf32, #tpu.memory_space<hbm>> -> memref<16x128xf32, #tpu.memory_space<hbm>>
      %dma_wait3A_877 = arith.constant 0 : i32
      %dma_wait3A_878 = arith.constant 0 : i32
      %dma_wait3A_879 = tpu.memref_slice %arg9[%dma_wait3A_869, %dma_wait3A_877, %dma_wait3A_878] : memref<8x16x128xf32, #tpu.memory_space<vmem>> -> memref<1x16x128xf32, #tpu.memory_space<vmem>>
      %dma_wait3A_880 = tpu.memref_squeeze %dma_wait3A_879 : memref<1x16x128xf32, #tpu.memory_space<vmem>> -> memref<16x128xf32, #tpu.memory_space<vmem>>
      %dma_wait3A_881 = arith.constant 0 : i32
      %dma_wait3A_882 = arith.constant 0 : i32
      %dma_wait3A_883 = tpu.memref_slice %arg4[%dma_wait3A_881, %dma_wait3A_882] : memref<16x1000000xf32, #tpu.memory_space<hbm>> -> memref<16x128xf32, #tpu.memory_space<hbm>>
      tpu.wait_dma2 semaphore(%arg14 : memref<!tpu.dma_semaphore, #tpu.memory_space<semaphore_mem>>) src(%dma_wait3A_883 : memref<16x128xf32, #tpu.memory_space<hbm>>) dst(%dma_wait3A_880 : memref<16x128xf32, #tpu.memory_space<vmem>>)
      %dma_wait3A_884 = arith.constant 7 : i32
      %dma_wait3A_885 = arith.constant 0 : i32
      %dma_wait3A_886 = arith.constant 0 : i32
      %dma_wait3A_887 = tpu.memref_slice %arg11[%dma_wait3A_884, %dma_wait3A_885, %dma_wait3A_886] : memref<8x16x128xf32, #tpu.memory_space<vmem>> -> memref<1x16x128xf32, #tpu.memory_space<vmem>>
      %dma_wait3A_888 = tpu.memref_squeeze %dma_wait3A_887 : memref<1x16x128xf32, #tpu.memory_space<vmem>> -> memref<16x128xf32, #tpu.memory_space<vmem>>
      %dma_wait3A_889 = arith.constant 0 : i32
      %dma_wait3A_890 = arith.constant 0 : i32
      %dma_wait3A_891 = tpu.memref_slice %arg5[%dma_wait3A_889, %dma_wait3A_890] : memref<16x1000000xf32, #tpu.memory_space<hbm>> -> memref<16x128xf32, #tpu.memory_space<hbm>>
      %dma_wait3A_892 = arith.constant 0 : i32
      %dma_wait3A_893 = arith.constant 0 : i32
      %dma_wait3A_894 = tpu.memref_slice %arg11[%dma_wait3A_884, %dma_wait3A_892, %dma_wait3A_893] : memref<8x16x128xf32, #tpu.memory_space<vmem>> -> memref<1x16x128xf32, #tpu.memory_space<vmem>>
      %dma_wait3A_895 = tpu.memref_squeeze %dma_wait3A_894 : memref<1x16x128xf32, #tpu.memory_space<vmem>> -> memref<16x128xf32, #tpu.memory_space<vmem>>
      %dma_wait3A_896 = arith.constant 0 : i32
      %dma_wait3A_897 = arith.constant 0 : i32
      %dma_wait3A_898 = tpu.memref_slice %arg5[%dma_wait3A_896, %dma_wait3A_897] : memref<16x1000000xf32, #tpu.memory_space<hbm>> -> memref<16x128xf32, #tpu.memory_space<hbm>>
      tpu.wait_dma2 semaphore(%arg14 : memref<!tpu.dma_semaphore, #tpu.memory_space<semaphore_mem>>) src(%dma_wait3A_898 : memref<16x128xf32, #tpu.memory_space<hbm>>) dst(%dma_wait3A_895 : memref<16x128xf32, #tpu.memory_space<vmem>>)
      %mul3A_899 = arith.constant 8 : i32
      %mul3A_900 = arith.muli %mul3A_659, %mul3A_899 : i32
      %get3A_901 = arith.index_cast %mul3A_900 : i32 to index
      %get3A_902 = tpu.vector_load %arg7[%get3A_901] {strides = array<i32>} : memref<528xi32, #tpu.memory_space<vmem>>, vector<16xi32>,
      %mul3A_903 = arith.constant 8 : i32
      %mul3A_904 = arith.muli %mul3A_659, %mul3A_903 : i32
      %get3A_905 = arith.index_cast %mul3A_904 : i32 to index
      %get3A_906 = tpu.vector_load %arg8[%get3A_905] {strides = array<i32>} : memref<528xi32, #tpu.memory_space<vmem>>, vector<16xi32>,
      %broadcast_in_dim3A = arith.constant 0.000000e+00 : f32
      %broadcast_in_dim3A_907 = vector.broadcast %broadcast_in_dim3A : f32 to vector<16xf32>
      %slice3A_908 = vector.extract_strided_slice %get3A_902 {offsets = [0], sizes = [1], strides = [1]} : vector<16xi32> to vector<1xi32>
      %squeeze3A_909 = vector.extract %slice3A_908[0] : i32 from vector<1xi32>
      %and3A = arith.constant 127 : i32
      %and3A_910 = arith.andi %squeeze3A_909, %and3A : i32
      %broadcast_in_dim3A_911 = vector.broadcast %and3A_910 : i32 to vector<16xi32>
      %slice3A_912 = vector.extract_strided_slice %get3A_906 {offsets = [0], sizes = [1], strides = [1]} : vector<16xi32> to vector<1xi32>
      %squeeze3A_913 = vector.extract %slice3A_912[0] : i32 from vector<1xi32>
      %and3A_914 = arith.constant 127 : i32
      %and3A_915 = arith.andi %squeeze3A_913, %and3A_914 : i32
      %broadcast_in_dim3A_916 = vector.broadcast %and3A_915 : i32 to vector<16xi32>
      %broadcast_in_dim3A_917 = arith.constant 0 : i32
      %broadcast_in_dim3A_918 = vector.broadcast %broadcast_in_dim3A_917 : i32 to vector<16xi32>
      %gather3A = tpu.vector_load_idx %arg9[%broadcast_in_dim3A_918, %iota3A, %broadcast_in_dim3A_911] : memref<8x16x128xf32, #tpu.memory_space<vmem>>[vector<16xi32>, vector<16xi32>, vector<16xi32>], vector<16xf32>,
      %gather3A_919 = tpu.vector_load_idx %arg11[%broadcast_in_dim3A_918, %iota3A, %broadcast_in_dim3A_916] : memref<8x16x128xf32, #tpu.memory_space<vmem>>[vector<16xi32>, vector<16xi32>, vector<16xi32>], vector<16xf32>,
      %mul3A_920 = arith.mulf %gather3A, %gather3A_919 : vector<16xf32>
      %reduce_sum3A = arith.constant true
      %reduce_sum3A_921 = vector.broadcast %reduce_sum3A : i1 to vector<16xi1>
      %reduce_sum3A_922 = tpu.scan <sum>, %mul3A_920 masked %reduce_sum3A_921 : vector<16xf32>, vector<16xi1> -> vector<16xf32>
      %reduce_sum3A_923 = vector.extract %reduce_sum3A_922[15] : f32 from vector<16xf32>
      %eq3A = arith.constant 0 : i32
      %eq3A_924 = vector.broadcast %eq3A : i32 to vector<16xi32>
      %eq3A_925 = arith.cmpi eq, %iota3A, %eq3A_924 : vector<16xi32>
      %broadcast_in_dim3A_926 = vector.broadcast %reduce_sum3A_923 : f32 to vector<16xf32>
      %select_n3A = arith.select %eq3A_925, %broadcast_in_dim3A_926, %broadcast_in_dim3A_907 : vector<16xi1>, vector<16xf32>
      %slice3A_927 = vector.extract_strided_slice %get3A_902 {offsets = [1], sizes = [1], strides = [1]} : vector<16xi32> to vector<1xi32>
      %squeeze3A_928 = vector.extract %slice3A_927[0] : i32 from vector<1xi32>
      %and3A_929 = arith.constant 127 : i32
      %and3A_930 = arith.andi %squeeze3A_928, %and3A_929 : i32
      %broadcast_in_dim3A_931 = vector.broadcast %and3A_930 : i32 to vector<16xi32>
      %slice3A_932 = vector.extract_strided_slice %get3A_906 {offsets = [1], sizes = [1], strides = [1]} : vector<16xi32> to vector<1xi32>
      %squeeze3A_933 = vector.extract %slice3A_932[0] : i32 from vector<1xi32>
      %and3A_934 = arith.constant 127 : i32
      %and3A_935 = arith.andi %squeeze3A_933, %and3A_934 : i32
      %broadcast_in_dim3A_936 = vector.broadcast %and3A_935 : i32 to vector<16xi32>
      %broadcast_in_dim3A_937 = arith.constant 1 : i32
      %broadcast_in_dim3A_938 = vector.broadcast %broadcast_in_dim3A_937 : i32 to vector<16xi32>
      %gather3A_939 = tpu.vector_load_idx %arg9[%broadcast_in_dim3A_938, %iota3A, %broadcast_in_dim3A_931] : memref<8x16x128xf32, #tpu.memory_space<vmem>>[vector<16xi32>, vector<16xi32>, vector<16xi32>], vector<16xf32>,
      %gather3A_940 = tpu.vector_load_idx %arg11[%broadcast_in_dim3A_938, %iota3A, %broadcast_in_dim3A_936] : memref<8x16x128xf32, #tpu.memory_space<vmem>>[vector<16xi32>, vector<16xi32>, vector<16xi32>], vector<16xf32>,
      %mul3A_941 = arith.mulf %gather3A_939, %gather3A_940 : vector<16xf32>
      %reduce_sum3A_942 = arith.constant true
      %reduce_sum3A_943 = vector.broadcast %reduce_sum3A_942 : i1 to vector<16xi1>
      %reduce_sum3A_944 = tpu.scan <sum>, %mul3A_941 masked %reduce_sum3A_943 : vector<16xf32>, vector<16xi1> -> vector<16xf32>
      %reduce_sum3A_945 = vector.extract %reduce_sum3A_944[15] : f32 from vector<16xf32>
      %eq3A_946 = arith.constant 1 : i32
      %eq3A_947 = vector.broadcast %eq3A_946 : i32 to vector<16xi32>
      %eq3A_948 = arith.cmpi eq, %iota3A, %eq3A_947 : vector<16xi32>
      %broadcast_in_dim3A_949 = vector.broadcast %reduce_sum3A_945 : f32 to vector<16xf32>
      %select_n3A_950 = arith.select %eq3A_948, %broadcast_in_dim3A_949, %select_n3A : vector<16xi1>, vector<16xf32>
      %slice3A_951 = vector.extract_strided_slice %get3A_902 {offsets = [2], sizes = [1], strides = [1]} : vector<16xi32> to vector<1xi32>
      %squeeze3A_952 = vector.extract %slice3A_951[0] : i32 from vector<1xi32>
      %and3A_953 = arith.constant 127 : i32
      %and3A_954 = arith.andi %squeeze3A_952, %and3A_953 : i32
      %broadcast_in_dim3A_955 = vector.broadcast %and3A_954 : i32 to vector<16xi32>
      %slice3A_956 = vector.extract_strided_slice %get3A_906 {offsets = [2], sizes = [1], strides = [1]} : vector<16xi32> to vector<1xi32>
      %squeeze3A_957 = vector.extract %slice3A_956[0] : i32 from vector<1xi32>
      %and3A_958 = arith.constant 127 : i32
      %and3A_959 = arith.andi %squeeze3A_957, %and3A_958 : i32
      %broadcast_in_dim3A_960 = vector.broadcast %and3A_959 : i32 to vector<16xi32>
      %broadcast_in_dim3A_961 = arith.constant 2 : i32
      %broadcast_in_dim3A_962 = vector.broadcast %broadcast_in_dim3A_961 : i32 to vector<16xi32>
      %gather3A_963 = tpu.vector_load_idx %arg9[%broadcast_in_dim3A_962, %iota3A, %broadcast_in_dim3A_955] : memref<8x16x128xf32, #tpu.memory_space<vmem>>[vector<16xi32>, vector<16xi32>, vector<16xi32>], vector<16xf32>,
      %gather3A_964 = tpu.vector_load_idx %arg11[%broadcast_in_dim3A_962, %iota3A, %broadcast_in_dim3A_960] : memref<8x16x128xf32, #tpu.memory_space<vmem>>[vector<16xi32>, vector<16xi32>, vector<16xi32>], vector<16xf32>,
      %mul3A_965 = arith.mulf %gather3A_963, %gather3A_964 : vector<16xf32>
      %reduce_sum3A_966 = arith.constant true
      %reduce_sum3A_967 = vector.broadcast %reduce_sum3A_966 : i1 to vector<16xi1>
      %reduce_sum3A_968 = tpu.scan <sum>, %mul3A_965 masked %reduce_sum3A_967 : vector<16xf32>, vector<16xi1> -> vector<16xf32>
      %reduce_sum3A_969 = vector.extract %reduce_sum3A_968[15] : f32 from vector<16xf32>
      %eq3A_970 = arith.constant 2 : i32
      %eq3A_971 = vector.broadcast %eq3A_970 : i32 to vector<16xi32>
      %eq3A_972 = arith.cmpi eq, %iota3A, %eq3A_971 : vector<16xi32>
      %broadcast_in_dim3A_973 = vector.broadcast %reduce_sum3A_969 : f32 to vector<16xf32>
      %select_n3A_974 = arith.select %eq3A_972, %broadcast_in_dim3A_973, %select_n3A_950 : vector<16xi1>, vector<16xf32>
      %slice3A_975 = vector.extract_strided_slice %get3A_902 {offsets = [3], sizes = [1], strides = [1]} : vector<16xi32> to vector<1xi32>
      %squeeze3A_976 = vector.extract %slice3A_975[0] : i32 from vector<1xi32>
      %and3A_977 = arith.constant 127 : i32
      %and3A_978 = arith.andi %squeeze3A_976, %and3A_977 : i32
      %broadcast_in_dim3A_979 = vector.broadcast %and3A_978 : i32 to vector<16xi32>
      %slice3A_980 = vector.extract_strided_slice %get3A_906 {offsets = [3], sizes = [1], strides = [1]} : vector<16xi32> to vector<1xi32>
      %squeeze3A_981 = vector.extract %slice3A_980[0] : i32 from vector<1xi32>
      %and3A_982 = arith.constant 127 : i32
      %and3A_983 = arith.andi %squeeze3A_981, %and3A_982 : i32
      %broadcast_in_dim3A_984 = vector.broadcast %and3A_983 : i32 to vector<16xi32>
      %broadcast_in_dim3A_985 = arith.constant 3 : i32
      %broadcast_in_dim3A_986 = vector.broadcast %broadcast_in_dim3A_985 : i32 to vector<16xi32>
      %gather3A_987 = tpu.vector_load_idx %arg9[%broadcast_in_dim3A_986, %iota3A, %broadcast_in_dim3A_979] : memref<8x16x128xf32, #tpu.memory_space<vmem>>[vector<16xi32>, vector<16xi32>, vector<16xi32>], vector<16xf32>,
      %gather3A_988 = tpu.vector_load_idx %arg11[%broadcast_in_dim3A_986, %iota3A, %broadcast_in_dim3A_984] : memref<8x16x128xf32, #tpu.memory_space<vmem>>[vector<16xi32>, vector<16xi32>, vector<16xi32>], vector<16xf32>,
      %mul3A_989 = arith.mulf %gather3A_987, %gather3A_988 : vector<16xf32>
      %reduce_sum3A_990 = arith.constant true
      %reduce_sum3A_991 = vector.broadcast %reduce_sum3A_990 : i1 to vector<16xi1>
      %reduce_sum3A_992 = tpu.scan <sum>, %mul3A_989 masked %reduce_sum3A_991 : vector<16xf32>, vector<16xi1> -> vector<16xf32>
      %reduce_sum3A_993 = vector.extract %reduce_sum3A_992[15] : f32 from vector<16xf32>
      %eq3A_994 = arith.constant 3 : i32
      %eq3A_995 = vector.broadcast %eq3A_994 : i32 to vector<16xi32>
      %eq3A_996 = arith.cmpi eq, %iota3A, %eq3A_995 : vector<16xi32>
      %broadcast_in_dim3A_997 = vector.broadcast %reduce_sum3A_993 : f32 to vector<16xf32>
      %select_n3A_998 = arith.select %eq3A_996, %broadcast_in_dim3A_997, %select_n3A_974 : vector<16xi1>, vector<16xf32>
      %slice3A_999 = vector.extract_strided_slice %get3A_902 {offsets = [4], sizes = [1], strides = [1]} : vector<16xi32> to vector<1xi32>
      %squeeze3A_1000 = vector.extract %slice3A_999[0] : i32 from vector<1xi32>
      %and3A_1001 = arith.constant 127 : i32
      %and3A_1002 = arith.andi %squeeze3A_1000, %and3A_1001 : i32
      %broadcast_in_dim3A_1003 = vector.broadcast %and3A_1002 : i32 to vector<16xi32>
      %slice3A_1004 = vector.extract_strided_slice %get3A_906 {offsets = [4], sizes = [1], strides = [1]} : vector<16xi32> to vector<1xi32>
      %squeeze3A_1005 = vector.extract %slice3A_1004[0] : i32 from vector<1xi32>
      %and3A_1006 = arith.constant 127 : i32
      %and3A_1007 = arith.andi %squeeze3A_1005, %and3A_1006 : i32
      %broadcast_in_dim3A_1008 = vector.broadcast %and3A_1007 : i32 to vector<16xi32>
      %broadcast_in_dim3A_1009 = arith.constant 4 : i32
      %broadcast_in_dim3A_1010 = vector.broadcast %broadcast_in_dim3A_1009 : i32 to vector<16xi32>
      %gather3A_1011 = tpu.vector_load_idx %arg9[%broadcast_in_dim3A_1010, %iota3A, %broadcast_in_dim3A_1003] : memref<8x16x128xf32, #tpu.memory_space<vmem>>[vector<16xi32>, vector<16xi32>, vector<16xi32>], vector<16xf32>,
      %gather3A_1012 = tpu.vector_load_idx %arg11[%broadcast_in_dim3A_1010, %iota3A, %broadcast_in_dim3A_1008] : memref<8x16x128xf32, #tpu.memory_space<vmem>>[vector<16xi32>, vector<16xi32>, vector<16xi32>], vector<16xf32>,
      %mul3A_1013 = arith.mulf %gather3A_1011, %gather3A_1012 : vector<16xf32>
      %reduce_sum3A_1014 = arith.constant true
      %reduce_sum3A_1015 = vector.broadcast %reduce_sum3A_1014 : i1 to vector<16xi1>
      %reduce_sum3A_1016 = tpu.scan <sum>, %mul3A_1013 masked %reduce_sum3A_1015 : vector<16xf32>, vector<16xi1> -> vector<16xf32>
      %reduce_sum3A_1017 = vector.extract %reduce_sum3A_1016[15] : f32 from vector<16xf32>
      %eq3A_1018 = arith.constant 4 : i32
      %eq3A_1019 = vector.broadcast %eq3A_1018 : i32 to vector<16xi32>
      %eq3A_1020 = arith.cmpi eq, %iota3A, %eq3A_1019 : vector<16xi32>
      %broadcast_in_dim3A_1021 = vector.broadcast %reduce_sum3A_1017 : f32 to vector<16xf32>
      %select_n3A_1022 = arith.select %eq3A_1020, %broadcast_in_dim3A_1021, %select_n3A_998 : vector<16xi1>, vector<16xf32>
      %slice3A_1023 = vector.extract_strided_slice %get3A_902 {offsets = [5], sizes = [1], strides = [1]} : vector<16xi32> to vector<1xi32>
      %squeeze3A_1024 = vector.extract %slice3A_1023[0] : i32 from vector<1xi32>
      %and3A_1025 = arith.constant 127 : i32
      %and3A_1026 = arith.andi %squeeze3A_1024, %and3A_1025 : i32
      %broadcast_in_dim3A_1027 = vector.broadcast %and3A_1026 : i32 to vector<16xi32>
      %slice3A_1028 = vector.extract_strided_slice %get3A_906 {offsets = [5], sizes = [1], strides = [1]} : vector<16xi32> to vector<1xi32>
      %squeeze3A_1029 = vector.extract %slice3A_1028[0] : i32 from vector<1xi32>
      %and3A_1030 = arith.constant 127 : i32
      %and3A_1031 = arith.andi %squeeze3A_1029, %and3A_1030 : i32
      %broadcast_in_dim3A_1032 = vector.broadcast %and3A_1031 : i32 to vector<16xi32>
      %broadcast_in_dim3A_1033 = arith.constant 5 : i32
      %broadcast_in_dim3A_1034 = vector.broadcast %broadcast_in_dim3A_1033 : i32 to vector<16xi32>
      %gather3A_1035 = tpu.vector_load_idx %arg9[%broadcast_in_dim3A_1034, %iota3A, %broadcast_in_dim3A_1027] : memref<8x16x128xf32, #tpu.memory_space<vmem>>[vector<16xi32>, vector<16xi32>, vector<16xi32>], vector<16xf32>,
      %gather3A_1036 = tpu.vector_load_idx %arg11[%broadcast_in_dim3A_1034, %iota3A, %broadcast_in_dim3A_1032] : memref<8x16x128xf32, #tpu.memory_space<vmem>>[vector<16xi32>, vector<16xi32>, vector<16xi32>], vector<16xf32>,
      %mul3A_1037 = arith.mulf %gather3A_1035, %gather3A_1036 : vector<16xf32>
      %reduce_sum3A_1038 = arith.constant true
      %reduce_sum3A_1039 = vector.broadcast %reduce_sum3A_1038 : i1 to vector<16xi1>
      %reduce_sum3A_1040 = tpu.scan <sum>, %mul3A_1037 masked %reduce_sum3A_1039 : vector<16xf32>, vector<16xi1> -> vector<16xf32>
      %reduce_sum3A_1041 = vector.extract %reduce_sum3A_1040[15] : f32 from vector<16xf32>
      %eq3A_1042 = arith.constant 5 : i32
      %eq3A_1043 = vector.broadcast %eq3A_1042 : i32 to vector<16xi32>
      %eq3A_1044 = arith.cmpi eq, %iota3A, %eq3A_1043 : vector<16xi32>
      %broadcast_in_dim3A_1045 = vector.broadcast %reduce_sum3A_1041 : f32 to vector<16xf32>
      %select_n3A_1046 = arith.select %eq3A_1044, %broadcast_in_dim3A_1045, %select_n3A_1022 : vector<16xi1>, vector<16xf32>
      %slice3A_1047 = vector.extract_strided_slice %get3A_902 {offsets = [6], sizes = [1], strides = [1]} : vector<16xi32> to vector<1xi32>
      %squeeze3A_1048 = vector.extract %slice3A_1047[0] : i32 from vector<1xi32>
      %and3A_1049 = arith.constant 127 : i32
      %and3A_1050 = arith.andi %squeeze3A_1048, %and3A_1049 : i32
      %broadcast_in_dim3A_1051 = vector.broadcast %and3A_1050 : i32 to vector<16xi32>
      %slice3A_1052 = vector.extract_strided_slice %get3A_906 {offsets = [6], sizes = [1], strides = [1]} : vector<16xi32> to vector<1xi32>
      %squeeze3A_1053 = vector.extract %slice3A_1052[0] : i32 from vector<1xi32>
      %and3A_1054 = arith.constant 127 : i32
      %and3A_1055 = arith.andi %squeeze3A_1053, %and3A_1054 : i32
      %broadcast_in_dim3A_1056 = vector.broadcast %and3A_1055 : i32 to vector<16xi32>
      %broadcast_in_dim3A_1057 = arith.constant 6 : i32
      %broadcast_in_dim3A_1058 = vector.broadcast %broadcast_in_dim3A_1057 : i32 to vector<16xi32>
      %gather3A_1059 = tpu.vector_load_idx %arg9[%broadcast_in_dim3A_1058, %iota3A, %broadcast_in_dim3A_1051] : memref<8x16x128xf32, #tpu.memory_space<vmem>>[vector<16xi32>, vector<16xi32>, vector<16xi32>], vector<16xf32>,
      %gather3A_1060 = tpu.vector_load_idx %arg11[%broadcast_in_dim3A_1058, %iota3A, %broadcast_in_dim3A_1056] : memref<8x16x128xf32, #tpu.memory_space<vmem>>[vector<16xi32>, vector<16xi32>, vector<16xi32>], vector<16xf32>,
      %mul3A_1061 = arith.mulf %gather3A_1059, %gather3A_1060 : vector<16xf32>
      %reduce_sum3A_1062 = arith.constant true
      %reduce_sum3A_1063 = vector.broadcast %reduce_sum3A_1062 : i1 to vector<16xi1>
      %reduce_sum3A_1064 = tpu.scan <sum>, %mul3A_1061 masked %reduce_sum3A_1063 : vector<16xf32>, vector<16xi1> -> vector<16xf32>
      %reduce_sum3A_1065 = vector.extract %reduce_sum3A_1064[15] : f32 from vector<16xf32>
      %eq3A_1066 = arith.constant 6 : i32
      %eq3A_1067 = vector.broadcast %eq3A_1066 : i32 to vector<16xi32>
      %eq3A_1068 = arith.cmpi eq, %iota3A, %eq3A_1067 : vector<16xi32>
      %broadcast_in_dim3A_1069 = vector.broadcast %reduce_sum3A_1065 : f32 to vector<16xf32>
      %select_n3A_1070 = arith.select %eq3A_1068, %broadcast_in_dim3A_1069, %select_n3A_1046 : vector<16xi1>, vector<16xf32>
      %slice3A_1071 = vector.extract_strided_slice %get3A_902 {offsets = [7], sizes = [1], strides = [1]} : vector<16xi32> to vector<1xi32>
      %squeeze3A_1072 = vector.extract %slice3A_1071[0] : i32 from vector<1xi32>
      %and3A_1073 = arith.constant 127 : i32
      %and3A_1074 = arith.andi %squeeze3A_1072, %and3A_1073 : i32
      %broadcast_in_dim3A_1075 = vector.broadcast %and3A_1074 : i32 to vector<16xi32>
      %slice3A_1076 = vector.extract_strided_slice %get3A_906 {offsets = [7], sizes = [1], strides = [1]} : vector<16xi32> to vector<1xi32>
      %squeeze3A_1077 = vector.extract %slice3A_1076[0] : i32 from vector<1xi32>
      %and3A_1078 = arith.constant 127 : i32
      %and3A_1079 = arith.andi %squeeze3A_1077, %and3A_1078 : i32
      %broadcast_in_dim3A_1080 = vector.broadcast %and3A_1079 : i32 to vector<16xi32>
      %broadcast_in_dim3A_1081 = arith.constant 7 : i32
      %broadcast_in_dim3A_1082 = vector.broadcast %broadcast_in_dim3A_1081 : i32 to vector<16xi32>
      %gather3A_1083 = tpu.vector_load_idx %arg9[%broadcast_in_dim3A_1082, %iota3A, %broadcast_in_dim3A_1075] : memref<8x16x128xf32, #tpu.memory_space<vmem>>[vector<16xi32>, vector<16xi32>, vector<16xi32>], vector<16xf32>,
      %gather3A_1084 = tpu.vector_load_idx %arg11[%broadcast_in_dim3A_1082, %iota3A, %broadcast_in_dim3A_1080] : memref<8x16x128xf32, #tpu.memory_space<vmem>>[vector<16xi32>, vector<16xi32>, vector<16xi32>], vector<16xf32>,
      %mul3A_1085 = arith.mulf %gather3A_1083, %gather3A_1084 : vector<16xf32>
      %reduce_sum3A_1086 = arith.constant true
      %reduce_sum3A_1087 = vector.broadcast %reduce_sum3A_1086 : i1 to vector<16xi1>
      %reduce_sum3A_1088 = tpu.scan <sum>, %mul3A_1085 masked %reduce_sum3A_1087 : vector<16xf32>, vector<16xi1> -> vector<16xf32>
      %reduce_sum3A_1089 = vector.extract %reduce_sum3A_1088[15] : f32 from vector<16xf32>
      %eq3A_1090 = arith.constant 7 : i32
      %eq3A_1091 = vector.broadcast %eq3A_1090 : i32 to vector<16xi32>
      %eq3A_1092 = arith.cmpi eq, %iota3A, %eq3A_1091 : vector<16xi32>
      %broadcast_in_dim3A_1093 = vector.broadcast %reduce_sum3A_1089 : f32 to vector<16xf32>
      %select_n3A_1094 = arith.select %eq3A_1092, %broadcast_in_dim3A_1093, %select_n3A_1070 : vector<16xi1>, vector<16xf32>
      %mul3A_1095 = arith.constant 8 : i32
      %mul3A_1096 = arith.muli %mul3A_659, %mul3A_1095 : i32
      %lt3A = arith.constant 8 : i32
      %lt3A_1097 = vector.broadcast %lt3A : i32 to vector<16xi32>
      %lt3A_1098 = arith.cmpi slt, %iota3A, %lt3A_1097 : vector<16xi32>
      %swap3A = arith.index_cast %mul3A_1096 : i32 to index
      %swap3A_1099 = tpu.vector_load %arg13[%swap3A] masked %lt3A_1098 {strides = array<i32>} : memref<528xf32, #tpu.memory_space<vmem>>, vector<16xf32>, vector<16xi1>
      tpu.vector_store %arg13[%swap3A], %select_n3A_1094 masked %lt3A_1098 {strides = array<i32>} : memref<528xf32, #tpu.memory_space<vmem>>, vector<16xf32>, vector<16xi1>
      %add3A_1100 = arith.constant 1 : i32
      %add3A_1101 = arith.addi %scan3A_325, %add3A_1100 : i32
      %lt3A_1102 = arith.constant 32 : i32
      %lt3A_1103 = arith.cmpi slt, %add3A_1101, %lt3A_1102 : i32
      %convert_element_type3A = arith.extui %lt3A_1103 : i1 to i32
      %cond3A = arith.constant 0 : i32
      %cond3A_1104 = arith.cmpi ne, %convert_element_type3A, %cond3A : i32
      scf.if %cond3A_1104 {
        %mul3A_1558 = arith.constant 2 : i32
        %mul3A_1559 = arith.muli %mul3A_1558, %scan3A_325 : i32
        %add3A_1560 = arith.constant 2 : i32
        %add3A_1561 = arith.addi %mul3A_1559, %add3A_1560 : i32
        %mul3A_1562 = arith.constant 8 : i32
        %mul3A_1563 = arith.muli %add3A_1561, %mul3A_1562 : i32
        %get3A_1564 = arith.index_cast %mul3A_1563 : i32 to index
        %get3A_1565 = tpu.vector_load %arg7[%get3A_1564] {strides = array<i32>} : memref<528xi32, #tpu.memory_space<vmem>>, vector<16xi32>,
        %mul3A_1566 = arith.constant 8 : i32
        %mul3A_1567 = arith.muli %add3A_1561, %mul3A_1566 : i32
        %get3A_1568 = arith.index_cast %mul3A_1567 : i32 to index
        %get3A_1569 = tpu.vector_load %arg8[%get3A_1568] {strides = array<i32>} : memref<528xi32, #tpu.memory_space<vmem>>, vector<16xi32>,
        %slice3A_1570 = vector.extract_strided_slice %get3A_1565 {offsets = [0], sizes = [1], strides = [1]} : vector<16xi32> to vector<1xi32>
        %squeeze3A_1571 = vector.extract %slice3A_1570[0] : i32 from vector<1xi32>
        %shift_right_arithmetic3A_1572 = arith.constant 7 : i32
        %shift_right_arithmetic3A_1573 = arith.shrsi %squeeze3A_1571, %shift_right_arithmetic3A_1572 : i32
        %shift_left3A_1574 = arith.constant 7 : i32
        %shift_left3A_1575 = arith.shli %shift_right_arithmetic3A_1573, %shift_left3A_1574 : i32
        %multiple_of3A_1576 = tpu.assume_multiple %shift_left3A_1575, 128 : i32
        %dma_start3A_1577 = arith.constant 0 : i32
        %dma_start3A_1578 = arith.constant 0 : i32
        %dma_start3A_1579 = arith.constant 0 : i32
        %dma_start3A_1580 = tpu.memref_slice %arg9[%dma_start3A_1577, %dma_start3A_1578, %dma_start3A_1579] : memref<8x16x128xf32, #tpu.memory_space<vmem>> -> memref<1x16x128xf32, #tpu.memory_space<vmem>>
        %dma_start3A_1581 = tpu.memref_squeeze %dma_start3A_1580 : memref<1x16x128xf32, #tpu.memory_space<vmem>> -> memref<16x128xf32, #tpu.memory_space<vmem>>
        %dma_start3A_1582 = arith.constant 0 : i32
        %dma_start3A_1583 = tpu.memref_slice %arg4[%dma_start3A_1582, %multiple_of3A_1576] : memref<16x1000000xf32, #tpu.memory_space<hbm>> -> memref<16x128xf32, #tpu.memory_space<hbm>>
        %dma_start3A_1584 = arith.constant 0 : i32
        %dma_start3A_1585 = arith.constant 0 : i32
        %dma_start3A_1586 = tpu.memref_slice %arg9[%dma_start3A_1577, %dma_start3A_1584, %dma_start3A_1585] : memref<8x16x128xf32, #tpu.memory_space<vmem>> -> memref<1x16x128xf32, #tpu.memory_space<vmem>>
        %dma_start3A_1587 = tpu.memref_squeeze %dma_start3A_1586 : memref<1x16x128xf32, #tpu.memory_space<vmem>> -> memref<16x128xf32, #tpu.memory_space<vmem>>
        %dma_start3A_1588 = arith.constant 0 : i32
        %dma_start3A_1589 = tpu.memref_slice %arg4[%dma_start3A_1588, %multiple_of3A_1576] : memref<16x1000000xf32, #tpu.memory_space<hbm>> -> memref<16x128xf32, #tpu.memory_space<hbm>>
        tpu.enqueue_dma source(%dma_start3A_1589 : memref<16x128xf32, #tpu.memory_space<hbm>>) target(%dma_start3A_1587 : memref<16x128xf32, #tpu.memory_space<vmem>>) target_semaphore(%arg14 : memref<!tpu.dma_semaphore, #tpu.memory_space<semaphore_mem>>)
        %slice3A_1590 = vector.extract_strided_slice %get3A_1569 {offsets = [0], sizes = [1], strides = [1]} : vector<16xi32> to vector<1xi32>
        %squeeze3A_1591 = vector.extract %slice3A_1590[0] : i32 from vector<1xi32>
        %shift_right_arithmetic3A_1592 = arith.constant 7 : i32
        %shift_right_arithmetic3A_1593 = arith.shrsi %squeeze3A_1591, %shift_right_arithmetic3A_1592 : i32
        %shift_left3A_1594 = arith.constant 7 : i32
        %shift_left3A_1595 = arith.shli %shift_right_arithmetic3A_1593, %shift_left3A_1594 : i32
        %multiple_of3A_1596 = tpu.assume_multiple %shift_left3A_1595, 128 : i32
        %dma_start3A_1597 = arith.constant 0 : i32
        %dma_start3A_1598 = arith.constant 0 : i32
        %dma_start3A_1599 = arith.constant 0 : i32
        %dma_start3A_1600 = tpu.memref_slice %arg11[%dma_start3A_1597, %dma_start3A_1598, %dma_start3A_1599] : memref<8x16x128xf32, #tpu.memory_space<vmem>> -> memref<1x16x128xf32, #tpu.memory_space<vmem>>
        %dma_start3A_1601 = tpu.memref_squeeze %dma_start3A_1600 : memref<1x16x128xf32, #tpu.memory_space<vmem>> -> memref<16x128xf32, #tpu.memory_space<vmem>>
        %dma_start3A_1602 = arith.constant 0 : i32
        %dma_start3A_1603 = tpu.memref_slice %arg5[%dma_start3A_1602, %multiple_of3A_1596] : memref<16x1000000xf32, #tpu.memory_space<hbm>> -> memref<16x128xf32, #tpu.memory_space<hbm>>
        %dma_start3A_1604 = arith.constant 0 : i32
        %dma_start3A_1605 = arith.constant 0 : i32
        %dma_start3A_1606 = tpu.memref_slice %arg11[%dma_start3A_1597, %dma_start3A_1604, %dma_start3A_1605] : memref<8x16x128xf32, #tpu.memory_space<vmem>> -> memref<1x16x128xf32, #tpu.memory_space<vmem>>
        %dma_start3A_1607 = tpu.memref_squeeze %dma_start3A_1606 : memref<1x16x128xf32, #tpu.memory_space<vmem>> -> memref<16x128xf32, #tpu.memory_space<vmem>>
        %dma_start3A_1608 = arith.constant 0 : i32
        %dma_start3A_1609 = tpu.memref_slice %arg5[%dma_start3A_1608, %multiple_of3A_1596] : memref<16x1000000xf32, #tpu.memory_space<hbm>> -> memref<16x128xf32, #tpu.memory_space<hbm>>
        tpu.enqueue_dma source(%dma_start3A_1609 : memref<16x128xf32, #tpu.memory_space<hbm>>) target(%dma_start3A_1607 : memref<16x128xf32, #tpu.memory_space<vmem>>) target_semaphore(%arg14 : memref<!tpu.dma_semaphore, #tpu.memory_space<semaphore_mem>>)
        %slice3A_1610 = vector.extract_strided_slice %get3A_1565 {offsets = [1], sizes = [1], strides = [1]} : vector<16xi32> to vector<1xi32>
        %squeeze3A_1611 = vector.extract %slice3A_1610[0] : i32 from vector<1xi32>
        %shift_right_arithmetic3A_1612 = arith.constant 7 : i32
        %shift_right_arithmetic3A_1613 = arith.shrsi %squeeze3A_1611, %shift_right_arithmetic3A_1612 : i32
        %shift_left3A_1614 = arith.constant 7 : i32
        %shift_left3A_1615 = arith.shli %shift_right_arithmetic3A_1613, %shift_left3A_1614 : i32
        %multiple_of3A_1616 = tpu.assume_multiple %shift_left3A_1615, 128 : i32
        %dma_start3A_1617 = arith.constant 1 : i32
        %dma_start3A_1618 = arith.constant 0 : i32
        %dma_start3A_1619 = arith.constant 0 : i32
        %dma_start3A_1620 = tpu.memref_slice %arg9[%dma_start3A_1617, %dma_start3A_1618, %dma_start3A_1619] : memref<8x16x128xf32, #tpu.memory_space<vmem>> -> memref<1x16x128xf32, #tpu.memory_space<vmem>>
        %dma_start3A_1621 = tpu.memref_squeeze %dma_start3A_1620 : memref<1x16x128xf32, #tpu.memory_space<vmem>> -> memref<16x128xf32, #tpu.memory_space<vmem>>
        %dma_start3A_1622 = arith.constant 0 : i32
        %dma_start3A_1623 = tpu.memref_slice %arg4[%dma_start3A_1622, %multiple_of3A_1616] : memref<16x1000000xf32, #tpu.memory_space<hbm>> -> memref<16x128xf32, #tpu.memory_space<hbm>>
        %dma_start3A_1624 = arith.constant 0 : i32
        %dma_start3A_1625 = arith.constant 0 : i32
        %dma_start3A_1626 = tpu.memref_slice %arg9[%dma_start3A_1617, %dma_start3A_1624, %dma_start3A_1625] : memref<8x16x128xf32, #tpu.memory_space<vmem>> -> memref<1x16x128xf32, #tpu.memory_space<vmem>>
        %dma_start3A_1627 = tpu.memref_squeeze %dma_start3A_1626 : memref<1x16x128xf32, #tpu.memory_space<vmem>> -> memref<16x128xf32, #tpu.memory_space<vmem>>
        %dma_start3A_1628 = arith.constant 0 : i32
        %dma_start3A_1629 = tpu.memref_slice %arg4[%dma_start3A_1628, %multiple_of3A_1616] : memref<16x1000000xf32, #tpu.memory_space<hbm>> -> memref<16x128xf32, #tpu.memory_space<hbm>>
        tpu.enqueue_dma source(%dma_start3A_1629 : memref<16x128xf32, #tpu.memory_space<hbm>>) target(%dma_start3A_1627 : memref<16x128xf32, #tpu.memory_space<vmem>>) target_semaphore(%arg14 : memref<!tpu.dma_semaphore, #tpu.memory_space<semaphore_mem>>)
        %slice3A_1630 = vector.extract_strided_slice %get3A_1569 {offsets = [1], sizes = [1], strides = [1]} : vector<16xi32> to vector<1xi32>
        %squeeze3A_1631 = vector.extract %slice3A_1630[0] : i32 from vector<1xi32>
        %shift_right_arithmetic3A_1632 = arith.constant 7 : i32
        %shift_right_arithmetic3A_1633 = arith.shrsi %squeeze3A_1631, %shift_right_arithmetic3A_1632 : i32
        %shift_left3A_1634 = arith.constant 7 : i32
        %shift_left3A_1635 = arith.shli %shift_right_arithmetic3A_1633, %shift_left3A_1634 : i32
        %multiple_of3A_1636 = tpu.assume_multiple %shift_left3A_1635, 128 : i32
        %dma_start3A_1637 = arith.constant 1 : i32
        %dma_start3A_1638 = arith.constant 0 : i32
        %dma_start3A_1639 = arith.constant 0 : i32
        %dma_start3A_1640 = tpu.memref_slice %arg11[%dma_start3A_1637, %dma_start3A_1638, %dma_start3A_1639] : memref<8x16x128xf32, #tpu.memory_space<vmem>> -> memref<1x16x128xf32, #tpu.memory_space<vmem>>
        %dma_start3A_1641 = tpu.memref_squeeze %dma_start3A_1640 : memref<1x16x128xf32, #tpu.memory_space<vmem>> -> memref<16x128xf32, #tpu.memory_space<vmem>>
        %dma_start3A_1642 = arith.constant 0 : i32
        %dma_start3A_1643 = tpu.memref_slice %arg5[%dma_start3A_1642, %multiple_of3A_1636] : memref<16x1000000xf32, #tpu.memory_space<hbm>> -> memref<16x128xf32, #tpu.memory_space<hbm>>
        %dma_start3A_1644 = arith.constant 0 : i32
        %dma_start3A_1645 = arith.constant 0 : i32
        %dma_start3A_1646 = tpu.memref_slice %arg11[%dma_start3A_1637, %dma_start3A_1644, %dma_start3A_1645] : memref<8x16x128xf32, #tpu.memory_space<vmem>> -> memref<1x16x128xf32, #tpu.memory_space<vmem>>
        %dma_start3A_1647 = tpu.memref_squeeze %dma_start3A_1646 : memref<1x16x128xf32, #tpu.memory_space<vmem>> -> memref<16x128xf32, #tpu.memory_space<vmem>>
        %dma_start3A_1648 = arith.constant 0 : i32
        %dma_start3A_1649 = tpu.memref_slice %arg5[%dma_start3A_1648, %multiple_of3A_1636] : memref<16x1000000xf32, #tpu.memory_space<hbm>> -> memref<16x128xf32, #tpu.memory_space<hbm>>
        tpu.enqueue_dma source(%dma_start3A_1649 : memref<16x128xf32, #tpu.memory_space<hbm>>) target(%dma_start3A_1647 : memref<16x128xf32, #tpu.memory_space<vmem>>) target_semaphore(%arg14 : memref<!tpu.dma_semaphore, #tpu.memory_space<semaphore_mem>>)
        %slice3A_1650 = vector.extract_strided_slice %get3A_1565 {offsets = [2], sizes = [1], strides = [1]} : vector<16xi32> to vector<1xi32>
        %squeeze3A_1651 = vector.extract %slice3A_1650[0] : i32 from vector<1xi32>
        %shift_right_arithmetic3A_1652 = arith.constant 7 : i32
        %shift_right_arithmetic3A_1653 = arith.shrsi %squeeze3A_1651, %shift_right_arithmetic3A_1652 : i32
        %shift_left3A_1654 = arith.constant 7 : i32
        %shift_left3A_1655 = arith.shli %shift_right_arithmetic3A_1653, %shift_left3A_1654 : i32
        %multiple_of3A_1656 = tpu.assume_multiple %shift_left3A_1655, 128 : i32
        %dma_start3A_1657 = arith.constant 2 : i32
        %dma_start3A_1658 = arith.constant 0 : i32
        %dma_start3A_1659 = arith.constant 0 : i32
        %dma_start3A_1660 = tpu.memref_slice %arg9[%dma_start3A_1657, %dma_start3A_1658, %dma_start3A_1659] : memref<8x16x128xf32, #tpu.memory_space<vmem>> -> memref<1x16x128xf32, #tpu.memory_space<vmem>>
        %dma_start3A_1661 = tpu.memref_squeeze %dma_start3A_1660 : memref<1x16x128xf32, #tpu.memory_space<vmem>> -> memref<16x128xf32, #tpu.memory_space<vmem>>
        %dma_start3A_1662 = arith.constant 0 : i32
        %dma_start3A_1663 = tpu.memref_slice %arg4[%dma_start3A_1662, %multiple_of3A_1656] : memref<16x1000000xf32, #tpu.memory_space<hbm>> -> memref<16x128xf32, #tpu.memory_space<hbm>>
        %dma_start3A_1664 = arith.constant 0 : i32
        %dma_start3A_1665 = arith.constant 0 : i32
        %dma_start3A_1666 = tpu.memref_slice %arg9[%dma_start3A_1657, %dma_start3A_1664, %dma_start3A_1665] : memref<8x16x128xf32, #tpu.memory_space<vmem>> -> memref<1x16x128xf32, #tpu.memory_space<vmem>>
        %dma_start3A_1667 = tpu.memref_squeeze %dma_start3A_1666 : memref<1x16x128xf32, #tpu.memory_space<vmem>> -> memref<16x128xf32, #tpu.memory_space<vmem>>
        %dma_start3A_1668 = arith.constant 0 : i32
        %dma_start3A_1669 = tpu.memref_slice %arg4[%dma_start3A_1668, %multiple_of3A_1656] : memref<16x1000000xf32, #tpu.memory_space<hbm>> -> memref<16x128xf32, #tpu.memory_space<hbm>>
        tpu.enqueue_dma source(%dma_start3A_1669 : memref<16x128xf32, #tpu.memory_space<hbm>>) target(%dma_start3A_1667 : memref<16x128xf32, #tpu.memory_space<vmem>>) target_semaphore(%arg14 : memref<!tpu.dma_semaphore, #tpu.memory_space<semaphore_mem>>)
        %slice3A_1670 = vector.extract_strided_slice %get3A_1569 {offsets = [2], sizes = [1], strides = [1]} : vector<16xi32> to vector<1xi32>
        %squeeze3A_1671 = vector.extract %slice3A_1670[0] : i32 from vector<1xi32>
        %shift_right_arithmetic3A_1672 = arith.constant 7 : i32
        %shift_right_arithmetic3A_1673 = arith.shrsi %squeeze3A_1671, %shift_right_arithmetic3A_1672 : i32
        %shift_left3A_1674 = arith.constant 7 : i32
        %shift_left3A_1675 = arith.shli %shift_right_arithmetic3A_1673, %shift_left3A_1674 : i32
        %multiple_of3A_1676 = tpu.assume_multiple %shift_left3A_1675, 128 : i32
        %dma_start3A_1677 = arith.constant 2 : i32
        %dma_start3A_1678 = arith.constant 0 : i32
        %dma_start3A_1679 = arith.constant 0 : i32
        %dma_start3A_1680 = tpu.memref_slice %arg11[%dma_start3A_1677, %dma_start3A_1678, %dma_start3A_1679] : memref<8x16x128xf32, #tpu.memory_space<vmem>> -> memref<1x16x128xf32, #tpu.memory_space<vmem>>
        %dma_start3A_1681 = tpu.memref_squeeze %dma_start3A_1680 : memref<1x16x128xf32, #tpu.memory_space<vmem>> -> memref<16x128xf32, #tpu.memory_space<vmem>>
        %dma_start3A_1682 = arith.constant 0 : i32
        %dma_start3A_1683 = tpu.memref_slice %arg5[%dma_start3A_1682, %multiple_of3A_1676] : memref<16x1000000xf32, #tpu.memory_space<hbm>> -> memref<16x128xf32, #tpu.memory_space<hbm>>
        %dma_start3A_1684 = arith.constant 0 : i32
        %dma_start3A_1685 = arith.constant 0 : i32
        %dma_start3A_1686 = tpu.memref_slice %arg11[%dma_start3A_1677, %dma_start3A_1684, %dma_start3A_1685] : memref<8x16x128xf32, #tpu.memory_space<vmem>> -> memref<1x16x128xf32, #tpu.memory_space<vmem>>
        %dma_start3A_1687 = tpu.memref_squeeze %dma_start3A_1686 : memref<1x16x128xf32, #tpu.memory_space<vmem>> -> memref<16x128xf32, #tpu.memory_space<vmem>>
        %dma_start3A_1688 = arith.constant 0 : i32
        %dma_start3A_1689 = tpu.memref_slice %arg5[%dma_start3A_1688, %multiple_of3A_1676] : memref<16x1000000xf32, #tpu.memory_space<hbm>> -> memref<16x128xf32, #tpu.memory_space<hbm>>
        tpu.enqueue_dma source(%dma_start3A_1689 : memref<16x128xf32, #tpu.memory_space<hbm>>) target(%dma_start3A_1687 : memref<16x128xf32, #tpu.memory_space<vmem>>) target_semaphore(%arg14 : memref<!tpu.dma_semaphore, #tpu.memory_space<semaphore_mem>>)
        %slice3A_1690 = vector.extract_strided_slice %get3A_1565 {offsets = [3], sizes = [1], strides = [1]} : vector<16xi32> to vector<1xi32>
        %squeeze3A_1691 = vector.extract %slice3A_1690[0] : i32 from vector<1xi32>
        %shift_right_arithmetic3A_1692 = arith.constant 7 : i32
        %shift_right_arithmetic3A_1693 = arith.shrsi %squeeze3A_1691, %shift_right_arithmetic3A_1692 : i32
        %shift_left3A_1694 = arith.constant 7 : i32
        %shift_left3A_1695 = arith.shli %shift_right_arithmetic3A_1693, %shift_left3A_1694 : i32
        %multiple_of3A_1696 = tpu.assume_multiple %shift_left3A_1695, 128 : i32
        %dma_start3A_1697 = arith.constant 3 : i32
        %dma_start3A_1698 = arith.constant 0 : i32
        %dma_start3A_1699 = arith.constant 0 : i32
        %dma_start3A_1700 = tpu.memref_slice %arg9[%dma_start3A_1697, %dma_start3A_1698, %dma_start3A_1699] : memref<8x16x128xf32, #tpu.memory_space<vmem>> -> memref<1x16x128xf32, #tpu.memory_space<vmem>>
        %dma_start3A_1701 = tpu.memref_squeeze %dma_start3A_1700 : memref<1x16x128xf32, #tpu.memory_space<vmem>> -> memref<16x128xf32, #tpu.memory_space<vmem>>
        %dma_start3A_1702 = arith.constant 0 : i32
        %dma_start3A_1703 = tpu.memref_slice %arg4[%dma_start3A_1702, %multiple_of3A_1696] : memref<16x1000000xf32, #tpu.memory_space<hbm>> -> memref<16x128xf32, #tpu.memory_space<hbm>>
        %dma_start3A_1704 = arith.constant 0 : i32
        %dma_start3A_1705 = arith.constant 0 : i32
        %dma_start3A_1706 = tpu.memref_slice %arg9[%dma_start3A_1697, %dma_start3A_1704, %dma_start3A_1705] : memref<8x16x128xf32, #tpu.memory_space<vmem>> -> memref<1x16x128xf32, #tpu.memory_space<vmem>>
        %dma_start3A_1707 = tpu.memref_squeeze %dma_start3A_1706 : memref<1x16x128xf32, #tpu.memory_space<vmem>> -> memref<16x128xf32, #tpu.memory_space<vmem>>
        %dma_start3A_1708 = arith.constant 0 : i32
        %dma_start3A_1709 = tpu.memref_slice %arg4[%dma_start3A_1708, %multiple_of3A_1696] : memref<16x1000000xf32, #tpu.memory_space<hbm>> -> memref<16x128xf32, #tpu.memory_space<hbm>>
        tpu.enqueue_dma source(%dma_start3A_1709 : memref<16x128xf32, #tpu.memory_space<hbm>>) target(%dma_start3A_1707 : memref<16x128xf32, #tpu.memory_space<vmem>>) target_semaphore(%arg14 : memref<!tpu.dma_semaphore, #tpu.memory_space<semaphore_mem>>)
        %slice3A_1710 = vector.extract_strided_slice %get3A_1569 {offsets = [3], sizes = [1], strides = [1]} : vector<16xi32> to vector<1xi32>
        %squeeze3A_1711 = vector.extract %slice3A_1710[0] : i32 from vector<1xi32>
        %shift_right_arithmetic3A_1712 = arith.constant 7 : i32
        %shift_right_arithmetic3A_1713 = arith.shrsi %squeeze3A_1711, %shift_right_arithmetic3A_1712 : i32
        %shift_left3A_1714 = arith.constant 7 : i32
        %shift_left3A_1715 = arith.shli %shift_right_arithmetic3A_1713, %shift_left3A_1714 : i32
        %multiple_of3A_1716 = tpu.assume_multiple %shift_left3A_1715, 128 : i32
        %dma_start3A_1717 = arith.constant 3 : i32
        %dma_start3A_1718 = arith.constant 0 : i32
        %dma_start3A_1719 = arith.constant 0 : i32
        %dma_start3A_1720 = tpu.memref_slice %arg11[%dma_start3A_1717, %dma_start3A_1718, %dma_start3A_1719] : memref<8x16x128xf32, #tpu.memory_space<vmem>> -> memref<1x16x128xf32, #tpu.memory_space<vmem>>
        %dma_start3A_1721 = tpu.memref_squeeze %dma_start3A_1720 : memref<1x16x128xf32, #tpu.memory_space<vmem>> -> memref<16x128xf32, #tpu.memory_space<vmem>>
        %dma_start3A_1722 = arith.constant 0 : i32
        %dma_start3A_1723 = tpu.memref_slice %arg5[%dma_start3A_1722, %multiple_of3A_1716] : memref<16x1000000xf32, #tpu.memory_space<hbm>> -> memref<16x128xf32, #tpu.memory_space<hbm>>
        %dma_start3A_1724 = arith.constant 0 : i32
        %dma_start3A_1725 = arith.constant 0 : i32
        %dma_start3A_1726 = tpu.memref_slice %arg11[%dma_start3A_1717, %dma_start3A_1724, %dma_start3A_1725] : memref<8x16x128xf32, #tpu.memory_space<vmem>> -> memref<1x16x128xf32, #tpu.memory_space<vmem>>
        %dma_start3A_1727 = tpu.memref_squeeze %dma_start3A_1726 : memref<1x16x128xf32, #tpu.memory_space<vmem>> -> memref<16x128xf32, #tpu.memory_space<vmem>>
        %dma_start3A_1728 = arith.constant 0 : i32
        %dma_start3A_1729 = tpu.memref_slice %arg5[%dma_start3A_1728, %multiple_of3A_1716] : memref<16x1000000xf32, #tpu.memory_space<hbm>> -> memref<16x128xf32, #tpu.memory_space<hbm>>
        tpu.enqueue_dma source(%dma_start3A_1729 : memref<16x128xf32, #tpu.memory_space<hbm>>) target(%dma_start3A_1727 : memref<16x128xf32, #tpu.memory_space<vmem>>) target_semaphore(%arg14 : memref<!tpu.dma_semaphore, #tpu.memory_space<semaphore_mem>>)
        %slice3A_1730 = vector.extract_strided_slice %get3A_1565 {offsets = [4], sizes = [1], strides = [1]} : vector<16xi32> to vector<1xi32>
        %squeeze3A_1731 = vector.extract %slice3A_1730[0] : i32 from vector<1xi32>
        %shift_right_arithmetic3A_1732 = arith.constant 7 : i32
        %shift_right_arithmetic3A_1733 = arith.shrsi %squeeze3A_1731, %shift_right_arithmetic3A_1732 : i32
        %shift_left3A_1734 = arith.constant 7 : i32
        %shift_left3A_1735 = arith.shli %shift_right_arithmetic3A_1733, %shift_left3A_1734 : i32
        %multiple_of3A_1736 = tpu.assume_multiple %shift_left3A_1735, 128 : i32
        %dma_start3A_1737 = arith.constant 4 : i32
        %dma_start3A_1738 = arith.constant 0 : i32
        %dma_start3A_1739 = arith.constant 0 : i32
        %dma_start3A_1740 = tpu.memref_slice %arg9[%dma_start3A_1737, %dma_start3A_1738, %dma_start3A_1739] : memref<8x16x128xf32, #tpu.memory_space<vmem>> -> memref<1x16x128xf32, #tpu.memory_space<vmem>>
        %dma_start3A_1741 = tpu.memref_squeeze %dma_start3A_1740 : memref<1x16x128xf32, #tpu.memory_space<vmem>> -> memref<16x128xf32, #tpu.memory_space<vmem>>
        %dma_start3A_1742 = arith.constant 0 : i32
        %dma_start3A_1743 = tpu.memref_slice %arg4[%dma_start3A_1742, %multiple_of3A_1736] : memref<16x1000000xf32, #tpu.memory_space<hbm>> -> memref<16x128xf32, #tpu.memory_space<hbm>>
        %dma_start3A_1744 = arith.constant 0 : i32
        %dma_start3A_1745 = arith.constant 0 : i32
        %dma_start3A_1746 = tpu.memref_slice %arg9[%dma_start3A_1737, %dma_start3A_1744, %dma_start3A_1745] : memref<8x16x128xf32, #tpu.memory_space<vmem>> -> memref<1x16x128xf32, #tpu.memory_space<vmem>>
        %dma_start3A_1747 = tpu.memref_squeeze %dma_start3A_1746 : memref<1x16x128xf32, #tpu.memory_space<vmem>> -> memref<16x128xf32, #tpu.memory_space<vmem>>
        %dma_start3A_1748 = arith.constant 0 : i32
        %dma_start3A_1749 = tpu.memref_slice %arg4[%dma_start3A_1748, %multiple_of3A_1736] : memref<16x1000000xf32, #tpu.memory_space<hbm>> -> memref<16x128xf32, #tpu.memory_space<hbm>>
        tpu.enqueue_dma source(%dma_start3A_1749 : memref<16x128xf32, #tpu.memory_space<hbm>>) target(%dma_start3A_1747 : memref<16x128xf32, #tpu.memory_space<vmem>>) target_semaphore(%arg14 : memref<!tpu.dma_semaphore, #tpu.memory_space<semaphore_mem>>)
        %slice3A_1750 = vector.extract_strided_slice %get3A_1569 {offsets = [4], sizes = [1], strides = [1]} : vector<16xi32> to vector<1xi32>
        %squeeze3A_1751 = vector.extract %slice3A_1750[0] : i32 from vector<1xi32>
        %shift_right_arithmetic3A_1752 = arith.constant 7 : i32
        %shift_right_arithmetic3A_1753 = arith.shrsi %squeeze3A_1751, %shift_right_arithmetic3A_1752 : i32
        %shift_left3A_1754 = arith.constant 7 : i32
        %shift_left3A_1755 = arith.shli %shift_right_arithmetic3A_1753, %shift_left3A_1754 : i32
        %multiple_of3A_1756 = tpu.assume_multiple %shift_left3A_1755, 128 : i32
        %dma_start3A_1757 = arith.constant 4 : i32
        %dma_start3A_1758 = arith.constant 0 : i32
        %dma_start3A_1759 = arith.constant 0 : i32
        %dma_start3A_1760 = tpu.memref_slice %arg11[%dma_start3A_1757, %dma_start3A_1758, %dma_start3A_1759] : memref<8x16x128xf32, #tpu.memory_space<vmem>> -> memref<1x16x128xf32, #tpu.memory_space<vmem>>
        %dma_start3A_1761 = tpu.memref_squeeze %dma_start3A_1760 : memref<1x16x128xf32, #tpu.memory_space<vmem>> -> memref<16x128xf32, #tpu.memory_space<vmem>>
        %dma_start3A_1762 = arith.constant 0 : i32
        %dma_start3A_1763 = tpu.memref_slice %arg5[%dma_start3A_1762, %multiple_of3A_1756] : memref<16x1000000xf32, #tpu.memory_space<hbm>> -> memref<16x128xf32, #tpu.memory_space<hbm>>
        %dma_start3A_1764 = arith.constant 0 : i32
        %dma_start3A_1765 = arith.constant 0 : i32
        %dma_start3A_1766 = tpu.memref_slice %arg11[%dma_start3A_1757, %dma_start3A_1764, %dma_start3A_1765] : memref<8x16x128xf32, #tpu.memory_space<vmem>> -> memref<1x16x128xf32, #tpu.memory_space<vmem>>
        %dma_start3A_1767 = tpu.memref_squeeze %dma_start3A_1766 : memref<1x16x128xf32, #tpu.memory_space<vmem>> -> memref<16x128xf32, #tpu.memory_space<vmem>>
        %dma_start3A_1768 = arith.constant 0 : i32
        %dma_start3A_1769 = tpu.memref_slice %arg5[%dma_start3A_1768, %multiple_of3A_1756] : memref<16x1000000xf32, #tpu.memory_space<hbm>> -> memref<16x128xf32, #tpu.memory_space<hbm>>
        tpu.enqueue_dma source(%dma_start3A_1769 : memref<16x128xf32, #tpu.memory_space<hbm>>) target(%dma_start3A_1767 : memref<16x128xf32, #tpu.memory_space<vmem>>) target_semaphore(%arg14 : memref<!tpu.dma_semaphore, #tpu.memory_space<semaphore_mem>>)
        %slice3A_1770 = vector.extract_strided_slice %get3A_1565 {offsets = [5], sizes = [1], strides = [1]} : vector<16xi32> to vector<1xi32>
        %squeeze3A_1771 = vector.extract %slice3A_1770[0] : i32 from vector<1xi32>
        %shift_right_arithmetic3A_1772 = arith.constant 7 : i32
        %shift_right_arithmetic3A_1773 = arith.shrsi %squeeze3A_1771, %shift_right_arithmetic3A_1772 : i32
        %shift_left3A_1774 = arith.constant 7 : i32
        %shift_left3A_1775 = arith.shli %shift_right_arithmetic3A_1773, %shift_left3A_1774 : i32
        %multiple_of3A_1776 = tpu.assume_multiple %shift_left3A_1775, 128 : i32
        %dma_start3A_1777 = arith.constant 5 : i32
        %dma_start3A_1778 = arith.constant 0 : i32
        %dma_start3A_1779 = arith.constant 0 : i32
        %dma_start3A_1780 = tpu.memref_slice %arg9[%dma_start3A_1777, %dma_start3A_1778, %dma_start3A_1779] : memref<8x16x128xf32, #tpu.memory_space<vmem>> -> memref<1x16x128xf32, #tpu.memory_space<vmem>>
        %dma_start3A_1781 = tpu.memref_squeeze %dma_start3A_1780 : memref<1x16x128xf32, #tpu.memory_space<vmem>> -> memref<16x128xf32, #tpu.memory_space<vmem>>
        %dma_start3A_1782 = arith.constant 0 : i32
        %dma_start3A_1783 = tpu.memref_slice %arg4[%dma_start3A_1782, %multiple_of3A_1776] : memref<16x1000000xf32, #tpu.memory_space<hbm>> -> memref<16x128xf32, #tpu.memory_space<hbm>>
        %dma_start3A_1784 = arith.constant 0 : i32
        %dma_start3A_1785 = arith.constant 0 : i32
        %dma_start3A_1786 = tpu.memref_slice %arg9[%dma_start3A_1777, %dma_start3A_1784, %dma_start3A_1785] : memref<8x16x128xf32, #tpu.memory_space<vmem>> -> memref<1x16x128xf32, #tpu.memory_space<vmem>>
        %dma_start3A_1787 = tpu.memref_squeeze %dma_start3A_1786 : memref<1x16x128xf32, #tpu.memory_space<vmem>> -> memref<16x128xf32, #tpu.memory_space<vmem>>
        %dma_start3A_1788 = arith.constant 0 : i32
        %dma_start3A_1789 = tpu.memref_slice %arg4[%dma_start3A_1788, %multiple_of3A_1776] : memref<16x1000000xf32, #tpu.memory_space<hbm>> -> memref<16x128xf32, #tpu.memory_space<hbm>>
        tpu.enqueue_dma source(%dma_start3A_1789 : memref<16x128xf32, #tpu.memory_space<hbm>>) target(%dma_start3A_1787 : memref<16x128xf32, #tpu.memory_space<vmem>>) target_semaphore(%arg14 : memref<!tpu.dma_semaphore, #tpu.memory_space<semaphore_mem>>)
        %slice3A_1790 = vector.extract_strided_slice %get3A_1569 {offsets = [5], sizes = [1], strides = [1]} : vector<16xi32> to vector<1xi32>
        %squeeze3A_1791 = vector.extract %slice3A_1790[0] : i32 from vector<1xi32>
        %shift_right_arithmetic3A_1792 = arith.constant 7 : i32
        %shift_right_arithmetic3A_1793 = arith.shrsi %squeeze3A_1791, %shift_right_arithmetic3A_1792 : i32
        %shift_left3A_1794 = arith.constant 7 : i32
        %shift_left3A_1795 = arith.shli %shift_right_arithmetic3A_1793, %shift_left3A_1794 : i32
        %multiple_of3A_1796 = tpu.assume_multiple %shift_left3A_1795, 128 : i32
        %dma_start3A_1797 = arith.constant 5 : i32
        %dma_start3A_1798 = arith.constant 0 : i32
        %dma_start3A_1799 = arith.constant 0 : i32
        %dma_start3A_1800 = tpu.memref_slice %arg11[%dma_start3A_1797, %dma_start3A_1798, %dma_start3A_1799] : memref<8x16x128xf32, #tpu.memory_space<vmem>> -> memref<1x16x128xf32, #tpu.memory_space<vmem>>
        %dma_start3A_1801 = tpu.memref_squeeze %dma_start3A_1800 : memref<1x16x128xf32, #tpu.memory_space<vmem>> -> memref<16x128xf32, #tpu.memory_space<vmem>>
        %dma_start3A_1802 = arith.constant 0 : i32
        %dma_start3A_1803 = tpu.memref_slice %arg5[%dma_start3A_1802, %multiple_of3A_1796] : memref<16x1000000xf32, #tpu.memory_space<hbm>> -> memref<16x128xf32, #tpu.memory_space<hbm>>
        %dma_start3A_1804 = arith.constant 0 : i32
        %dma_start3A_1805 = arith.constant 0 : i32
        %dma_start3A_1806 = tpu.memref_slice %arg11[%dma_start3A_1797, %dma_start3A_1804, %dma_start3A_1805] : memref<8x16x128xf32, #tpu.memory_space<vmem>> -> memref<1x16x128xf32, #tpu.memory_space<vmem>>
        %dma_start3A_1807 = tpu.memref_squeeze %dma_start3A_1806 : memref<1x16x128xf32, #tpu.memory_space<vmem>> -> memref<16x128xf32, #tpu.memory_space<vmem>>
        %dma_start3A_1808 = arith.constant 0 : i32
        %dma_start3A_1809 = tpu.memref_slice %arg5[%dma_start3A_1808, %multiple_of3A_1796] : memref<16x1000000xf32, #tpu.memory_space<hbm>> -> memref<16x128xf32, #tpu.memory_space<hbm>>
        tpu.enqueue_dma source(%dma_start3A_1809 : memref<16x128xf32, #tpu.memory_space<hbm>>) target(%dma_start3A_1807 : memref<16x128xf32, #tpu.memory_space<vmem>>) target_semaphore(%arg14 : memref<!tpu.dma_semaphore, #tpu.memory_space<semaphore_mem>>)
        %slice3A_1810 = vector.extract_strided_slice %get3A_1565 {offsets = [6], sizes = [1], strides = [1]} : vector<16xi32> to vector<1xi32>
        %squeeze3A_1811 = vector.extract %slice3A_1810[0] : i32 from vector<1xi32>
        %shift_right_arithmetic3A_1812 = arith.constant 7 : i32
        %shift_right_arithmetic3A_1813 = arith.shrsi %squeeze3A_1811, %shift_right_arithmetic3A_1812 : i32
        %shift_left3A_1814 = arith.constant 7 : i32
        %shift_left3A_1815 = arith.shli %shift_right_arithmetic3A_1813, %shift_left3A_1814 : i32
        %multiple_of3A_1816 = tpu.assume_multiple %shift_left3A_1815, 128 : i32
        %dma_start3A_1817 = arith.constant 6 : i32
        %dma_start3A_1818 = arith.constant 0 : i32
        %dma_start3A_1819 = arith.constant 0 : i32
        %dma_start3A_1820 = tpu.memref_slice %arg9[%dma_start3A_1817, %dma_start3A_1818, %dma_start3A_1819] : memref<8x16x128xf32, #tpu.memory_space<vmem>> -> memref<1x16x128xf32, #tpu.memory_space<vmem>>
        %dma_start3A_1821 = tpu.memref_squeeze %dma_start3A_1820 : memref<1x16x128xf32, #tpu.memory_space<vmem>> -> memref<16x128xf32, #tpu.memory_space<vmem>>
        %dma_start3A_1822 = arith.constant 0 : i32
        %dma_start3A_1823 = tpu.memref_slice %arg4[%dma_start3A_1822, %multiple_of3A_1816] : memref<16x1000000xf32, #tpu.memory_space<hbm>> -> memref<16x128xf32, #tpu.memory_space<hbm>>
        %dma_start3A_1824 = arith.constant 0 : i32
        %dma_start3A_1825 = arith.constant 0 : i32
        %dma_start3A_1826 = tpu.memref_slice %arg9[%dma_start3A_1817, %dma_start3A_1824, %dma_start3A_1825] : memref<8x16x128xf32, #tpu.memory_space<vmem>> -> memref<1x16x128xf32, #tpu.memory_space<vmem>>
        %dma_start3A_1827 = tpu.memref_squeeze %dma_start3A_1826 : memref<1x16x128xf32, #tpu.memory_space<vmem>> -> memref<16x128xf32, #tpu.memory_space<vmem>>
        %dma_start3A_1828 = arith.constant 0 : i32
        %dma_start3A_1829 = tpu.memref_slice %arg4[%dma_start3A_1828, %multiple_of3A_1816] : memref<16x1000000xf32, #tpu.memory_space<hbm>> -> memref<16x128xf32, #tpu.memory_space<hbm>>
        tpu.enqueue_dma source(%dma_start3A_1829 : memref<16x128xf32, #tpu.memory_space<hbm>>) target(%dma_start3A_1827 : memref<16x128xf32, #tpu.memory_space<vmem>>) target_semaphore(%arg14 : memref<!tpu.dma_semaphore, #tpu.memory_space<semaphore_mem>>)
        %slice3A_1830 = vector.extract_strided_slice %get3A_1569 {offsets = [6], sizes = [1], strides = [1]} : vector<16xi32> to vector<1xi32>
        %squeeze3A_1831 = vector.extract %slice3A_1830[0] : i32 from vector<1xi32>
        %shift_right_arithmetic3A_1832 = arith.constant 7 : i32
        %shift_right_arithmetic3A_1833 = arith.shrsi %squeeze3A_1831, %shift_right_arithmetic3A_1832 : i32
        %shift_left3A_1834 = arith.constant 7 : i32
        %shift_left3A_1835 = arith.shli %shift_right_arithmetic3A_1833, %shift_left3A_1834 : i32
        %multiple_of3A_1836 = tpu.assume_multiple %shift_left3A_1835, 128 : i32
        %dma_start3A_1837 = arith.constant 6 : i32
        %dma_start3A_1838 = arith.constant 0 : i32
        %dma_start3A_1839 = arith.constant 0 : i32
        %dma_start3A_1840 = tpu.memref_slice %arg11[%dma_start3A_1837, %dma_start3A_1838, %dma_start3A_1839] : memref<8x16x128xf32, #tpu.memory_space<vmem>> -> memref<1x16x128xf32, #tpu.memory_space<vmem>>
        %dma_start3A_1841 = tpu.memref_squeeze %dma_start3A_1840 : memref<1x16x128xf32, #tpu.memory_space<vmem>> -> memref<16x128xf32, #tpu.memory_space<vmem>>
        %dma_start3A_1842 = arith.constant 0 : i32
        %dma_start3A_1843 = tpu.memref_slice %arg5[%dma_start3A_1842, %multiple_of3A_1836] : memref<16x1000000xf32, #tpu.memory_space<hbm>> -> memref<16x128xf32, #tpu.memory_space<hbm>>
        %dma_start3A_1844 = arith.constant 0 : i32
        %dma_start3A_1845 = arith.constant 0 : i32
        %dma_start3A_1846 = tpu.memref_slice %arg11[%dma_start3A_1837, %dma_start3A_1844, %dma_start3A_1845] : memref<8x16x128xf32, #tpu.memory_space<vmem>> -> memref<1x16x128xf32, #tpu.memory_space<vmem>>
        %dma_start3A_1847 = tpu.memref_squeeze %dma_start3A_1846 : memref<1x16x128xf32, #tpu.memory_space<vmem>> -> memref<16x128xf32, #tpu.memory_space<vmem>>
        %dma_start3A_1848 = arith.constant 0 : i32
        %dma_start3A_1849 = tpu.memref_slice %arg5[%dma_start3A_1848, %multiple_of3A_1836] : memref<16x1000000xf32, #tpu.memory_space<hbm>> -> memref<16x128xf32, #tpu.memory_space<hbm>>
        tpu.enqueue_dma source(%dma_start3A_1849 : memref<16x128xf32, #tpu.memory_space<hbm>>) target(%dma_start3A_1847 : memref<16x128xf32, #tpu.memory_space<vmem>>) target_semaphore(%arg14 : memref<!tpu.dma_semaphore, #tpu.memory_space<semaphore_mem>>)
        %slice3A_1850 = vector.extract_strided_slice %get3A_1565 {offsets = [7], sizes = [1], strides = [1]} : vector<16xi32> to vector<1xi32>
        %squeeze3A_1851 = vector.extract %slice3A_1850[0] : i32 from vector<1xi32>
        %shift_right_arithmetic3A_1852 = arith.constant 7 : i32
        %shift_right_arithmetic3A_1853 = arith.shrsi %squeeze3A_1851, %shift_right_arithmetic3A_1852 : i32
        %shift_left3A_1854 = arith.constant 7 : i32
        %shift_left3A_1855 = arith.shli %shift_right_arithmetic3A_1853, %shift_left3A_1854 : i32
        %multiple_of3A_1856 = tpu.assume_multiple %shift_left3A_1855, 128 : i32
        %dma_start3A_1857 = arith.constant 7 : i32
        %dma_start3A_1858 = arith.constant 0 : i32
        %dma_start3A_1859 = arith.constant 0 : i32
        %dma_start3A_1860 = tpu.memref_slice %arg9[%dma_start3A_1857, %dma_start3A_1858, %dma_start3A_1859] : memref<8x16x128xf32, #tpu.memory_space<vmem>> -> memref<1x16x128xf32, #tpu.memory_space<vmem>>
        %dma_start3A_1861 = tpu.memref_squeeze %dma_start3A_1860 : memref<1x16x128xf32, #tpu.memory_space<vmem>> -> memref<16x128xf32, #tpu.memory_space<vmem>>
        %dma_start3A_1862 = arith.constant 0 : i32
        %dma_start3A_1863 = tpu.memref_slice %arg4[%dma_start3A_1862, %multiple_of3A_1856] : memref<16x1000000xf32, #tpu.memory_space<hbm>> -> memref<16x128xf32, #tpu.memory_space<hbm>>
        %dma_start3A_1864 = arith.constant 0 : i32
        %dma_start3A_1865 = arith.constant 0 : i32
        %dma_start3A_1866 = tpu.memref_slice %arg9[%dma_start3A_1857, %dma_start3A_1864, %dma_start3A_1865] : memref<8x16x128xf32, #tpu.memory_space<vmem>> -> memref<1x16x128xf32, #tpu.memory_space<vmem>>
        %dma_start3A_1867 = tpu.memref_squeeze %dma_start3A_1866 : memref<1x16x128xf32, #tpu.memory_space<vmem>> -> memref<16x128xf32, #tpu.memory_space<vmem>>
        %dma_start3A_1868 = arith.constant 0 : i32
        %dma_start3A_1869 = tpu.memref_slice %arg4[%dma_start3A_1868, %multiple_of3A_1856] : memref<16x1000000xf32, #tpu.memory_space<hbm>> -> memref<16x128xf32, #tpu.memory_space<hbm>>
        tpu.enqueue_dma source(%dma_start3A_1869 : memref<16x128xf32, #tpu.memory_space<hbm>>) target(%dma_start3A_1867 : memref<16x128xf32, #tpu.memory_space<vmem>>) target_semaphore(%arg14 : memref<!tpu.dma_semaphore, #tpu.memory_space<semaphore_mem>>)
        %slice3A_1870 = vector.extract_strided_slice %get3A_1569 {offsets = [7], sizes = [1], strides = [1]} : vector<16xi32> to vector<1xi32>
        %squeeze3A_1871 = vector.extract %slice3A_1870[0] : i32 from vector<1xi32>
        %shift_right_arithmetic3A_1872 = arith.constant 7 : i32
        %shift_right_arithmetic3A_1873 = arith.shrsi %squeeze3A_1871, %shift_right_arithmetic3A_1872 : i32
        %shift_left3A_1874 = arith.constant 7 : i32
        %shift_left3A_1875 = arith.shli %shift_right_arithmetic3A_1873, %shift_left3A_1874 : i32
        %multiple_of3A_1876 = tpu.assume_multiple %shift_left3A_1875, 128 : i32
        %dma_start3A_1877 = arith.constant 7 : i32
        %dma_start3A_1878 = arith.constant 0 : i32
        %dma_start3A_1879 = arith.constant 0 : i32
        %dma_start3A_1880 = tpu.memref_slice %arg11[%dma_start3A_1877, %dma_start3A_1878, %dma_start3A_1879] : memref<8x16x128xf32, #tpu.memory_space<vmem>> -> memref<1x16x128xf32, #tpu.memory_space<vmem>>
        %dma_start3A_1881 = tpu.memref_squeeze %dma_start3A_1880 : memref<1x16x128xf32, #tpu.memory_space<vmem>> -> memref<16x128xf32, #tpu.memory_space<vmem>>
        %dma_start3A_1882 = arith.constant 0 : i32
        %dma_start3A_1883 = tpu.memref_slice %arg5[%dma_start3A_1882, %multiple_of3A_1876] : memref<16x1000000xf32, #tpu.memory_space<hbm>> -> memref<16x128xf32, #tpu.memory_space<hbm>>
        %dma_start3A_1884 = arith.constant 0 : i32
        %dma_start3A_1885 = arith.constant 0 : i32
        %dma_start3A_1886 = tpu.memref_slice %arg11[%dma_start3A_1877, %dma_start3A_1884, %dma_start3A_1885] : memref<8x16x128xf32, #tpu.memory_space<vmem>> -> memref<1x16x128xf32, #tpu.memory_space<vmem>>
        %dma_start3A_1887 = tpu.memref_squeeze %dma_start3A_1886 : memref<1x16x128xf32, #tpu.memory_space<vmem>> -> memref<16x128xf32, #tpu.memory_space<vmem>>
        %dma_start3A_1888 = arith.constant 0 : i32
        %dma_start3A_1889 = tpu.memref_slice %arg5[%dma_start3A_1888, %multiple_of3A_1876] : memref<16x1000000xf32, #tpu.memory_space<hbm>> -> memref<16x128xf32, #tpu.memory_space<hbm>>
        tpu.enqueue_dma source(%dma_start3A_1889 : memref<16x128xf32, #tpu.memory_space<hbm>>) target(%dma_start3A_1887 : memref<16x128xf32, #tpu.memory_space<vmem>>) target_semaphore(%arg14 : memref<!tpu.dma_semaphore, #tpu.memory_space<semaphore_mem>>)
      } else {
      }
      %mul3A_1105 = arith.constant 2 : i32
      %mul3A_1106 = arith.muli %mul3A_1105, %scan3A_325 : i32
      %add3A_1107 = arith.constant 1 : i32
      %add3A_1108 = arith.addi %mul3A_1106, %add3A_1107 : i32
      %dma_wait3A_1109 = arith.constant 0 : i32
      %dma_wait3A_1110 = arith.constant 0 : i32
      %dma_wait3A_1111 = arith.constant 0 : i32
      %dma_wait3A_1112 = tpu.memref_slice %arg10[%dma_wait3A_1109, %dma_wait3A_1110, %dma_wait3A_1111] : memref<8x16x128xf32, #tpu.memory_space<vmem>> -> memref<1x16x128xf32, #tpu.memory_space<vmem>>
      %dma_wait3A_1113 = tpu.memref_squeeze %dma_wait3A_1112 : memref<1x16x128xf32, #tpu.memory_space<vmem>> -> memref<16x128xf32, #tpu.memory_space<vmem>>
      %dma_wait3A_1114 = arith.constant 0 : i32
      %dma_wait3A_1115 = arith.constant 0 : i32
      %dma_wait3A_1116 = tpu.memref_slice %arg4[%dma_wait3A_1114, %dma_wait3A_1115] : memref<16x1000000xf32, #tpu.memory_space<hbm>> -> memref<16x128xf32, #tpu.memory_space<hbm>>
      %dma_wait3A_1117 = arith.constant 0 : i32
      %dma_wait3A_1118 = arith.constant 0 : i32
      %dma_wait3A_1119 = tpu.memref_slice %arg10[%dma_wait3A_1109, %dma_wait3A_1117, %dma_wait3A_1118] : memref<8x16x128xf32, #tpu.memory_space<vmem>> -> memref<1x16x128xf32, #tpu.memory_space<vmem>>
      %dma_wait3A_1120 = tpu.memref_squeeze %dma_wait3A_1119 : memref<1x16x128xf32, #tpu.memory_space<vmem>> -> memref<16x128xf32, #tpu.memory_space<vmem>>
      %dma_wait3A_1121 = arith.constant 0 : i32
      %dma_wait3A_1122 = arith.constant 0 : i32
      %dma_wait3A_1123 = tpu.memref_slice %arg4[%dma_wait3A_1121, %dma_wait3A_1122] : memref<16x1000000xf32, #tpu.memory_space<hbm>> -> memref<16x128xf32, #tpu.memory_space<hbm>>
      tpu.wait_dma2 semaphore(%arg15 : memref<!tpu.dma_semaphore, #tpu.memory_space<semaphore_mem>>) src(%dma_wait3A_1123 : memref<16x128xf32, #tpu.memory_space<hbm>>) dst(%dma_wait3A_1120 : memref<16x128xf32, #tpu.memory_space<vmem>>)
      %dma_wait3A_1124 = arith.constant 0 : i32
      %dma_wait3A_1125 = arith.constant 0 : i32
      %dma_wait3A_1126 = arith.constant 0 : i32
      %dma_wait3A_1127 = tpu.memref_slice %arg12[%dma_wait3A_1124, %dma_wait3A_1125, %dma_wait3A_1126] : memref<8x16x128xf32, #tpu.memory_space<vmem>> -> memref<1x16x128xf32, #tpu.memory_space<vmem>>
      %dma_wait3A_1128 = tpu.memref_squeeze %dma_wait3A_1127 : memref<1x16x128xf32, #tpu.memory_space<vmem>> -> memref<16x128xf32, #tpu.memory_space<vmem>>
      %dma_wait3A_1129 = arith.constant 0 : i32
      %dma_wait3A_1130 = arith.constant 0 : i32
      %dma_wait3A_1131 = tpu.memref_slice %arg5[%dma_wait3A_1129, %dma_wait3A_1130] : memref<16x1000000xf32, #tpu.memory_space<hbm>> -> memref<16x128xf32, #tpu.memory_space<hbm>>
      %dma_wait3A_1132 = arith.constant 0 : i32
      %dma_wait3A_1133 = arith.constant 0 : i32
      %dma_wait3A_1134 = tpu.memref_slice %arg12[%dma_wait3A_1124, %dma_wait3A_1132, %dma_wait3A_1133] : memref<8x16x128xf32, #tpu.memory_space<vmem>> -> memref<1x16x128xf32, #tpu.memory_space<vmem>>
      %dma_wait3A_1135 = tpu.memref_squeeze %dma_wait3A_1134 : memref<1x16x128xf32, #tpu.memory_space<vmem>> -> memref<16x128xf32, #tpu.memory_space<vmem>>
      %dma_wait3A_1136 = arith.constant 0 : i32
      %dma_wait3A_1137 = arith.constant 0 : i32
      %dma_wait3A_1138 = tpu.memref_slice %arg5[%dma_wait3A_1136, %dma_wait3A_1137] : memref<16x1000000xf32, #tpu.memory_space<hbm>> -> memref<16x128xf32, #tpu.memory_space<hbm>>
      tpu.wait_dma2 semaphore(%arg15 : memref<!tpu.dma_semaphore, #tpu.memory_space<semaphore_mem>>) src(%dma_wait3A_1138 : memref<16x128xf32, #tpu.memory_space<hbm>>) dst(%dma_wait3A_1135 : memref<16x128xf32, #tpu.memory_space<vmem>>)
      %dma_wait3A_1139 = arith.constant 1 : i32
      %dma_wait3A_1140 = arith.constant 0 : i32
      %dma_wait3A_1141 = arith.constant 0 : i32
      %dma_wait3A_1142 = tpu.memref_slice %arg10[%dma_wait3A_1139, %dma_wait3A_1140, %dma_wait3A_1141] : memref<8x16x128xf32, #tpu.memory_space<vmem>> -> memref<1x16x128xf32, #tpu.memory_space<vmem>>
      %dma_wait3A_1143 = tpu.memref_squeeze %dma_wait3A_1142 : memref<1x16x128xf32, #tpu.memory_space<vmem>> -> memref<16x128xf32, #tpu.memory_space<vmem>>
      %dma_wait3A_1144 = arith.constant 0 : i32
      %dma_wait3A_1145 = arith.constant 0 : i32
      %dma_wait3A_1146 = tpu.memref_slice %arg4[%dma_wait3A_1144, %dma_wait3A_1145] : memref<16x1000000xf32, #tpu.memory_space<hbm>> -> memref<16x128xf32, #tpu.memory_space<hbm>>
      %dma_wait3A_1147 = arith.constant 0 : i32
      %dma_wait3A_1148 = arith.constant 0 : i32
      %dma_wait3A_1149 = tpu.memref_slice %arg10[%dma_wait3A_1139, %dma_wait3A_1147, %dma_wait3A_1148] : memref<8x16x128xf32, #tpu.memory_space<vmem>> -> memref<1x16x128xf32, #tpu.memory_space<vmem>>
      %dma_wait3A_1150 = tpu.memref_squeeze %dma_wait3A_1149 : memref<1x16x128xf32, #tpu.memory_space<vmem>> -> memref<16x128xf32, #tpu.memory_space<vmem>>
      %dma_wait3A_1151 = arith.constant 0 : i32
      %dma_wait3A_1152 = arith.constant 0 : i32
      %dma_wait3A_1153 = tpu.memref_slice %arg4[%dma_wait3A_1151, %dma_wait3A_1152] : memref<16x1000000xf32, #tpu.memory_space<hbm>> -> memref<16x128xf32, #tpu.memory_space<hbm>>
      tpu.wait_dma2 semaphore(%arg15 : memref<!tpu.dma_semaphore, #tpu.memory_space<semaphore_mem>>) src(%dma_wait3A_1153 : memref<16x128xf32, #tpu.memory_space<hbm>>) dst(%dma_wait3A_1150 : memref<16x128xf32, #tpu.memory_space<vmem>>)
      %dma_wait3A_1154 = arith.constant 1 : i32
      %dma_wait3A_1155 = arith.constant 0 : i32
      %dma_wait3A_1156 = arith.constant 0 : i32
      %dma_wait3A_1157 = tpu.memref_slice %arg12[%dma_wait3A_1154, %dma_wait3A_1155, %dma_wait3A_1156] : memref<8x16x128xf32, #tpu.memory_space<vmem>> -> memref<1x16x128xf32, #tpu.memory_space<vmem>>
      %dma_wait3A_1158 = tpu.memref_squeeze %dma_wait3A_1157 : memref<1x16x128xf32, #tpu.memory_space<vmem>> -> memref<16x128xf32, #tpu.memory_space<vmem>>
      %dma_wait3A_1159 = arith.constant 0 : i32
      %dma_wait3A_1160 = arith.constant 0 : i32
      %dma_wait3A_1161 = tpu.memref_slice %arg5[%dma_wait3A_1159, %dma_wait3A_1160] : memref<16x1000000xf32, #tpu.memory_space<hbm>> -> memref<16x128xf32, #tpu.memory_space<hbm>>
      %dma_wait3A_1162 = arith.constant 0 : i32
      %dma_wait3A_1163 = arith.constant 0 : i32
      %dma_wait3A_1164 = tpu.memref_slice %arg12[%dma_wait3A_1154, %dma_wait3A_1162, %dma_wait3A_1163] : memref<8x16x128xf32, #tpu.memory_space<vmem>> -> memref<1x16x128xf32, #tpu.memory_space<vmem>>
      %dma_wait3A_1165 = tpu.memref_squeeze %dma_wait3A_1164 : memref<1x16x128xf32, #tpu.memory_space<vmem>> -> memref<16x128xf32, #tpu.memory_space<vmem>>
      %dma_wait3A_1166 = arith.constant 0 : i32
      %dma_wait3A_1167 = arith.constant 0 : i32
      %dma_wait3A_1168 = tpu.memref_slice %arg5[%dma_wait3A_1166, %dma_wait3A_1167] : memref<16x1000000xf32, #tpu.memory_space<hbm>> -> memref<16x128xf32, #tpu.memory_space<hbm>>
      tpu.wait_dma2 semaphore(%arg15 : memref<!tpu.dma_semaphore, #tpu.memory_space<semaphore_mem>>) src(%dma_wait3A_1168 : memref<16x128xf32, #tpu.memory_space<hbm>>) dst(%dma_wait3A_1165 : memref<16x128xf32, #tpu.memory_space<vmem>>)
      %dma_wait3A_1169 = arith.constant 2 : i32
      %dma_wait3A_1170 = arith.constant 0 : i32
      %dma_wait3A_1171 = arith.constant 0 : i32
      %dma_wait3A_1172 = tpu.memref_slice %arg10[%dma_wait3A_1169, %dma_wait3A_1170, %dma_wait3A_1171] : memref<8x16x128xf32, #tpu.memory_space<vmem>> -> memref<1x16x128xf32, #tpu.memory_space<vmem>>
      %dma_wait3A_1173 = tpu.memref_squeeze %dma_wait3A_1172 : memref<1x16x128xf32, #tpu.memory_space<vmem>> -> memref<16x128xf32, #tpu.memory_space<vmem>>
      %dma_wait3A_1174 = arith.constant 0 : i32
      %dma_wait3A_1175 = arith.constant 0 : i32
      %dma_wait3A_1176 = tpu.memref_slice %arg4[%dma_wait3A_1174, %dma_wait3A_1175] : memref<16x1000000xf32, #tpu.memory_space<hbm>> -> memref<16x128xf32, #tpu.memory_space<hbm>>
      %dma_wait3A_1177 = arith.constant 0 : i32
      %dma_wait3A_1178 = arith.constant 0 : i32
      %dma_wait3A_1179 = tpu.memref_slice %arg10[%dma_wait3A_1169, %dma_wait3A_1177, %dma_wait3A_1178] : memref<8x16x128xf32, #tpu.memory_space<vmem>> -> memref<1x16x128xf32, #tpu.memory_space<vmem>>
      %dma_wait3A_1180 = tpu.memref_squeeze %dma_wait3A_1179 : memref<1x16x128xf32, #tpu.memory_space<vmem>> -> memref<16x128xf32, #tpu.memory_space<vmem>>
      %dma_wait3A_1181 = arith.constant 0 : i32
      %dma_wait3A_1182 = arith.constant 0 : i32
      %dma_wait3A_1183 = tpu.memref_slice %arg4[%dma_wait3A_1181, %dma_wait3A_1182] : memref<16x1000000xf32, #tpu.memory_space<hbm>> -> memref<16x128xf32, #tpu.memory_space<hbm>>
      tpu.wait_dma2 semaphore(%arg15 : memref<!tpu.dma_semaphore, #tpu.memory_space<semaphore_mem>>) src(%dma_wait3A_1183 : memref<16x128xf32, #tpu.memory_space<hbm>>) dst(%dma_wait3A_1180 : memref<16x128xf32, #tpu.memory_space<vmem>>)
      %dma_wait3A_1184 = arith.constant 2 : i32
      %dma_wait3A_1185 = arith.constant 0 : i32
      %dma_wait3A_1186 = arith.constant 0 : i32
      %dma_wait3A_1187 = tpu.memref_slice %arg12[%dma_wait3A_1184, %dma_wait3A_1185, %dma_wait3A_1186] : memref<8x16x128xf32, #tpu.memory_space<vmem>> -> memref<1x16x128xf32, #tpu.memory_space<vmem>>
      %dma_wait3A_1188 = tpu.memref_squeeze %dma_wait3A_1187 : memref<1x16x128xf32, #tpu.memory_space<vmem>> -> memref<16x128xf32, #tpu.memory_space<vmem>>
      %dma_wait3A_1189 = arith.constant 0 : i32
      %dma_wait3A_1190 = arith.constant 0 : i32
      %dma_wait3A_1191 = tpu.memref_slice %arg5[%dma_wait3A_1189, %dma_wait3A_1190] : memref<16x1000000xf32, #tpu.memory_space<hbm>> -> memref<16x128xf32, #tpu.memory_space<hbm>>
      %dma_wait3A_1192 = arith.constant 0 : i32
      %dma_wait3A_1193 = arith.constant 0 : i32
      %dma_wait3A_1194 = tpu.memref_slice %arg12[%dma_wait3A_1184, %dma_wait3A_1192, %dma_wait3A_1193] : memref<8x16x128xf32, #tpu.memory_space<vmem>> -> memref<1x16x128xf32, #tpu.memory_space<vmem>>
      %dma_wait3A_1195 = tpu.memref_squeeze %dma_wait3A_1194 : memref<1x16x128xf32, #tpu.memory_space<vmem>> -> memref<16x128xf32, #tpu.memory_space<vmem>>
      %dma_wait3A_1196 = arith.constant 0 : i32
      %dma_wait3A_1197 = arith.constant 0 : i32
      %dma_wait3A_1198 = tpu.memref_slice %arg5[%dma_wait3A_1196, %dma_wait3A_1197] : memref<16x1000000xf32, #tpu.memory_space<hbm>> -> memref<16x128xf32, #tpu.memory_space<hbm>>
      tpu.wait_dma2 semaphore(%arg15 : memref<!tpu.dma_semaphore, #tpu.memory_space<semaphore_mem>>) src(%dma_wait3A_1198 : memref<16x128xf32, #tpu.memory_space<hbm>>) dst(%dma_wait3A_1195 : memref<16x128xf32, #tpu.memory_space<vmem>>)
      %dma_wait3A_1199 = arith.constant 3 : i32
      %dma_wait3A_1200 = arith.constant 0 : i32
      %dma_wait3A_1201 = arith.constant 0 : i32
      %dma_wait3A_1202 = tpu.memref_slice %arg10[%dma_wait3A_1199, %dma_wait3A_1200, %dma_wait3A_1201] : memref<8x16x128xf32, #tpu.memory_space<vmem>> -> memref<1x16x128xf32, #tpu.memory_space<vmem>>
      %dma_wait3A_1203 = tpu.memref_squeeze %dma_wait3A_1202 : memref<1x16x128xf32, #tpu.memory_space<vmem>> -> memref<16x128xf32, #tpu.memory_space<vmem>>
      %dma_wait3A_1204 = arith.constant 0 : i32
      %dma_wait3A_1205 = arith.constant 0 : i32
      %dma_wait3A_1206 = tpu.memref_slice %arg4[%dma_wait3A_1204, %dma_wait3A_1205] : memref<16x1000000xf32, #tpu.memory_space<hbm>> -> memref<16x128xf32, #tpu.memory_space<hbm>>
      %dma_wait3A_1207 = arith.constant 0 : i32
      %dma_wait3A_1208 = arith.constant 0 : i32
      %dma_wait3A_1209 = tpu.memref_slice %arg10[%dma_wait3A_1199, %dma_wait3A_1207, %dma_wait3A_1208] : memref<8x16x128xf32, #tpu.memory_space<vmem>> -> memref<1x16x128xf32, #tpu.memory_space<vmem>>
      %dma_wait3A_1210 = tpu.memref_squeeze %dma_wait3A_1209 : memref<1x16x128xf32, #tpu.memory_space<vmem>> -> memref<16x128xf32, #tpu.memory_space<vmem>>
      %dma_wait3A_1211 = arith.constant 0 : i32
      %dma_wait3A_1212 = arith.constant 0 : i32
      %dma_wait3A_1213 = tpu.memref_slice %arg4[%dma_wait3A_1211, %dma_wait3A_1212] : memref<16x1000000xf32, #tpu.memory_space<hbm>> -> memref<16x128xf32, #tpu.memory_space<hbm>>
      tpu.wait_dma2 semaphore(%arg15 : memref<!tpu.dma_semaphore, #tpu.memory_space<semaphore_mem>>) src(%dma_wait3A_1213 : memref<16x128xf32, #tpu.memory_space<hbm>>) dst(%dma_wait3A_1210 : memref<16x128xf32, #tpu.memory_space<vmem>>)
      %dma_wait3A_1214 = arith.constant 3 : i32
      %dma_wait3A_1215 = arith.constant 0 : i32
      %dma_wait3A_1216 = arith.constant 0 : i32
      %dma_wait3A_1217 = tpu.memref_slice %arg12[%dma_wait3A_1214, %dma_wait3A_1215, %dma_wait3A_1216] : memref<8x16x128xf32, #tpu.memory_space<vmem>> -> memref<1x16x128xf32, #tpu.memory_space<vmem>>
      %dma_wait3A_1218 = tpu.memref_squeeze %dma_wait3A_1217 : memref<1x16x128xf32, #tpu.memory_space<vmem>> -> memref<16x128xf32, #tpu.memory_space<vmem>>
      %dma_wait3A_1219 = arith.constant 0 : i32
      %dma_wait3A_1220 = arith.constant 0 : i32
      %dma_wait3A_1221 = tpu.memref_slice %arg5[%dma_wait3A_1219, %dma_wait3A_1220] : memref<16x1000000xf32, #tpu.memory_space<hbm>> -> memref<16x128xf32, #tpu.memory_space<hbm>>
      %dma_wait3A_1222 = arith.constant 0 : i32
      %dma_wait3A_1223 = arith.constant 0 : i32
      %dma_wait3A_1224 = tpu.memref_slice %arg12[%dma_wait3A_1214, %dma_wait3A_1222, %dma_wait3A_1223] : memref<8x16x128xf32, #tpu.memory_space<vmem>> -> memref<1x16x128xf32, #tpu.memory_space<vmem>>
      %dma_wait3A_1225 = tpu.memref_squeeze %dma_wait3A_1224 : memref<1x16x128xf32, #tpu.memory_space<vmem>> -> memref<16x128xf32, #tpu.memory_space<vmem>>
      %dma_wait3A_1226 = arith.constant 0 : i32
      %dma_wait3A_1227 = arith.constant 0 : i32
      %dma_wait3A_1228 = tpu.memref_slice %arg5[%dma_wait3A_1226, %dma_wait3A_1227] : memref<16x1000000xf32, #tpu.memory_space<hbm>> -> memref<16x128xf32, #tpu.memory_space<hbm>>
      tpu.wait_dma2 semaphore(%arg15 : memref<!tpu.dma_semaphore, #tpu.memory_space<semaphore_mem>>) src(%dma_wait3A_1228 : memref<16x128xf32, #tpu.memory_space<hbm>>) dst(%dma_wait3A_1225 : memref<16x128xf32, #tpu.memory_space<vmem>>)
      %dma_wait3A_1229 = arith.constant 4 : i32
      %dma_wait3A_1230 = arith.constant 0 : i32
      %dma_wait3A_1231 = arith.constant 0 : i32
      %dma_wait3A_1232 = tpu.memref_slice %arg10[%dma_wait3A_1229, %dma_wait3A_1230, %dma_wait3A_1231] : memref<8x16x128xf32, #tpu.memory_space<vmem>> -> memref<1x16x128xf32, #tpu.memory_space<vmem>>
      %dma_wait3A_1233 = tpu.memref_squeeze %dma_wait3A_1232 : memref<1x16x128xf32, #tpu.memory_space<vmem>> -> memref<16x128xf32, #tpu.memory_space<vmem>>
      %dma_wait3A_1234 = arith.constant 0 : i32
      %dma_wait3A_1235 = arith.constant 0 : i32
      %dma_wait3A_1236 = tpu.memref_slice %arg4[%dma_wait3A_1234, %dma_wait3A_1235] : memref<16x1000000xf32, #tpu.memory_space<hbm>> -> memref<16x128xf32, #tpu.memory_space<hbm>>
      %dma_wait3A_1237 = arith.constant 0 : i32
      %dma_wait3A_1238 = arith.constant 0 : i32
      %dma_wait3A_1239 = tpu.memref_slice %arg10[%dma_wait3A_1229, %dma_wait3A_1237, %dma_wait3A_1238] : memref<8x16x128xf32, #tpu.memory_space<vmem>> -> memref<1x16x128xf32, #tpu.memory_space<vmem>>
      %dma_wait3A_1240 = tpu.memref_squeeze %dma_wait3A_1239 : memref<1x16x128xf32, #tpu.memory_space<vmem>> -> memref<16x128xf32, #tpu.memory_space<vmem>>
      %dma_wait3A_1241 = arith.constant 0 : i32
      %dma_wait3A_1242 = arith.constant 0 : i32
      %dma_wait3A_1243 = tpu.memref_slice %arg4[%dma_wait3A_1241, %dma_wait3A_1242] : memref<16x1000000xf32, #tpu.memory_space<hbm>> -> memref<16x128xf32, #tpu.memory_space<hbm>>
      tpu.wait_dma2 semaphore(%arg15 : memref<!tpu.dma_semaphore, #tpu.memory_space<semaphore_mem>>) src(%dma_wait3A_1243 : memref<16x128xf32, #tpu.memory_space<hbm>>) dst(%dma_wait3A_1240 : memref<16x128xf32, #tpu.memory_space<vmem>>)
      %dma_wait3A_1244 = arith.constant 4 : i32
      %dma_wait3A_1245 = arith.constant 0 : i32
      %dma_wait3A_1246 = arith.constant 0 : i32
      %dma_wait3A_1247 = tpu.memref_slice %arg12[%dma_wait3A_1244, %dma_wait3A_1245, %dma_wait3A_1246] : memref<8x16x128xf32, #tpu.memory_space<vmem>> -> memref<1x16x128xf32, #tpu.memory_space<vmem>>
      %dma_wait3A_1248 = tpu.memref_squeeze %dma_wait3A_1247 : memref<1x16x128xf32, #tpu.memory_space<vmem>> -> memref<16x128xf32, #tpu.memory_space<vmem>>
      %dma_wait3A_1249 = arith.constant 0 : i32
      %dma_wait3A_1250 = arith.constant 0 : i32
      %dma_wait3A_1251 = tpu.memref_slice %arg5[%dma_wait3A_1249, %dma_wait3A_1250] : memref<16x1000000xf32, #tpu.memory_space<hbm>> -> memref<16x128xf32, #tpu.memory_space<hbm>>
      %dma_wait3A_1252 = arith.constant 0 : i32
      %dma_wait3A_1253 = arith.constant 0 : i32
      %dma_wait3A_1254 = tpu.memref_slice %arg12[%dma_wait3A_1244, %dma_wait3A_1252, %dma_wait3A_1253] : memref<8x16x128xf32, #tpu.memory_space<vmem>> -> memref<1x16x128xf32, #tpu.memory_space<vmem>>
      %dma_wait3A_1255 = tpu.memref_squeeze %dma_wait3A_1254 : memref<1x16x128xf32, #tpu.memory_space<vmem>> -> memref<16x128xf32, #tpu.memory_space<vmem>>
      %dma_wait3A_1256 = arith.constant 0 : i32
      %dma_wait3A_1257 = arith.constant 0 : i32
      %dma_wait3A_1258 = tpu.memref_slice %arg5[%dma_wait3A_1256, %dma_wait3A_1257] : memref<16x1000000xf32, #tpu.memory_space<hbm>> -> memref<16x128xf32, #tpu.memory_space<hbm>>
      tpu.wait_dma2 semaphore(%arg15 : memref<!tpu.dma_semaphore, #tpu.memory_space<semaphore_mem>>) src(%dma_wait3A_1258 : memref<16x128xf32, #tpu.memory_space<hbm>>) dst(%dma_wait3A_1255 : memref<16x128xf32, #tpu.memory_space<vmem>>)
      %dma_wait3A_1259 = arith.constant 5 : i32
      %dma_wait3A_1260 = arith.constant 0 : i32
      %dma_wait3A_1261 = arith.constant 0 : i32
      %dma_wait3A_1262 = tpu.memref_slice %arg10[%dma_wait3A_1259, %dma_wait3A_1260, %dma_wait3A_1261] : memref<8x16x128xf32, #tpu.memory_space<vmem>> -> memref<1x16x128xf32, #tpu.memory_space<vmem>>
      %dma_wait3A_1263 = tpu.memref_squeeze %dma_wait3A_1262 : memref<1x16x128xf32, #tpu.memory_space<vmem>> -> memref<16x128xf32, #tpu.memory_space<vmem>>
      %dma_wait3A_1264 = arith.constant 0 : i32
      %dma_wait3A_1265 = arith.constant 0 : i32
      %dma_wait3A_1266 = tpu.memref_slice %arg4[%dma_wait3A_1264, %dma_wait3A_1265] : memref<16x1000000xf32, #tpu.memory_space<hbm>> -> memref<16x128xf32, #tpu.memory_space<hbm>>
      %dma_wait3A_1267 = arith.constant 0 : i32
      %dma_wait3A_1268 = arith.constant 0 : i32
      %dma_wait3A_1269 = tpu.memref_slice %arg10[%dma_wait3A_1259, %dma_wait3A_1267, %dma_wait3A_1268] : memref<8x16x128xf32, #tpu.memory_space<vmem>> -> memref<1x16x128xf32, #tpu.memory_space<vmem>>
      %dma_wait3A_1270 = tpu.memref_squeeze %dma_wait3A_1269 : memref<1x16x128xf32, #tpu.memory_space<vmem>> -> memref<16x128xf32, #tpu.memory_space<vmem>>
      %dma_wait3A_1271 = arith.constant 0 : i32
      %dma_wait3A_1272 = arith.constant 0 : i32
      %dma_wait3A_1273 = tpu.memref_slice %arg4[%dma_wait3A_1271, %dma_wait3A_1272] : memref<16x1000000xf32, #tpu.memory_space<hbm>> -> memref<16x128xf32, #tpu.memory_space<hbm>>
      tpu.wait_dma2 semaphore(%arg15 : memref<!tpu.dma_semaphore, #tpu.memory_space<semaphore_mem>>) src(%dma_wait3A_1273 : memref<16x128xf32, #tpu.memory_space<hbm>>) dst(%dma_wait3A_1270 : memref<16x128xf32, #tpu.memory_space<vmem>>)
      %dma_wait3A_1274 = arith.constant 5 : i32
      %dma_wait3A_1275 = arith.constant 0 : i32
      %dma_wait3A_1276 = arith.constant 0 : i32
      %dma_wait3A_1277 = tpu.memref_slice %arg12[%dma_wait3A_1274, %dma_wait3A_1275, %dma_wait3A_1276] : memref<8x16x128xf32, #tpu.memory_space<vmem>> -> memref<1x16x128xf32, #tpu.memory_space<vmem>>
      %dma_wait3A_1278 = tpu.memref_squeeze %dma_wait3A_1277 : memref<1x16x128xf32, #tpu.memory_space<vmem>> -> memref<16x128xf32, #tpu.memory_space<vmem>>
      %dma_wait3A_1279 = arith.constant 0 : i32
      %dma_wait3A_1280 = arith.constant 0 : i32
      %dma_wait3A_1281 = tpu.memref_slice %arg5[%dma_wait3A_1279, %dma_wait3A_1280] : memref<16x1000000xf32, #tpu.memory_space<hbm>> -> memref<16x128xf32, #tpu.memory_space<hbm>>
      %dma_wait3A_1282 = arith.constant 0 : i32
      %dma_wait3A_1283 = arith.constant 0 : i32
      %dma_wait3A_1284 = tpu.memref_slice %arg12[%dma_wait3A_1274, %dma_wait3A_1282, %dma_wait3A_1283] : memref<8x16x128xf32, #tpu.memory_space<vmem>> -> memref<1x16x128xf32, #tpu.memory_space<vmem>>
      %dma_wait3A_1285 = tpu.memref_squeeze %dma_wait3A_1284 : memref<1x16x128xf32, #tpu.memory_space<vmem>> -> memref<16x128xf32, #tpu.memory_space<vmem>>
      %dma_wait3A_1286 = arith.constant 0 : i32
      %dma_wait3A_1287 = arith.constant 0 : i32
      %dma_wait3A_1288 = tpu.memref_slice %arg5[%dma_wait3A_1286, %dma_wait3A_1287] : memref<16x1000000xf32, #tpu.memory_space<hbm>> -> memref<16x128xf32, #tpu.memory_space<hbm>>
      tpu.wait_dma2 semaphore(%arg15 : memref<!tpu.dma_semaphore, #tpu.memory_space<semaphore_mem>>) src(%dma_wait3A_1288 : memref<16x128xf32, #tpu.memory_space<hbm>>) dst(%dma_wait3A_1285 : memref<16x128xf32, #tpu.memory_space<vmem>>)
      %dma_wait3A_1289 = arith.constant 6 : i32
      %dma_wait3A_1290 = arith.constant 0 : i32
      %dma_wait3A_1291 = arith.constant 0 : i32
      %dma_wait3A_1292 = tpu.memref_slice %arg10[%dma_wait3A_1289, %dma_wait3A_1290, %dma_wait3A_1291] : memref<8x16x128xf32, #tpu.memory_space<vmem>> -> memref<1x16x128xf32, #tpu.memory_space<vmem>>
      %dma_wait3A_1293 = tpu.memref_squeeze %dma_wait3A_1292 : memref<1x16x128xf32, #tpu.memory_space<vmem>> -> memref<16x128xf32, #tpu.memory_space<vmem>>
      %dma_wait3A_1294 = arith.constant 0 : i32
      %dma_wait3A_1295 = arith.constant 0 : i32
      %dma_wait3A_1296 = tpu.memref_slice %arg4[%dma_wait3A_1294, %dma_wait3A_1295] : memref<16x1000000xf32, #tpu.memory_space<hbm>> -> memref<16x128xf32, #tpu.memory_space<hbm>>
      %dma_wait3A_1297 = arith.constant 0 : i32
      %dma_wait3A_1298 = arith.constant 0 : i32
      %dma_wait3A_1299 = tpu.memref_slice %arg10[%dma_wait3A_1289, %dma_wait3A_1297, %dma_wait3A_1298] : memref<8x16x128xf32, #tpu.memory_space<vmem>> -> memref<1x16x128xf32, #tpu.memory_space<vmem>>
      %dma_wait3A_1300 = tpu.memref_squeeze %dma_wait3A_1299 : memref<1x16x128xf32, #tpu.memory_space<vmem>> -> memref<16x128xf32, #tpu.memory_space<vmem>>
      %dma_wait3A_1301 = arith.constant 0 : i32
      %dma_wait3A_1302 = arith.constant 0 : i32
      %dma_wait3A_1303 = tpu.memref_slice %arg4[%dma_wait3A_1301, %dma_wait3A_1302] : memref<16x1000000xf32, #tpu.memory_space<hbm>> -> memref<16x128xf32, #tpu.memory_space<hbm>>
      tpu.wait_dma2 semaphore(%arg15 : memref<!tpu.dma_semaphore, #tpu.memory_space<semaphore_mem>>) src(%dma_wait3A_1303 : memref<16x128xf32, #tpu.memory_space<hbm>>) dst(%dma_wait3A_1300 : memref<16x128xf32, #tpu.memory_space<vmem>>)
      %dma_wait3A_1304 = arith.constant 6 : i32
      %dma_wait3A_1305 = arith.constant 0 : i32
      %dma_wait3A_1306 = arith.constant 0 : i32
      %dma_wait3A_1307 = tpu.memref_slice %arg12[%dma_wait3A_1304, %dma_wait3A_1305, %dma_wait3A_1306] : memref<8x16x128xf32, #tpu.memory_space<vmem>> -> memref<1x16x128xf32, #tpu.memory_space<vmem>>
      %dma_wait3A_1308 = tpu.memref_squeeze %dma_wait3A_1307 : memref<1x16x128xf32, #tpu.memory_space<vmem>> -> memref<16x128xf32, #tpu.memory_space<vmem>>
      %dma_wait3A_1309 = arith.constant 0 : i32
      %dma_wait3A_1310 = arith.constant 0 : i32
      %dma_wait3A_1311 = tpu.memref_slice %arg5[%dma_wait3A_1309, %dma_wait3A_1310] : memref<16x1000000xf32, #tpu.memory_space<hbm>> -> memref<16x128xf32, #tpu.memory_space<hbm>>
      %dma_wait3A_1312 = arith.constant 0 : i32
      %dma_wait3A_1313 = arith.constant 0 : i32
      %dma_wait3A_1314 = tpu.memref_slice %arg12[%dma_wait3A_1304, %dma_wait3A_1312, %dma_wait3A_1313] : memref<8x16x128xf32, #tpu.memory_space<vmem>> -> memref<1x16x128xf32, #tpu.memory_space<vmem>>
      %dma_wait3A_1315 = tpu.memref_squeeze %dma_wait3A_1314 : memref<1x16x128xf32, #tpu.memory_space<vmem>> -> memref<16x128xf32, #tpu.memory_space<vmem>>
      %dma_wait3A_1316 = arith.constant 0 : i32
      %dma_wait3A_1317 = arith.constant 0 : i32
      %dma_wait3A_1318 = tpu.memref_slice %arg5[%dma_wait3A_1316, %dma_wait3A_1317] : memref<16x1000000xf32, #tpu.memory_space<hbm>> -> memref<16x128xf32, #tpu.memory_space<hbm>>
      tpu.wait_dma2 semaphore(%arg15 : memref<!tpu.dma_semaphore, #tpu.memory_space<semaphore_mem>>) src(%dma_wait3A_1318 : memref<16x128xf32, #tpu.memory_space<hbm>>) dst(%dma_wait3A_1315 : memref<16x128xf32, #tpu.memory_space<vmem>>)
      %dma_wait3A_1319 = arith.constant 7 : i32
      %dma_wait3A_1320 = arith.constant 0 : i32
      %dma_wait3A_1321 = arith.constant 0 : i32
      %dma_wait3A_1322 = tpu.memref_slice %arg10[%dma_wait3A_1319, %dma_wait3A_1320, %dma_wait3A_1321] : memref<8x16x128xf32, #tpu.memory_space<vmem>> -> memref<1x16x128xf32, #tpu.memory_space<vmem>>
      %dma_wait3A_1323 = tpu.memref_squeeze %dma_wait3A_1322 : memref<1x16x128xf32, #tpu.memory_space<vmem>> -> memref<16x128xf32, #tpu.memory_space<vmem>>
      %dma_wait3A_1324 = arith.constant 0 : i32
      %dma_wait3A_1325 = arith.constant 0 : i32
      %dma_wait3A_1326 = tpu.memref_slice %arg4[%dma_wait3A_1324, %dma_wait3A_1325] : memref<16x1000000xf32, #tpu.memory_space<hbm>> -> memref<16x128xf32, #tpu.memory_space<hbm>>
      %dma_wait3A_1327 = arith.constant 0 : i32
      %dma_wait3A_1328 = arith.constant 0 : i32
      %dma_wait3A_1329 = tpu.memref_slice %arg10[%dma_wait3A_1319, %dma_wait3A_1327, %dma_wait3A_1328] : memref<8x16x128xf32, #tpu.memory_space<vmem>> -> memref<1x16x128xf32, #tpu.memory_space<vmem>>
      %dma_wait3A_1330 = tpu.memref_squeeze %dma_wait3A_1329 : memref<1x16x128xf32, #tpu.memory_space<vmem>> -> memref<16x128xf32, #tpu.memory_space<vmem>>
      %dma_wait3A_1331 = arith.constant 0 : i32
      %dma_wait3A_1332 = arith.constant 0 : i32
      %dma_wait3A_1333 = tpu.memref_slice %arg4[%dma_wait3A_1331, %dma_wait3A_1332] : memref<16x1000000xf32, #tpu.memory_space<hbm>> -> memref<16x128xf32, #tpu.memory_space<hbm>>
      tpu.wait_dma2 semaphore(%arg15 : memref<!tpu.dma_semaphore, #tpu.memory_space<semaphore_mem>>) src(%dma_wait3A_1333 : memref<16x128xf32, #tpu.memory_space<hbm>>) dst(%dma_wait3A_1330 : memref<16x128xf32, #tpu.memory_space<vmem>>)
      %dma_wait3A_1334 = arith.constant 7 : i32
      %dma_wait3A_1335 = arith.constant 0 : i32
      %dma_wait3A_1336 = arith.constant 0 : i32
      %dma_wait3A_1337 = tpu.memref_slice %arg12[%dma_wait3A_1334, %dma_wait3A_1335, %dma_wait3A_1336] : memref<8x16x128xf32, #tpu.memory_space<vmem>> -> memref<1x16x128xf32, #tpu.memory_space<vmem>>
      %dma_wait3A_1338 = tpu.memref_squeeze %dma_wait3A_1337 : memref<1x16x128xf32, #tpu.memory_space<vmem>> -> memref<16x128xf32, #tpu.memory_space<vmem>>
      %dma_wait3A_1339 = arith.constant 0 : i32
      %dma_wait3A_1340 = arith.constant 0 : i32
      %dma_wait3A_1341 = tpu.memref_slice %arg5[%dma_wait3A_1339, %dma_wait3A_1340] : memref<16x1000000xf32, #tpu.memory_space<hbm>> -> memref<16x128xf32, #tpu.memory_space<hbm>>
      %dma_wait3A_1342 = arith.constant 0 : i32
      %dma_wait3A_1343 = arith.constant 0 : i32
      %dma_wait3A_1344 = tpu.memref_slice %arg12[%dma_wait3A_1334, %dma_wait3A_1342, %dma_wait3A_1343] : memref<8x16x128xf32, #tpu.memory_space<vmem>> -> memref<1x16x128xf32, #tpu.memory_space<vmem>>
      %dma_wait3A_1345 = tpu.memref_squeeze %dma_wait3A_1344 : memref<1x16x128xf32, #tpu.memory_space<vmem>> -> memref<16x128xf32, #tpu.memory_space<vmem>>
      %dma_wait3A_1346 = arith.constant 0 : i32
      %dma_wait3A_1347 = arith.constant 0 : i32
      %dma_wait3A_1348 = tpu.memref_slice %arg5[%dma_wait3A_1346, %dma_wait3A_1347] : memref<16x1000000xf32, #tpu.memory_space<hbm>> -> memref<16x128xf32, #tpu.memory_space<hbm>>
      tpu.wait_dma2 semaphore(%arg15 : memref<!tpu.dma_semaphore, #tpu.memory_space<semaphore_mem>>) src(%dma_wait3A_1348 : memref<16x128xf32, #tpu.memory_space<hbm>>) dst(%dma_wait3A_1345 : memref<16x128xf32, #tpu.memory_space<vmem>>)
      %mul3A_1349 = arith.constant 8 : i32
      %mul3A_1350 = arith.muli %add3A_1108, %mul3A_1349 : i32
      %get3A_1351 = arith.index_cast %mul3A_1350 : i32 to index
      %get3A_1352 = tpu.vector_load %arg7[%get3A_1351] {strides = array<i32>} : memref<528xi32, #tpu.memory_space<vmem>>, vector<16xi32>,
      %mul3A_1353 = arith.constant 8 : i32
      %mul3A_1354 = arith.muli %add3A_1108, %mul3A_1353 : i32
      %get3A_1355 = arith.index_cast %mul3A_1354 : i32 to index
      %get3A_1356 = tpu.vector_load %arg8[%get3A_1355] {strides = array<i32>} : memref<528xi32, #tpu.memory_space<vmem>>, vector<16xi32>,
      %broadcast_in_dim3A_1357 = arith.constant 0.000000e+00 : f32
      %broadcast_in_dim3A_1358 = vector.broadcast %broadcast_in_dim3A_1357 : f32 to vector<16xf32>
      %slice3A_1359 = vector.extract_strided_slice %get3A_1352 {offsets = [0], sizes = [1], strides = [1]} : vector<16xi32> to vector<1xi32>
      %squeeze3A_1360 = vector.extract %slice3A_1359[0] : i32 from vector<1xi32>
      %and3A_1361 = arith.constant 127 : i32
      %and3A_1362 = arith.andi %squeeze3A_1360, %and3A_1361 : i32
      %broadcast_in_dim3A_1363 = vector.broadcast %and3A_1362 : i32 to vector<16xi32>
      %slice3A_1364 = vector.extract_strided_slice %get3A_1356 {offsets = [0], sizes = [1], strides = [1]} : vector<16xi32> to vector<1xi32>
      %squeeze3A_1365 = vector.extract %slice3A_1364[0] : i32 from vector<1xi32>
      %and3A_1366 = arith.constant 127 : i32
      %and3A_1367 = arith.andi %squeeze3A_1365, %and3A_1366 : i32
      %broadcast_in_dim3A_1368 = vector.broadcast %and3A_1367 : i32 to vector<16xi32>
      %broadcast_in_dim3A_1369 = arith.constant 0 : i32
      %broadcast_in_dim3A_1370 = vector.broadcast %broadcast_in_dim3A_1369 : i32 to vector<16xi32>
      %gather3A_1371 = tpu.vector_load_idx %arg10[%broadcast_in_dim3A_1370, %iota3A, %broadcast_in_dim3A_1363] : memref<8x16x128xf32, #tpu.memory_space<vmem>>[vector<16xi32>, vector<16xi32>, vector<16xi32>], vector<16xf32>,
      %gather3A_1372 = tpu.vector_load_idx %arg12[%broadcast_in_dim3A_1370, %iota3A, %broadcast_in_dim3A_1368] : memref<8x16x128xf32, #tpu.memory_space<vmem>>[vector<16xi32>, vector<16xi32>, vector<16xi32>], vector<16xf32>,
      %mul3A_1373 = arith.mulf %gather3A_1371, %gather3A_1372 : vector<16xf32>
      %reduce_sum3A_1374 = arith.constant true
      %reduce_sum3A_1375 = vector.broadcast %reduce_sum3A_1374 : i1 to vector<16xi1>
      %reduce_sum3A_1376 = tpu.scan <sum>, %mul3A_1373 masked %reduce_sum3A_1375 : vector<16xf32>, vector<16xi1> -> vector<16xf32>
      %reduce_sum3A_1377 = vector.extract %reduce_sum3A_1376[15] : f32 from vector<16xf32>
      %eq3A_1378 = arith.constant 0 : i32
      %eq3A_1379 = vector.broadcast %eq3A_1378 : i32 to vector<16xi32>
      %eq3A_1380 = arith.cmpi eq, %iota3A, %eq3A_1379 : vector<16xi32>
      %broadcast_in_dim3A_1381 = vector.broadcast %reduce_sum3A_1377 : f32 to vector<16xf32>
      %select_n3A_1382 = arith.select %eq3A_1380, %broadcast_in_dim3A_1381, %broadcast_in_dim3A_1358 : vector<16xi1>, vector<16xf32>
      %slice3A_1383 = vector.extract_strided_slice %get3A_1352 {offsets = [1], sizes = [1], strides = [1]} : vector<16xi32> to vector<1xi32>
      %squeeze3A_1384 = vector.extract %slice3A_1383[0] : i32 from vector<1xi32>
      %and3A_1385 = arith.constant 127 : i32
      %and3A_1386 = arith.andi %squeeze3A_1384, %and3A_1385 : i32
      %broadcast_in_dim3A_1387 = vector.broadcast %and3A_1386 : i32 to vector<16xi32>
      %slice3A_1388 = vector.extract_strided_slice %get3A_1356 {offsets = [1], sizes = [1], strides = [1]} : vector<16xi32> to vector<1xi32>
      %squeeze3A_1389 = vector.extract %slice3A_1388[0] : i32 from vector<1xi32>
      %and3A_1390 = arith.constant 127 : i32
      %and3A_1391 = arith.andi %squeeze3A_1389, %and3A_1390 : i32
      %broadcast_in_dim3A_1392 = vector.broadcast %and3A_1391 : i32 to vector<16xi32>
      %broadcast_in_dim3A_1393 = arith.constant 1 : i32
      %broadcast_in_dim3A_1394 = vector.broadcast %broadcast_in_dim3A_1393 : i32 to vector<16xi32>
      %gather3A_1395 = tpu.vector_load_idx %arg10[%broadcast_in_dim3A_1394, %iota3A, %broadcast_in_dim3A_1387] : memref<8x16x128xf32, #tpu.memory_space<vmem>>[vector<16xi32>, vector<16xi32>, vector<16xi32>], vector<16xf32>,
      %gather3A_1396 = tpu.vector_load_idx %arg12[%broadcast_in_dim3A_1394, %iota3A, %broadcast_in_dim3A_1392] : memref<8x16x128xf32, #tpu.memory_space<vmem>>[vector<16xi32>, vector<16xi32>, vector<16xi32>], vector<16xf32>,
      %mul3A_1397 = arith.mulf %gather3A_1395, %gather3A_1396 : vector<16xf32>
      %reduce_sum3A_1398 = arith.constant true
      %reduce_sum3A_1399 = vector.broadcast %reduce_sum3A_1398 : i1 to vector<16xi1>
      %reduce_sum3A_1400 = tpu.scan <sum>, %mul3A_1397 masked %reduce_sum3A_1399 : vector<16xf32>, vector<16xi1> -> vector<16xf32>
      %reduce_sum3A_1401 = vector.extract %reduce_sum3A_1400[15] : f32 from vector<16xf32>
      %eq3A_1402 = arith.constant 1 : i32
      %eq3A_1403 = vector.broadcast %eq3A_1402 : i32 to vector<16xi32>
      %eq3A_1404 = arith.cmpi eq, %iota3A, %eq3A_1403 : vector<16xi32>
      %broadcast_in_dim3A_1405 = vector.broadcast %reduce_sum3A_1401 : f32 to vector<16xf32>
      %select_n3A_1406 = arith.select %eq3A_1404, %broadcast_in_dim3A_1405, %select_n3A_1382 : vector<16xi1>, vector<16xf32>
      %slice3A_1407 = vector.extract_strided_slice %get3A_1352 {offsets = [2], sizes = [1], strides = [1]} : vector<16xi32> to vector<1xi32>
      %squeeze3A_1408 = vector.extract %slice3A_1407[0] : i32 from vector<1xi32>
      %and3A_1409 = arith.constant 127 : i32
      %and3A_1410 = arith.andi %squeeze3A_1408, %and3A_1409 : i32
      %broadcast_in_dim3A_1411 = vector.broadcast %and3A_1410 : i32 to vector<16xi32>
      %slice3A_1412 = vector.extract_strided_slice %get3A_1356 {offsets = [2], sizes = [1], strides = [1]} : vector<16xi32> to vector<1xi32>
      %squeeze3A_1413 = vector.extract %slice3A_1412[0] : i32 from vector<1xi32>
      %and3A_1414 = arith.constant 127 : i32
      %and3A_1415 = arith.andi %squeeze3A_1413, %and3A_1414 : i32
      %broadcast_in_dim3A_1416 = vector.broadcast %and3A_1415 : i32 to vector<16xi32>
      %broadcast_in_dim3A_1417 = arith.constant 2 : i32
      %broadcast_in_dim3A_1418 = vector.broadcast %broadcast_in_dim3A_1417 : i32 to vector<16xi32>
      %gather3A_1419 = tpu.vector_load_idx %arg10[%broadcast_in_dim3A_1418, %iota3A, %broadcast_in_dim3A_1411] : memref<8x16x128xf32, #tpu.memory_space<vmem>>[vector<16xi32>, vector<16xi32>, vector<16xi32>], vector<16xf32>,
      %gather3A_1420 = tpu.vector_load_idx %arg12[%broadcast_in_dim3A_1418, %iota3A, %broadcast_in_dim3A_1416] : memref<8x16x128xf32, #tpu.memory_space<vmem>>[vector<16xi32>, vector<16xi32>, vector<16xi32>], vector<16xf32>,
      %mul3A_1421 = arith.mulf %gather3A_1419, %gather3A_1420 : vector<16xf32>
      %reduce_sum3A_1422 = arith.constant true
      %reduce_sum3A_1423 = vector.broadcast %reduce_sum3A_1422 : i1 to vector<16xi1>
      %reduce_sum3A_1424 = tpu.scan <sum>, %mul3A_1421 masked %reduce_sum3A_1423 : vector<16xf32>, vector<16xi1> -> vector<16xf32>
      %reduce_sum3A_1425 = vector.extract %reduce_sum3A_1424[15] : f32 from vector<16xf32>
      %eq3A_1426 = arith.constant 2 : i32
      %eq3A_1427 = vector.broadcast %eq3A_1426 : i32 to vector<16xi32>
      %eq3A_1428 = arith.cmpi eq, %iota3A, %eq3A_1427 : vector<16xi32>
      %broadcast_in_dim3A_1429 = vector.broadcast %reduce_sum3A_1425 : f32 to vector<16xf32>
      %select_n3A_1430 = arith.select %eq3A_1428, %broadcast_in_dim3A_1429, %select_n3A_1406 : vector<16xi1>, vector<16xf32>
      %slice3A_1431 = vector.extract_strided_slice %get3A_1352 {offsets = [3], sizes = [1], strides = [1]} : vector<16xi32> to vector<1xi32>
      %squeeze3A_1432 = vector.extract %slice3A_1431[0] : i32 from vector<1xi32>
      %and3A_1433 = arith.constant 127 : i32
      %and3A_1434 = arith.andi %squeeze3A_1432, %and3A_1433 : i32
      %broadcast_in_dim3A_1435 = vector.broadcast %and3A_1434 : i32 to vector<16xi32>
      %slice3A_1436 = vector.extract_strided_slice %get3A_1356 {offsets = [3], sizes = [1], strides = [1]} : vector<16xi32> to vector<1xi32>
      %squeeze3A_1437 = vector.extract %slice3A_1436[0] : i32 from vector<1xi32>
      %and3A_1438 = arith.constant 127 : i32
      %and3A_1439 = arith.andi %squeeze3A_1437, %and3A_1438 : i32
      %broadcast_in_dim3A_1440 = vector.broadcast %and3A_1439 : i32 to vector<16xi32>
      %broadcast_in_dim3A_1441 = arith.constant 3 : i32
      %broadcast_in_dim3A_1442 = vector.broadcast %broadcast_in_dim3A_1441 : i32 to vector<16xi32>
      %gather3A_1443 = tpu.vector_load_idx %arg10[%broadcast_in_dim3A_1442, %iota3A, %broadcast_in_dim3A_1435] : memref<8x16x128xf32, #tpu.memory_space<vmem>>[vector<16xi32>, vector<16xi32>, vector<16xi32>], vector<16xf32>,
      %gather3A_1444 = tpu.vector_load_idx %arg12[%broadcast_in_dim3A_1442, %iota3A, %broadcast_in_dim3A_1440] : memref<8x16x128xf32, #tpu.memory_space<vmem>>[vector<16xi32>, vector<16xi32>, vector<16xi32>], vector<16xf32>,
      %mul3A_1445 = arith.mulf %gather3A_1443, %gather3A_1444 : vector<16xf32>
      %reduce_sum3A_1446 = arith.constant true
      %reduce_sum3A_1447 = vector.broadcast %reduce_sum3A_1446 : i1 to vector<16xi1>
      %reduce_sum3A_1448 = tpu.scan <sum>, %mul3A_1445 masked %reduce_sum3A_1447 : vector<16xf32>, vector<16xi1> -> vector<16xf32>
      %reduce_sum3A_1449 = vector.extract %reduce_sum3A_1448[15] : f32 from vector<16xf32>
      %eq3A_1450 = arith.constant 3 : i32
      %eq3A_1451 = vector.broadcast %eq3A_1450 : i32 to vector<16xi32>
      %eq3A_1452 = arith.cmpi eq, %iota3A, %eq3A_1451 : vector<16xi32>
      %broadcast_in_dim3A_1453 = vector.broadcast %reduce_sum3A_1449 : f32 to vector<16xf32>
      %select_n3A_1454 = arith.select %eq3A_1452, %broadcast_in_dim3A_1453, %select_n3A_1430 : vector<16xi1>, vector<16xf32>
      %slice3A_1455 = vector.extract_strided_slice %get3A_1352 {offsets = [4], sizes = [1], strides = [1]} : vector<16xi32> to vector<1xi32>
      %squeeze3A_1456 = vector.extract %slice3A_1455[0] : i32 from vector<1xi32>
      %and3A_1457 = arith.constant 127 : i32
      %and3A_1458 = arith.andi %squeeze3A_1456, %and3A_1457 : i32
      %broadcast_in_dim3A_1459 = vector.broadcast %and3A_1458 : i32 to vector<16xi32>
      %slice3A_1460 = vector.extract_strided_slice %get3A_1356 {offsets = [4], sizes = [1], strides = [1]} : vector<16xi32> to vector<1xi32>
      %squeeze3A_1461 = vector.extract %slice3A_1460[0] : i32 from vector<1xi32>
      %and3A_1462 = arith.constant 127 : i32
      %and3A_1463 = arith.andi %squeeze3A_1461, %and3A_1462 : i32
      %broadcast_in_dim3A_1464 = vector.broadcast %and3A_1463 : i32 to vector<16xi32>
      %broadcast_in_dim3A_1465 = arith.constant 4 : i32
      %broadcast_in_dim3A_1466 = vector.broadcast %broadcast_in_dim3A_1465 : i32 to vector<16xi32>
      %gather3A_1467 = tpu.vector_load_idx %arg10[%broadcast_in_dim3A_1466, %iota3A, %broadcast_in_dim3A_1459] : memref<8x16x128xf32, #tpu.memory_space<vmem>>[vector<16xi32>, vector<16xi32>, vector<16xi32>], vector<16xf32>,
      %gather3A_1468 = tpu.vector_load_idx %arg12[%broadcast_in_dim3A_1466, %iota3A, %broadcast_in_dim3A_1464] : memref<8x16x128xf32, #tpu.memory_space<vmem>>[vector<16xi32>, vector<16xi32>, vector<16xi32>], vector<16xf32>,
      %mul3A_1469 = arith.mulf %gather3A_1467, %gather3A_1468 : vector<16xf32>
      %reduce_sum3A_1470 = arith.constant true
      %reduce_sum3A_1471 = vector.broadcast %reduce_sum3A_1470 : i1 to vector<16xi1>
      %reduce_sum3A_1472 = tpu.scan <sum>, %mul3A_1469 masked %reduce_sum3A_1471 : vector<16xf32>, vector<16xi1> -> vector<16xf32>
      %reduce_sum3A_1473 = vector.extract %reduce_sum3A_1472[15] : f32 from vector<16xf32>
      %eq3A_1474 = arith.constant 4 : i32
      %eq3A_1475 = vector.broadcast %eq3A_1474 : i32 to vector<16xi32>
      %eq3A_1476 = arith.cmpi eq, %iota3A, %eq3A_1475 : vector<16xi32>
      %broadcast_in_dim3A_1477 = vector.broadcast %reduce_sum3A_1473 : f32 to vector<16xf32>
      %select_n3A_1478 = arith.select %eq3A_1476, %broadcast_in_dim3A_1477, %select_n3A_1454 : vector<16xi1>, vector<16xf32>
      %slice3A_1479 = vector.extract_strided_slice %get3A_1352 {offsets = [5], sizes = [1], strides = [1]} : vector<16xi32> to vector<1xi32>
      %squeeze3A_1480 = vector.extract %slice3A_1479[0] : i32 from vector<1xi32>
      %and3A_1481 = arith.constant 127 : i32
      %and3A_1482 = arith.andi %squeeze3A_1480, %and3A_1481 : i32
      %broadcast_in_dim3A_1483 = vector.broadcast %and3A_1482 : i32 to vector<16xi32>
      %slice3A_1484 = vector.extract_strided_slice %get3A_1356 {offsets = [5], sizes = [1], strides = [1]} : vector<16xi32> to vector<1xi32>
      %squeeze3A_1485 = vector.extract %slice3A_1484[0] : i32 from vector<1xi32>
      %and3A_1486 = arith.constant 127 : i32
      %and3A_1487 = arith.andi %squeeze3A_1485, %and3A_1486 : i32
      %broadcast_in_dim3A_1488 = vector.broadcast %and3A_1487 : i32 to vector<16xi32>
      %broadcast_in_dim3A_1489 = arith.constant 5 : i32
      %broadcast_in_dim3A_1490 = vector.broadcast %broadcast_in_dim3A_1489 : i32 to vector<16xi32>
      %gather3A_1491 = tpu.vector_load_idx %arg10[%broadcast_in_dim3A_1490, %iota3A, %broadcast_in_dim3A_1483] : memref<8x16x128xf32, #tpu.memory_space<vmem>>[vector<16xi32>, vector<16xi32>, vector<16xi32>], vector<16xf32>,
      %gather3A_1492 = tpu.vector_load_idx %arg12[%broadcast_in_dim3A_1490, %iota3A, %broadcast_in_dim3A_1488] : memref<8x16x128xf32, #tpu.memory_space<vmem>>[vector<16xi32>, vector<16xi32>, vector<16xi32>], vector<16xf32>,
      %mul3A_1493 = arith.mulf %gather3A_1491, %gather3A_1492 : vector<16xf32>
      %reduce_sum3A_1494 = arith.constant true
      %reduce_sum3A_1495 = vector.broadcast %reduce_sum3A_1494 : i1 to vector<16xi1>
      %reduce_sum3A_1496 = tpu.scan <sum>, %mul3A_1493 masked %reduce_sum3A_1495 : vector<16xf32>, vector<16xi1> -> vector<16xf32>
      %reduce_sum3A_1497 = vector.extract %reduce_sum3A_1496[15] : f32 from vector<16xf32>
      %eq3A_1498 = arith.constant 5 : i32
      %eq3A_1499 = vector.broadcast %eq3A_1498 : i32 to vector<16xi32>
      %eq3A_1500 = arith.cmpi eq, %iota3A, %eq3A_1499 : vector<16xi32>
      %broadcast_in_dim3A_1501 = vector.broadcast %reduce_sum3A_1497 : f32 to vector<16xf32>
      %select_n3A_1502 = arith.select %eq3A_1500, %broadcast_in_dim3A_1501, %select_n3A_1478 : vector<16xi1>, vector<16xf32>
      %slice3A_1503 = vector.extract_strided_slice %get3A_1352 {offsets = [6], sizes = [1], strides = [1]} : vector<16xi32> to vector<1xi32>
      %squeeze3A_1504 = vector.extract %slice3A_1503[0] : i32 from vector<1xi32>
      %and3A_1505 = arith.constant 127 : i32
      %and3A_1506 = arith.andi %squeeze3A_1504, %and3A_1505 : i32
      %broadcast_in_dim3A_1507 = vector.broadcast %and3A_1506 : i32 to vector<16xi32>
      %slice3A_1508 = vector.extract_strided_slice %get3A_1356 {offsets = [6], sizes = [1], strides = [1]} : vector<16xi32> to vector<1xi32>
      %squeeze3A_1509 = vector.extract %slice3A_1508[0] : i32 from vector<1xi32>
      %and3A_1510 = arith.constant 127 : i32
      %and3A_1511 = arith.andi %squeeze3A_1509, %and3A_1510 : i32
      %broadcast_in_dim3A_1512 = vector.broadcast %and3A_1511 : i32 to vector<16xi32>
      %broadcast_in_dim3A_1513 = arith.constant 6 : i32
      %broadcast_in_dim3A_1514 = vector.broadcast %broadcast_in_dim3A_1513 : i32 to vector<16xi32>
      %gather3A_1515 = tpu.vector_load_idx %arg10[%broadcast_in_dim3A_1514, %iota3A, %broadcast_in_dim3A_1507] : memref<8x16x128xf32, #tpu.memory_space<vmem>>[vector<16xi32>, vector<16xi32>, vector<16xi32>], vector<16xf32>,
      %gather3A_1516 = tpu.vector_load_idx %arg12[%broadcast_in_dim3A_1514, %iota3A, %broadcast_in_dim3A_1512] : memref<8x16x128xf32, #tpu.memory_space<vmem>>[vector<16xi32>, vector<16xi32>, vector<16xi32>], vector<16xf32>,
      %mul3A_1517 = arith.mulf %gather3A_1515, %gather3A_1516 : vector<16xf32>
      %reduce_sum3A_1518 = arith.constant true
      %reduce_sum3A_1519 = vector.broadcast %reduce_sum3A_1518 : i1 to vector<16xi1>
      %reduce_sum3A_1520 = tpu.scan <sum>, %mul3A_1517 masked %reduce_sum3A_1519 : vector<16xf32>, vector<16xi1> -> vector<16xf32>
      %reduce_sum3A_1521 = vector.extract %reduce_sum3A_1520[15] : f32 from vector<16xf32>
      %eq3A_1522 = arith.constant 6 : i32
      %eq3A_1523 = vector.broadcast %eq3A_1522 : i32 to vector<16xi32>
      %eq3A_1524 = arith.cmpi eq, %iota3A, %eq3A_1523 : vector<16xi32>
      %broadcast_in_dim3A_1525 = vector.broadcast %reduce_sum3A_1521 : f32 to vector<16xf32>
      %select_n3A_1526 = arith.select %eq3A_1524, %broadcast_in_dim3A_1525, %select_n3A_1502 : vector<16xi1>, vector<16xf32>
      %slice3A_1527 = vector.extract_strided_slice %get3A_1352 {offsets = [7], sizes = [1], strides = [1]} : vector<16xi32> to vector<1xi32>
      %squeeze3A_1528 = vector.extract %slice3A_1527[0] : i32 from vector<1xi32>
      %and3A_1529 = arith.constant 127 : i32
      %and3A_1530 = arith.andi %squeeze3A_1528, %and3A_1529 : i32
      %broadcast_in_dim3A_1531 = vector.broadcast %and3A_1530 : i32 to vector<16xi32>
      %slice3A_1532 = vector.extract_strided_slice %get3A_1356 {offsets = [7], sizes = [1], strides = [1]} : vector<16xi32> to vector<1xi32>
      %squeeze3A_1533 = vector.extract %slice3A_1532[0] : i32 from vector<1xi32>
      %and3A_1534 = arith.constant 127 : i32
      %and3A_1535 = arith.andi %squeeze3A_1533, %and3A_1534 : i32
      %broadcast_in_dim3A_1536 = vector.broadcast %and3A_1535 : i32 to vector<16xi32>
      %broadcast_in_dim3A_1537 = arith.constant 7 : i32
      %broadcast_in_dim3A_1538 = vector.broadcast %broadcast_in_dim3A_1537 : i32 to vector<16xi32>
      %gather3A_1539 = tpu.vector_load_idx %arg10[%broadcast_in_dim3A_1538, %iota3A, %broadcast_in_dim3A_1531] : memref<8x16x128xf32, #tpu.memory_space<vmem>>[vector<16xi32>, vector<16xi32>, vector<16xi32>], vector<16xf32>,
      %gather3A_1540 = tpu.vector_load_idx %arg12[%broadcast_in_dim3A_1538, %iota3A, %broadcast_in_dim3A_1536] : memref<8x16x128xf32, #tpu.memory_space<vmem>>[vector<16xi32>, vector<16xi32>, vector<16xi32>], vector<16xf32>,
      %mul3A_1541 = arith.mulf %gather3A_1539, %gather3A_1540 : vector<16xf32>
      %reduce_sum3A_1542 = arith.constant true
      %reduce_sum3A_1543 = vector.broadcast %reduce_sum3A_1542 : i1 to vector<16xi1>
      %reduce_sum3A_1544 = tpu.scan <sum>, %mul3A_1541 masked %reduce_sum3A_1543 : vector<16xf32>, vector<16xi1> -> vector<16xf32>
      %reduce_sum3A_1545 = vector.extract %reduce_sum3A_1544[15] : f32 from vector<16xf32>
      %eq3A_1546 = arith.constant 7 : i32
      %eq3A_1547 = vector.broadcast %eq3A_1546 : i32 to vector<16xi32>
      %eq3A_1548 = arith.cmpi eq, %iota3A, %eq3A_1547 : vector<16xi32>
      %broadcast_in_dim3A_1549 = vector.broadcast %reduce_sum3A_1545 : f32 to vector<16xf32>
      %select_n3A_1550 = arith.select %eq3A_1548, %broadcast_in_dim3A_1549, %select_n3A_1526 : vector<16xi1>, vector<16xf32>
      %mul3A_1551 = arith.constant 8 : i32
      %mul3A_1552 = arith.muli %add3A_1108, %mul3A_1551 : i32
      %lt3A_1553 = arith.constant 8 : i32
      %lt3A_1554 = vector.broadcast %lt3A_1553 : i32 to vector<16xi32>
      %lt3A_1555 = arith.cmpi slt, %iota3A, %lt3A_1554 : vector<16xi32>
      %swap3A_1556 = arith.index_cast %mul3A_1552 : i32 to index
      %swap3A_1557 = tpu.vector_load %arg13[%swap3A_1556] masked %lt3A_1555 {strides = array<i32>} : memref<528xf32, #tpu.memory_space<vmem>>, vector<16xf32>, vector<16xi1>
      tpu.vector_store %arg13[%swap3A_1556], %select_n3A_1550 masked %lt3A_1555 {strides = array<i32>} : memref<528xf32, #tpu.memory_space<vmem>>, vector<16xf32>, vector<16xi1>
    }
    %scan3A_324 = arith.constant 32 : i32
    "tpu.region"() ({
      %run_scoped3A = tpu.sem_alloc : memref<!tpu.dma_semaphore, #tpu.memory_space<semaphore_mem>>
      %dma_start3A_325 = arith.constant 0 : i32
      %dma_start3A_326 = tpu.memref_slice %arg13[%dma_start3A_325] : memref<528xf32, #tpu.memory_space<vmem>> -> memref<512xf32, #tpu.memory_space<vmem>>
      %dma_start3A_327 = tpu.memref_slice %arg6[%mul3A_2] : memref<16384xf32, #tpu.memory_space<hbm>> -> memref<512xf32, #tpu.memory_space<hbm>>
      %dma_start3A_328 = tpu.memref_slice %arg6[%mul3A_2] : memref<16384xf32, #tpu.memory_space<hbm>> -> memref<512xf32, #tpu.memory_space<hbm>>
      %dma_start3A_329 = arith.constant 0 : i32
      %dma_start3A_330 = tpu.memref_slice %arg13[%dma_start3A_329] : memref<528xf32, #tpu.memory_space<vmem>> -> memref<512xf32, #tpu.memory_space<vmem>>
      tpu.enqueue_dma source(%dma_start3A_330 : memref<512xf32, #tpu.memory_space<vmem>>) target(%dma_start3A_328 : memref<512xf32, #tpu.memory_space<hbm>>) target_semaphore(%run_scoped3A : memref<!tpu.dma_semaphore, #tpu.memory_space<semaphore_mem>>)
      %dma_wait3A = arith.constant 0 : i32
      %dma_wait3A_331 = tpu.memref_slice %arg13[%dma_wait3A] : memref<528xf32, #tpu.memory_space<vmem>> -> memref<512xf32, #tpu.memory_space<vmem>>
      %dma_wait3A_332 = tpu.memref_slice %arg6[%mul3A_2] : memref<16384xf32, #tpu.memory_space<hbm>> -> memref<512xf32, #tpu.memory_space<hbm>>
      %dma_wait3A_333 = tpu.memref_slice %arg6[%mul3A_2] : memref<16384xf32, #tpu.memory_space<hbm>> -> memref<512xf32, #tpu.memory_space<hbm>>
      %dma_wait3A_334 = arith.constant 0 : i32
      %dma_wait3A_335 = tpu.memref_slice %arg13[%dma_wait3A_334] : memref<528xf32, #tpu.memory_space<vmem>> -> memref<512xf32, #tpu.memory_space<vmem>>
      tpu.wait_dma2 semaphore(%run_scoped3A : memref<!tpu.dma_semaphore, #tpu.memory_space<semaphore_mem>>) src(%dma_wait3A_335 : memref<512xf32, #tpu.memory_space<vmem>>) dst(%dma_wait3A_333 : memref<512xf32, #tpu.memory_space<hbm>>)
      tpu.yield
    }) : () -> ()
    return
  }
}

</mosaic_0001>

<sc_bundles>
// kernel: kernel.3.cloned.1.call-start
scs
__scs_entry_jumppad:
0x0: {  	(pc) =	sbr.rel $0x88, $3  }
0x1: {  	(tag) =	ssettag $0x0;
	lr =	simm.s32 $0x1  }
0x2: {  	[smem:$0x3F9D] =	sst lr;
	_ =	strace $0xD0000000  }
0x3: {  	_ = 	snop  }
0x4: {  	_ = 	snop  }
0x5: {  	_ = 	snop  }
0x6: {  	_ = 	snop  }
0x7: {  	_ = 	snop  }
__scs_overlays_trampoline_lowered:
0x8: {  	[smem:$0x3FAC] =	sst s0  }
0x9: {  	[smem:$0x3FAD] =	sst s1  }
0xa: {  	[smem:$0x3FAE] =	sst s2  }
0xb: {  	[smem:$0x3FAF] =	sst s3  }
0xc: {  	[smem:$0x3FB0] =	sst s4  }
0xd: {  	[smem:$0x3FB1] =	sst s5  }
0xe: {  	[smem:$0x3FB2] =	sst s6  }
0xf: {  	[smem:$0x3FB3] =	sst s7  }
0x10: {  	[smem:$0x3FB4] =	sst s8  }
0x11: {  	[smem:$0x3FB5] =	sst s9;
	s0 =	simm.s32 @!p0 $0x0  }
0x12: {  	s1 =	sld [smem:$0x3F9B];
	s0 =	simm.s32 @p0 $0x1  }
0x13: {  	[smem:$0x3FB6] =	sst s0;
	s0 =	simm.s32 @!p1 $0x0  }
0x14: {  	s2 =	sld [smem:$0x3F9A];
	s0 =	simm.s32 @p1 $0x1  }
0x15: {  	[smem:$0x3FB7] =	sst s0;
	s0 =	simm.s32 @!p2 $0x0  }
0x16: {  	s3 =	sld [smem:$0x3FDB];
	s0 =	simm.s32 @p2 $0x1  }
0x17: {  	s4 =	simm.s32 $0x1BF5;
	[smem:$0x3FB9] =	sst s0  }
0x18: {  	s0 =	sld [smem:$0x3F9C];
	_ =	swait.ge [sflag:s4], $0x0  }
0x19: {  	s7 =	sld [smem:$0x3F9D]  }
0x1a: {  	s8 =	sadd.s32 $0xFFFFE003, lr  }
0x1b: {  	s9 =	sadd.s32 $0xFFFFFEF7, lr;
	s5 =	simm.s32 $0xFFFFFFFF;
	p2 =	slt.u32 s8, $0xFFFFF086  }
0x1c: {  	p1 =	slt.u32 s9, $0xF7A;
	s5 =	simm.s32 @!p2 $0x0  }
0x1d: {  	s5 =	simm.s32 @p1 $0x1;
	p0 =	seq.s32 s7, s2  }
0x1e: {  	s7 =	smul.u32 @!p0 $0xF7A, s2;
	p2 =	seq.s32 @!p0 s5, $0x0  }
0x1f: {  	s9 =	smul.u32 $0xF7A, s1;
	s8 =	simm.s32 @!p0 $0x1BF5;
	p2 =	por !p2, p0  }
0x20: {  	[sflag:s8] =	ssyncset.s32 @!p0 $0xFFFFF086;
	s6 =	sadd.s32 @!p0 s3, s7;
	s7 =	simm.s32 @!p0 $0x108  }
0x21: {  	s3 =	sadd.s32 s3, s9;
	s6 =	sadd.s32 @!p0 $0x88, s6;
	s7 =	simm.s32 @p2 $0x1082  }
0x22: {  	[simem:s7], [sflag:s8] =	dma.local @!p0 [hbm:s6], $0xF7A  }
0x23: {  	s9 =	sor.u32 $0xD0000000, s2;
	s6 =	simm.s32 $0x108;
	_ =	swait.ge @!p0 [sflag:s8], $0x0  }
0x24: {  	s3 =	sadd.s32 $0x88, s3;
	s6 =	simm.s32 @!p1 $0x1082;
	[sflag:s4] =	ssyncset.s32 $0xFFFFF086  }
0x25: {  	[simem:s6], [sflag:s4] =	dma.local [hbm:s3], $0xF7A  }
0x26: {  	[smem:$0x3F9D] =	sst s1;
	(tag) =	ssettag s2;
	_ =	strace s9  }
0x27: {  	s1 =	sld [smem:$0x3FAD]  }
0x28: {  	s2 =	sld [smem:$0x3FAE]  }
0x29: {  	s4 =	sld [smem:$0x3FB0]  }
0x2a: {  	p0 =	seq.s32 s5, $0x0;
	s5 =	sld [smem:$0x3FB1]  }
0x2b: {  	s6 =	sld [smem:$0x3FB2]  }
0x2c: {  	s7 =	sld [smem:$0x3FB3]  }
0x2d: {  	s3 =	simm.s32 $0x108;
	s8 =	sld [smem:$0x3FB4]  }
0x2e: {  	s3 =	simm.s32 @!p0 $0x1082;
	s9 =	sld [smem:$0x3FB5]  }
0x2f: {  	lr =	sadd.s32 s0, s3;
	s0 =	sld [smem:$0x3FAC]  }
0x30: {  	s3 =	sld [smem:$0x3FAF]  }
0x31: {  	[smem:$0x3FB8] =	sst s10  }
0x32: {  	s10 =	sld [smem:$0x3FB6];
	_ =	sdelay $0x3  }
0x33: {  	p0 =	seq.s32 s10, $0x1;
	s10 =	sld [smem:$0x3FB8];
	_ =	sdelay $0x3  }
0x34: {  	[smem:$0x3FB8] =	sst s10  }
0x35: {  	s10 =	sld [smem:$0x3FB7];
	_ =	sdelay $0x3  }
0x36: {  	p1 =	seq.s32 s10, $0x1;
	s10 =	sld [smem:$0x3FB8];
	_ =	sdelay $0x3  }
0x37: {  	[smem:$0x3FB8] =	sst s10  }
0x38: {  	s10 =	sld [smem:$0x3FB9]  }
0x39: {  	_ = 	snop;
	(pc) =	sbr.ind lr, $3  }
0x3a: {  	_ = 	snop  }
0x3b: {  	_ = 	snop  }
0x3c: {  	p2 =	seq.s32 s10, $0x1;
	s10 =	sld [smem:$0x3FB8]  }
0x3d: {  	_ =	shalt  }
0x3e: {  	_ =	shalt  }
0x3f: {  	_ =	shalt  }
0x40: {  	_ =	shalt  }
0x41: {  	_ =	shalt  }
0x42: {  	_ =	shalt  }
0x43: {  	_ =	shalt  }
0x44: {  	_ =	shalt  }
0x45: {  	_ =	shalt  }
0x46: {  	_ =	shalt  }
0x47: {  	_ =	shalt  }
0x48: {  	_ =	shalt  }
0x49: {  	_ =	shalt  }
0x4a: {  	_ =	shalt  }
0x4b: {  	_ =	shalt  }
0x4c: {  	_ =	shalt  }
0x4d: {  	_ =	shalt  }
0x4e: {  	_ =	shalt  }
0x4f: {  	_ =	shalt  }
0x50: {  	_ =	shalt  }
0x51: {  	_ =	shalt  }
0x52: {  	_ =	shalt  }
0x53: {  	_ =	shalt  }
0x54: {  	_ =	shalt  }
0x55: {  	_ =	shalt  }
0x56: {  	_ =	shalt  }
0x57: {  	_ =	shalt  }
0x58: {  	_ =	shalt  }
0x59: {  	_ =	shalt  }
0x5a: {  	_ =	shalt  }
0x5b: {  	_ =	shalt  }
0x5c: {  	_ =	shalt  }
0x5d: {  	_ =	shalt  }
0x5e: {  	_ =	shalt  }
0x5f: {  	_ =	shalt  }
0x60: {  	_ =	shalt  }
0x61: {  	_ =	shalt  }
0x62: {  	_ =	shalt  }
0x63: {  	_ =	shalt  }
0x64: {  	_ =	shalt  }
0x65: {  	_ =	shalt  }
0x66: {  	_ =	shalt  }
0x67: {  	_ =	shalt  }
0x68: {  	_ =	shalt  }
0x69: {  	_ =	shalt  }
0x6a: {  	_ =	shalt  }
0x6b: {  	_ =	shalt  }
0x6c: {  	_ =	shalt  }
0x6d: {  	_ =	shalt  }
0x6e: {  	_ =	shalt  }
0x6f: {  	_ =	shalt  }
0x70: {  	_ =	shalt  }
0x71: {  	_ =	shalt  }
0x72: {  	_ =	shalt  }
0x73: {  	_ =	shalt  }
0x74: {  	_ =	shalt  }
0x75: {  	_ =	shalt  }
0x76: {  	_ =	shalt  }
0x77: {  	_ =	shalt  }
0x78: {  	_ =	shalt  }
0x79: {  	_ =	shalt  }
0x7a: {  	_ =	shalt  }
0x7b: {  	_ =	shalt  }
0x7c: {  	_ =	shalt  }
0x7d: {  	_ =	shalt  }
0x7e: {  	_ =	shalt  }
0x7f: {  	_ =	shalt  }
0x80: {  	_ =	shalt  }
0x81: {  	_ =	shalt  }
0x82: {  	_ =	shalt  }
0x83: {  	_ =	shalt  }
0x84: {  	_ =	shalt  }
0x85: {  	_ =	shalt  }
0x86: {  	_ =	shalt  }
0x87: {  	_ =	shalt  }
.Lfunc_end0:
.L_simem_size_0:
called_computation_lowered:
.L_overlay_start_0:
0x88: {  	s2 =	sld [smem:$0x3FD9]  }
0x89: {  	s3 =	sld [smem:$0x3FFE];
	_ =	sdelay $0x1  }
0x8a: {  	s1 =	srdreg.scid  }
0x8b: {  	s0 =	sand.u32 $0x1, s1  }
0x8c: {  	s18 =	sshll.u32 s0, $0xA;
	s2 =	sadd.s32 s3, s2  }
0x8d: {  	s2 =	sadd.s32 s2, s18  }
0x8e: {  	[smem:$0x3FC4] =	sst s2  }
0x8f: {  	_ = 	snop  }
0x90: {  	s2 =	sld [smem:$0x3FC9]  }
0x91: {  	s19 =	sld [smem:$0x3FC8]  }
0x92: {  	s4 =	sld [smem:$0x3FC7]  }
0x93: {  	s5 =	sld [smem:$0x3FC6]  }
0x94: {  	s6 =	sld [smem:$0x3FD0];
	(tm) =	ssettm $0x1  }
0x95: {  	s7 =	sld [smem:$0x3FFB];
	_ =	sdelay $0x3  }
0x96: {  	_ =	strace s7  }
0x97: {  	s7 =	sld [smem:$0x3FFC];
	_ =	sdelay $0x3  }
0x98: {  	_ =	strace s7  }
0x99: {  	s7 =	sld [smem:$0x3FFD];
	_ =	sdelay $0x3  }
0x9a: {  	_ =	strace s7  }
0x9b: {  	_ =	strace $0x8FFFFFFF  }
0x9c: {  	s20 =	sld [smem:$0x3FDB];
	_ =	sdelay $0x1  }
0x9d: {  	s8 =	simm.s32 $_scs_section_size  }
0x9e: {  	s9 =	simm.s32 $_size__tile_overlayer_lowered;
	s10 =	simm.s32 $_tile_overlayer_lowered  }
0x9f: {  	s23 =	simm.s32 $0x1BFF;
	s22 =	sshll.u32 s10, $0x1;
	s7 =	sadd.s32 s8, s20  }
0xa0: {  	s11 =	simm.s32 $0x0;
	s21 =	sshll.u32 s9, $0x1;
	s9 =	sadd.s32 s22, s7  }
0xa1: {  	[timem:s11], [sflag:s23] =	dma.local [hbm:s9], s21  }
0xa2: {  	_ =	swait.ge [sflag:s23], s21  }
0xa3: {  	s8 =	ssub.s32 $0x0, s21;
	[sflag:s23] =	ssyncset.done $0x0  }
0xa4: {  	[sflag:s23] =	ssyncadd.s32 s8;
	_ =	sdelay $0x1  }
0xa5: {  	s24 =	simm.s32 $0x1B8B  }
0xa6: {  	_ =	swait.ge [sflag:s24], $0x1  }
0xa7: {  	[sflag:s24] =	ssyncset.done $0x0  }
0xa8: {  	s25 =	simm.s32 $0x1B8E;
	[sflag:s24] =	ssyncadd.s32 $0xFFFFFFFF  }
0xa9: {  	s26 =	simm.s32 $execute0_lowered;
	[smem:$0x3FD2] =	sst s25  }
0xaa: {  	s8 =	sshll.u32 s26, $0x1;
	_ =	strace $0x80000046;
	[dreg:$0x1] =	wrdreg $0xFFFFFFFF  }
0xab: {  	s28 =	simm.s32 $_size_execute0_lowered;
	s7 =	sadd.s32 s7, s8;
	[dreg:$0x0] =	wrdreg $0x0  }
0xac: {  	s8 =	sshll.u32 s28, $0x1;
	[dreg:$0x2] =	wrdreg s7  }
0xad: {  	[dreg:$0x3] =	wrdreg s8  }
0xae: {  	[dreg:$0x4] =	wrdreg $0xC0  }
0xaf: {  	_ =	task [dreg:s11], $0x5FFFF  }
0xb0: {  	[dreg:$0x1] =	wrdreg $0xFFFFFFFF  }
0xb1: {  	[dreg:$0x0] =	wrdreg $0x60  }
0xb2: {  	[dreg:$0x2] =	wrdreg s2  }
0xb3: {  	[dreg:$0x3] =	wrdreg s19  }
0xb4: {  	[dreg:$0x4] =	wrdreg s4  }
0xb5: {  	[dreg:$0x5] =	wrdreg s5  }
0xb6: {  	[dreg:$0x6] =	wrdreg s6  }
0xb7: {  	[dreg:$0x7] =	wrdreg $0x9  }
0xb8: {  	_ =	task.clear_ibuf [dreg:s11], $0x8FFFF;
	_ =	strace $0x90000046  }
0xb9: {  	s29 =	simm.s32 $0x9;
	_ =	strace $0x80000048  }
0xba: {  	_ =	swait.ge [sflag:s29], $0x1  }
0xbb: {  	[sflag:s29] =	ssyncadd.s32 $0xFFFFFFFF  }
0xbc: {  	_ =	strace $0x90000048  }
0xbd: {  	_ =	sfence  }
0xbe: {  	s30 =	sld [smem:$0x0];
	_ =	sdelay $0x2  }
0xbf: {  	s31 =	sshll.u32 s1, $0xD;
	s1 =	sshrl.u32 s1, $0x2  }
0xc0: {  	s3 =	sand.u32 $0x4000, s31;
	s1 =	sadd.s32 s1, s30  }
0xc1: {  	s0 =	sor.u32 s3, s0;
	s1 =	sshll.u32 s1, $0x11  }
0xc2: {  	s0 =	sor.u32 s1, s0  }
0xc3: {  	s0 =	sadd.s32 $0x8F2B, s0  }
0xc4: {  	[sflag:s0] =	ssyncadd.remote.s32 $0x1  }
0xc5: {  	_ =	sfence.sel $0xFFFF  }
0xc6: {  	[dreg:$0x0] =	wrdreg $0xFFFFFFFF;
	(pc) =	sbr.abs _section_cstart, $3  }
0xc7: {  	[dreg:$0x1] =	wrdreg $0xFFFFFFFF  }
0xc8: {  	_ =	task.clear_ibuf [dreg:s11], $0x2FFFF;
	_ =	strace $0x9FFFFFFF  }
0xc9: {  	(tm) =	ssettm $0x7FFFFFFF  }
tec
execute0_lowered:
.L_overlay_start_1:
0x0: {  	(tag) =	ssettag $0x1  }
0x1: {  	s0 =	rddreg [dreg:$0x0]  }
0x2: {  	s3 =	rddreg [dreg:$0x1]  }
0x3: {  	s1 =	rddreg [dreg:$0x2]  }
0x4: {  	s2 =	rddreg [dreg:$0x3]  }
0x5: {  	s4 =	rddreg [dreg:$0x4]  }
0x6: {  	s22 =	simm.s32 $0x0;
	s5 =	srdreg.scid;
	s7 =	stileid.u32  }
0x7: {  	s11 =	simm.s32 $0x400;
	s12 =	simm.s32 $0x7A1400;
	s13 =	simm.s32 $0x500  }
0x8: {  	s14 =	simm.s32 $0x8500;
	s28 =	simm.s32 $0x3D00;
	s29 =	simm.s32 $0xBD00  }
0x9: {  	s30 =	simm.s32 $0x4500;
	s31 =	simm.s32 $0xC500;
	s10 =	simm.s32 $0x5500  }
0xa: {  	s9 =	simm.s32 $0x6D00;
	s15 =	simm.s32 $0xED00;
	s16 =	simm.s32 $0x7500  }
0xb: {  	s17 =	simm.s32 $0xF500;
	s18 =	simm.s32 $0x7D00;
	s19 =	simm.s32 $0xFD00  }
0xc: {  	s20 =	simm.s32 $0x1;
	s21 =	simm.s32 $0x2;
	s5 =	sand.u32 $0x1, s5  }
0xd: {  	[smem:$0x7FF] =	sst s22;
	s7 =	sshll.u32 s7, $0x7;
	s6 =	ssub.s32 $0x2, s5  }
0xe: {  	s5 =	sshll.u32 s5, $0x6;
	_ =	strace $0x80000047;
	s8 =	sshrl.u32 s6, $0x1  }
0xf: {  	s5 =	sor.u32 s5, s7;
	s7 =	simm.s32 $0xDD00;
	s6 =	ssub.s32 s6, s8  }
0x10: {  	v0 =	vlaneseq.u32;
	s0 =	sadd.s32 s0, s5;
	s24 =	sadd.s32 s3, s5;
	s25 =	sadd.s32 s4, s5  }
.Ltmp0:
0x11: {  	vm0 =	vmmov $0x1;
	vm1 =	vmmov $0x3;
	v0 =	vmul.u32 $0x80, v0;
	s3 =	simm.s32 $0xCD00;
	[dreg:$0x6] =	wrdreg s0;
	(pc) =	sbr.rel .LBB2_1-.Ltmp0, $4  }
0x12: {  	vm2 =	vmmov $0x7;
	vm3 =	vmmov $0xf;
	vm4 =	vmmov $0x1f;
	s5 =	simm.s32 $0xD500;
	s8 =	simm.s32 $0x6500;
	[dreg:$0x7] =	wrdreg s24  }
0x13: {  	vm5 =	vmmov $0x3f;
	vm6 =	vmmov $0x7f;
	v1 =	vor.u32 $0x800, v0;
	s4 =	simm.s32 $0xE500;
	[dreg:$0x8] =	wrdreg s25;
	s26 =	smax.u32 s6, $0x1  }
0x14: {  	v2 =	vor.u32 $0x1000, v0;
	v3 =	vor.u32 $0x1800, v0;
	v4 =	vor.u32 $0x2000, v0;
	s24 =	simm.s32 $0x3;
	s0 =	simm.s32 $0x4D00;
	s6 =	simm.s32 $0x5D00  }
0x15: {  	v5 =	vor.u32 $0x2800, v0;
	v6 =	vor.u32 $0x3000, v0;
	v7 =	vor.u32 $0x3800, v0;
	s25 =	simm.s32 $0x0;
	[dreg:$0x9] =	wrdreg s26;
	s26 =	simm.s32 $0xB500  }
.LBB2_5:
0x16: {  	s22 =	simm.s32 $0x0;
	s23 =	rddreg [dreg:$0x8];
	s24 =	simm.s32 $0x10500  }
0x17: {  	[hbm4b:s23+s22] =	stream.linear.scatter [tilespmem:s24], [sflag:$0x3], $0x200, $0x38;
	[tilespmem:$0x10780] =	vst v63  }
0x18: {  	s24 =	simm.s32 $0x3  }
0x19: {  	_ =	swait.ge [sflag:s24], $0x200  }
0x1a: {  	s25 =	rddreg [dreg:$0xa]  }
0x1b: {  	s23 =	rddreg [dreg:$0x9];
	s25 =	sadd.s32 $0x1, s25  }
0x1c: {  	p0 =	sne.s32 s25, s23  }
.Ltmp1:
0x1d: {  	_ = 	snop;
	(pc) =	sbr.rel @!p0 .LBB2_6-.Ltmp1, $3  }
0x1e: {  	_ =	sdelay $0x1  }
0x1f: {  	[sflag:s24] =	ssyncset.done $0x0  }
0x20: {  	[sflag:s24] =	ssyncadd.s32 $0xFFFFFE00  }
.LBB2_1:
0x21: {  	[dreg:$0xa] =	wrdreg s25  }
0x22: {  	s23 =	rddreg [dreg:$0x6]  }
0x23: {  	[tilespmem:s22], [sflag:$0x3] =	stream.linear.gather [hbm4b:s23+s22], $0x200, $0x38;
	[tilespmem:$0x10780] =	vst v63  }
0x24: {  	_ =	swait.ge [sflag:s24], $0x200  }
0x25: {  	[sflag:s24] =	ssyncset.done $0x0  }
0x26: {  	s25 =	simm.s32 $0x280;
	s23 =	rddreg [dreg:$0x7];
	[sflag:s24] =	ssyncadd.s32 $0xFFFFFE00  }
0x27: {  	[tilespmem:s25], [sflag:$0x3] =	stream.linear.gather [hbm4b:s23+s22], $0x200, $0x38;
	[tilespmem:$0x10780] =	vst v63  }
0x28: {  	_ =	swait.ge [sflag:s24], $0x200  }
0x29: {  	[sflag:s24] =	ssyncset.done $0x0  }
0x2a: {  	[sflag:s24] =	ssyncadd.s32 $0xFFFFFE00  }
0x2b: {  	v8 =	vld [tilespmem:$0x0];
	_ =	sdelay $0x1  }
0x2c: {  	v9 =	vld [tilespmem:$0x280];
	_ =	sdelay $0x2  }
0x2d: {  	(v2sf) =	vpush v8, $0x0;
	_ =	sdelay $0x1  }
0x2e: {  	(v2sf) =	vpush v9, $0x0;
	_ =	sdelay $0x2  }
0x2f: {  	(v2sf) =	vpush v8, $0x1;
	_ =	sdelay $0x4  }
0x30: {  	(v2sf) =	vpush v9, $0x1;
	_ =	sdelay $0x4  }
0x31: {  	s25 =	spop (v2sf);
	(v2sf) =	vpush v8, $0x2;
	_ =	sdelay $0x1  }
0x32: {  	s23 =	spop (v2sf);
	(v2sf) =	vpush v9, $0x2;
	_ =	sdelay $0x1  }
0x33: {  	s22 =	sand.u32 $0xFFFFF80, s25  }
0x34: {  	s22 =	sadd.s32 s1, s22;
	s24 =	spop (v2sf);
	(v2sf) =	vpush v8, $0x3  }
0x35: {  	[tilespmem:s13], [sflag:$0x1] =	stream.strided.gather [hbm4b:s22+s11], $0x800, s12, s11, $0x38;
	[tilespmem:$0x10780] =	vst v63  }
0x36: {  	s22 =	sand.u32 $0xFFFFF80, s23  }
0x37: {  	s22 =	sadd.s32 s2, s22  }
0x38: {  	[tilespmem:s14], [sflag:$0x1] =	stream.strided.gather [hbm4b:s22+s11], $0x800, s12, s11, $0x38;
	[tilespmem:$0x10780] =	vst v63  }
0x39: {  	s22 =	sand.u32 $0xFFFFF80, s24;
	s24 =	spop (v2sf);
	(v2sf) =	vpush v9, $0x3;
	_ =	sdelay $0x1  }
0x3a: {  	s25 =	simm.s32 $0xD00;
	s22 =	sadd.s32 s1, s22  }
0x3b: {  	[tilespmem:s25], [sflag:$0x1] =	stream.strided.gather [hbm4b:s22+s11], $0x800, s12, s11, $0x38;
	[tilespmem:$0x10780] =	vst v63  }
0x3c: {  	s22 =	sand.u32 $0xFFFFF80, s24  }
0x3d: {  	s25 =	simm.s32 $0x8D00;
	s22 =	sadd.s32 s2, s22;
	s24 =	spop (v2sf);
	(v2sf) =	vpush v8, $0x4  }
0x3e: {  	[tilespmem:s25], [sflag:$0x1] =	stream.strided.gather [hbm4b:s22+s11], $0x800, s12, s11, $0x38;
	[tilespmem:$0x10780] =	vst v63  }
0x3f: {  	s22 =	sand.u32 $0xFFFFF80, s24;
	s24 =	spop (v2sf);
	(v2sf) =	vpush v9, $0x4  }
0x40: {  	s25 =	simm.s32 $0x1500;
	s22 =	sadd.s32 s1, s22  }
0x41: {  	[tilespmem:s25], [sflag:$0x1] =	stream.strided.gather [hbm4b:s22+s11], $0x800, s12, s11, $0x38;
	[tilespmem:$0x10780] =	vst v63  }
0x42: {  	s22 =	sand.u32 $0xFFFFF80, s24;
	s24 =	spop (v2sf);
	(v2sf) =	vpush v8, $0x5;
	_ =	sdelay $0x2  }
0x43: {  	s25 =	simm.s32 $0x9500;
	s22 =	sadd.s32 s2, s22  }
0x44: {  	[tilespmem:s25], [sflag:$0x1] =	stream.strided.gather [hbm4b:s22+s11], $0x800, s12, s11, $0x38;
	[tilespmem:$0x10780] =	vst v63  }
0x45: {  	s22 =	sand.u32 $0xFFFFF80, s24;
	s24 =	spop (v2sf);
	(v2sf) =	vpush v9, $0x5;
	_ =	sdelay $0x1  }
0x46: {  	s25 =	simm.s32 $0x1D00;
	s22 =	sadd.s32 s1, s22  }
0x47: {  	[tilespmem:s25], [sflag:$0x1] =	stream.strided.gather [hbm4b:s22+s11], $0x800, s12, s11, $0x38;
	[tilespmem:$0x10780] =	vst v63  }
0x48: {  	s22 =	sand.u32 $0xFFFFF80, s24  }
0x49: {  	s25 =	simm.s32 $0x9D00;
	s22 =	sadd.s32 s2, s22;
	s24 =	spop (v2sf);
	(v2sf) =	vpush v8, $0x6  }
0x4a: {  	[tilespmem:s25], [sflag:$0x1] =	stream.strided.gather [hbm4b:s22+s11], $0x800, s12, s11, $0x38;
	[tilespmem:$0x10780] =	vst v63  }
0x4b: {  	s22 =	sand.u32 $0xFFFFF80, s24;
	s24 =	spop (v2sf);
	(v2sf) =	vpush v9, $0x6  }
0x4c: {  	s25 =	simm.s32 $0x2500;
	s22 =	sadd.s32 s1, s22  }
0x4d: {  	[tilespmem:s25], [sflag:$0x1] =	stream.strided.gather [hbm4b:s22+s11], $0x800, s12, s11, $0x38;
	[tilespmem:$0x10780] =	vst v63  }
0x4e: {  	s22 =	sand.u32 $0xFFFFF80, s24;
	s24 =	spop (v2sf);
	(v2sf) =	vpush v8, $0x7;
	_ =	sdelay $0x1  }
0x4f: {  	s25 =	simm.s32 $0xA500;
	s22 =	sadd.s32 s2, s22  }
0x50: {  	[tilespmem:s25], [sflag:$0x1] =	stream.strided.gather [hbm4b:s22+s11], $0x800, s12, s11, $0x38;
	[tilespmem:$0x10780] =	vst v63  }
0x51: {  	s22 =	sand.u32 $0xFFFFF80, s24  }
0x52: {  	s25 =	simm.s32 $0x2D00;
	s24 =	spop (v2sf);
	(v2sf) =	vpush v9, $0x7;
	s22 =	sadd.s32 s1, s22  }
0x53: {  	[tilespmem:s25], [sflag:$0x1] =	stream.strided.gather [hbm4b:s22+s11], $0x800, s12, s11, $0x38;
	[tilespmem:$0x10780] =	vst v63  }
0x54: {  	s22 =	sand.u32 $0xFFFFF80, s24  }
0x55: {  	s25 =	simm.s32 $0xAD00;
	s22 =	sadd.s32 s2, s22  }
0x56: {  	[tilespmem:s25], [sflag:$0x1] =	stream.strided.gather [hbm4b:s22+s11], $0x800, s12, s11, $0x38;
	[tilespmem:$0x10780] =	vst v63  }
0x57: {  	s24 =	spop (v2sf)  }
0x58: {  	s22 =	sand.u32 $0xFFFFF80, s24  }
0x59: {  	s25 =	simm.s32 $0x3500;
	s23 =	spop (v2sf);
	s22 =	sadd.s32 s1, s22  }
0x5a: {  	[tilespmem:s25], [sflag:$0x1] =	stream.strided.gather [hbm4b:s22+s11], $0x800, s12, s11, $0x38;
	[tilespmem:$0x10780] =	vst v63  }
0x5b: {  	s22 =	sand.u32 $0xFFFFF80, s23  }
0x5c: {  	s24 =	spop (v2sf);
	s22 =	sadd.s32 s2, s22  }
0x5d: {  	[tilespmem:s26], [sflag:$0x1] =	stream.strided.gather [hbm4b:s22+s11], $0x800, s12, s11, $0x38;
	[tilespmem:$0x10780] =	vst v63  }
0x5e: {  	s22 =	sand.u32 $0xFFFFF80, s24  }
0x5f: {  	s22 =	sadd.s32 s1, s22  }
0x60: {  	[tilespmem:s28], [sflag:$0x1] =	stream.strided.gather [hbm4b:s22+s11], $0x800, s12, s11, $0x38;
	[tilespmem:$0x10780] =	vst v63  }
.Ltmp2:
0x61: {  	s25 =	spop (v2sf);
	(pc) =	sbr.rel .LBB2_2-.Ltmp2, $4  }
0x62: {  	s22 =	sand.u32 $0xFFFFF80, s25  }
0x63: {  	s22 =	sadd.s32 s2, s22  }
0x64: {  	[tilespmem:s29], [sflag:$0x1] =	stream.strided.gather [hbm4b:s22+s11], $0x800, s12, s11, $0x38;
	[tilespmem:$0x10780] =	vst v63  }
0x65: {  	s22 =	simm.s32 $0x0  }
.LBB2_4:
0x66: {  	_ =	swait.ge [sflag:s21], $0x800  }
0x67: {  	[sflag:s21] =	ssyncset.done $0x0  }
0x68: {  	[sflag:s21] =	ssyncadd.s32 $0xFFFFF800  }
0x69: {  	_ =	swait.ge [sflag:s21], $0x800  }
0x6a: {  	[sflag:s21] =	ssyncset.done $0x0  }
0x6b: {  	[sflag:s21] =	ssyncadd.s32 $0xFFFFF800  }
0x6c: {  	_ =	swait.ge [sflag:s21], $0x800  }
0x6d: {  	[sflag:s21] =	ssyncset.done $0x0  }
0x6e: {  	[sflag:s21] =	ssyncadd.s32 $0xFFFFF800  }
0x6f: {  	_ =	swait.ge [sflag:s21], $0x800  }
0x70: {  	[sflag:s21] =	ssyncset.done $0x0  }
0x71: {  	[sflag:s21] =	ssyncadd.s32 $0xFFFFF800  }
0x72: {  	_ =	swait.ge [sflag:s21], $0x800  }
0x73: {  	[sflag:s21] =	ssyncset.done $0x0  }
0x74: {  	[sflag:s21] =	ssyncadd.s32 $0xFFFFF800  }
0x75: {  	_ =	swait.ge [sflag:s21], $0x800  }
0x76: {  	[sflag:s21] =	ssyncset.done $0x0  }
0x77: {  	[sflag:s21] =	ssyncadd.s32 $0xFFFFF800  }
0x78: {  	_ =	swait.ge [sflag:s21], $0x800  }
0x79: {  	[sflag:s21] =	ssyncset.done $0x0  }
0x7a: {  	[sflag:s21] =	ssyncadd.s32 $0xFFFFF800  }
0x7b: {  	_ =	swait.ge [sflag:s21], $0x800  }
0x7c: {  	[sflag:s21] =	ssyncset.done $0x0  }
0x7d: {  	[sflag:s21] =	ssyncadd.s32 $0xFFFFF800  }
0x7e: {  	_ =	swait.ge [sflag:s21], $0x800  }
0x7f: {  	[sflag:s21] =	ssyncset.done $0x0  }
0x80: {  	[sflag:s21] =	ssyncadd.s32 $0xFFFFF800  }
0x81: {  	_ =	swait.ge [sflag:s21], $0x800  }
0x82: {  	[sflag:s21] =	ssyncset.done $0x0  }
0x83: {  	[sflag:s21] =	ssyncadd.s32 $0xFFFFF800  }
0x84: {  	_ =	swait.ge [sflag:s21], $0x800  }
0x85: {  	[sflag:s21] =	ssyncset.done $0x0  }
0x86: {  	[sflag:s21] =	ssyncadd.s32 $0xFFFFF800  }
0x87: {  	_ =	swait.ge [sflag:s21], $0x800  }
0x88: {  	[sflag:s21] =	ssyncset.done $0x0  }
0x89: {  	[sflag:s21] =	ssyncadd.s32 $0xFFFFF800  }
0x8a: {  	_ =	swait.ge [sflag:s21], $0x800  }
0x8b: {  	[sflag:s21] =	ssyncset.done $0x0  }
0x8c: {  	[sflag:s21] =	ssyncadd.s32 $0xFFFFF800  }
0x8d: {  	_ =	swait.ge [sflag:s21], $0x800  }
0x8e: {  	[sflag:s21] =	ssyncset.done $0x0  }
0x8f: {  	[sflag:s21] =	ssyncadd.s32 $0xFFFFF800  }
0x90: {  	_ =	swait.ge [sflag:s21], $0x800  }
0x91: {  	[sflag:s21] =	ssyncset.done $0x0  }
0x92: {  	[sflag:s21] =	ssyncadd.s32 $0xFFFFF800  }
0x93: {  	_ =	swait.ge [sflag:s21], $0x800  }
0x94: {  	[sflag:s21] =	ssyncset.done $0x0  }
0x95: {  	[sflag:s21] =	ssyncadd.s32 $0xFFFFF800  }
0x96: {  	v8 =	vld [tilespmem:s23+$0x8]  }
0x97: {  	v9 =	vld [tilespmem:s23+$0x288];
	_ =	sdelay $0x3  }
0x98: {  	(v2sf) =	vpush v8, $0x0  }
0x99: {  	(v2sf) =	vpush v9, $0x0  }
0x9a: {  	(v2sf) =	vpush v8, $0x1  }
0x9b: {  	(v2sf) =	vpush v9, $0x1  }
0x9c: {  	(v2sf) =	vpush v8, $0x2  }
0x9d: {  	(v2sf) =	vpush v9, $0x2  }
0x9e: {  	(v2sf) =	vpush v8, $0x3  }
0x9f: {  	(v2sf) =	vpush v9, $0x3  }
0xa0: {  	(v2sf) =	vpush v8, $0x4  }
0xa1: {  	(v2sf) =	vpush v9, $0x4  }
0xa2: {  	(v2sf) =	vpush v8, $0x5  }
0xa3: {  	(v2sf) =	vpush v9, $0x5  }
0xa4: {  	(v2sf) =	vpush v8, $0x6  }
0xa5: {  	(v2sf) =	vpush v9, $0x6  }
0xa6: {  	(v2sf) =	vpush v8, $0x7  }
0xa7: {  	s24 =	spop (v2sf);
	(v2sf) =	vpush v9, $0x7  }
0xa8: {  	s25 =	spop (v2sf);
	s24 =	sand.u32 $0x7F, s24  }
0xa9: {  	v8 =	vor.u32 s24, v0;
	s24 =	spop (v2sf);
	s25 =	sand.u32 $0x7F, s25  }
0xaa: {  	v45 =	vor.u32 s25, v0;
	s25 =	spop (v2sf);
	s24 =	sand.u32 $0x7F, s24  }
0xab: {  	v10 =	vor.u32 s24, v1;
	s24 =	spop (v2sf);
	s25 =	sand.u32 $0x7F, s25  }
0xac: {  	v11 =	vor.u32 s25, v1;
	s25 =	spop (v2sf);
	s24 =	sand.u32 $0x7F, s24  }
0xad: {  	v12 =	vor.u32 s24, v2;
	s24 =	spop (v2sf);
	s25 =	sand.u32 $0x7F, s25  }
0xae: {  	v13 =	vor.u32 s25, v2;
	s25 =	spop (v2sf);
	v8 =	vld.idx.msk [tilespmem:v8+s30+$0x0], $0xffff;
	s24 =	sand.u32 $0x7F, s24  }
0xaf: {  	v14 =	vor.u32 s24, v3;
	s24 =	spop (v2sf);
	v9 =	vld.idx.msk [tilespmem:v45+s31+$0x0], $0xffff;
	s25 =	sand.u32 $0x7F, s25  }
0xb0: {  	v15 =	vor.u32 s25, v3;
	s25 =	spop (v2sf);
	v10 =	vld.idx.msk [tilespmem:v10+s30+$0x0], $0xffff;
	s24 =	sand.u32 $0x7F, s24  }
0xb1: {  	v16 =	vor.u32 s24, v4;
	s24 =	spop (v2sf);
	v11 =	vld.idx.msk [tilespmem:v11+s31+$0x0], $0xffff;
	s25 =	sand.u32 $0x7F, s25  }
0xb2: {  	v17 =	vor.u32 s25, v4;
	s25 =	spop (v2sf);
	v12 =	vld.idx.msk [tilespmem:v12+s30+$0x0], $0xffff;
	s24 =	sand.u32 $0x7F, s24  }
0xb3: {  	v18 =	vor.u32 s24, v5;
	s24 =	spop (v2sf);
	v13 =	vld.idx.msk [tilespmem:v13+s31+$0x0], $0xffff;
	s25 =	sand.u32 $0x7F, s25  }
0xb4: {  	v19 =	vor.u32 s25, v5;
	s25 =	spop (v2sf);
	v14 =	vld.idx.msk [tilespmem:v14+s30+$0x0], $0xffff;
	s24 =	sand.u32 $0x7F, s24  }
0xb5: {  	v20 =	vor.u32 s24, v6;
	s24 =	spop (v2sf);
	v15 =	vld.idx.msk [tilespmem:v15+s31+$0x0], $0xffff;
	s25 =	sand.u32 $0x7F, s25  }
0xb6: {  	v16 =	vld.idx.msk [tilespmem:v16+s30+$0x0], $0xffff;
	v21 =	vor.u32 s25, v6;
	s24 =	sand.u32 $0x7F, s24;
	s25 =	spop (v2sf)  }
0xb7: {  	v17 =	vld.idx.msk [tilespmem:v17+s31+$0x0], $0xffff;
	s25 =	sand.u32 $0x7F, s25;
	v22 =	vor.u32 s24, v7  }
0xb8: {  	v18 =	vld.idx.msk [tilespmem:v18+s30+$0x0], $0xffff;
	v23 =	vor.u32 s25, v7  }
0xb9: {  	v19 =	vld.idx.msk [tilespmem:v19+s31+$0x0], $0xffff  }
0xba: {  	v20 =	vld.idx.msk [tilespmem:v20+s30+$0x0], $0xffff  }
0xbb: {  	v8 =	vmul.f32 v9, v8;
	v46 =	vld.idx.msk [tilespmem:v21+s31+$0x0], $0xffff  }
0xbc: {  	v10 =	vmul.f32 v11, v10;
	v47 =	vld.idx.msk [tilespmem:v22+s30+$0x0], $0xffff  }
0xbd: {  	(xrf2) =	vadd.scan.msk.f32 $0xffff, v8;
	v8 =	vmul.f32 v13, v12;
	v48 =	vld.idx.msk [tilespmem:v23+s31+$0x0], $0xffff  }
0xbe: {  	(xrf2) =	vadd.scan.msk.f32 $0xffff, v10;
	v49 =	vmul.f32 v15, v14  }
0xbf: {  	(xrf2) =	vadd.scan.msk.f32 $0xffff, v8;
	v8 =	vmul.f32 v17, v16  }
0xc0: {  	(xrf2) =	vadd.scan.msk.f32 $0xffff, v49;
	v50 =	vmul.f32 v19, v18  }
0xc1: {  	(xrf2) =	vadd.scan.msk.f32 $0xffff, v8;
	v8 =	vmul.f32 v46, v20  }
0xc2: {  	(xrf2) =	vadd.scan.msk.f32 $0xffff, v50;
	v51 =	vmul.f32 v48, v47  }
0xc3: {  	(xrf2) =	vadd.scan.msk.f32 $0xffff, v8  }
0xc4: {  	(xrf2) =	vadd.scan.msk.f32 $0xffff, v51;
	_ =	sdelay $0x2  }
0xc5: {  	v8, _, _ =	vpop (xrf2)  }
0xc6: {  	v52, _, _ =	vpop (xrf2)  }
0xc7: {  	v8 =	vbroadcast v8, $0xF;
	v53, _, _ =	vpop (xrf2);
	v9 =	vbroadcast v52, $0xF  }
0xc8: {  	v54, _, _ =	vpop (xrf2);
	v10 =	vbroadcast v53, $0xF  }
0xc9: {  	v55, _, _ =	vpop (xrf2);
	v8 =	vsel vm0, v8, v9;
	v56 =	vbroadcast v54, $0xF  }
0xca: {  	s22 =	sadd.s32 $0x40, s22;
	v8 =	vsel vm1, v8, v10;
	v58 =	vbroadcast v55, $0xF;
	v57, _, _ =	vpop (xrf2)  }
0xcb: {  	p0 =	sne.s32 s22, $0x800;
	v8 =	vsel vm2, v8, v56;
	v60 =	vbroadcast v57, $0xF;
	v59, _, _ =	vpop (xrf2)  }
.Ltmp3:
0xcc: {  	v8 =	vsel vm3, v8, v58;
	v61 =	vbroadcast v59, $0xF;
	v62, _, _ =	vpop (xrf2);
	(pc) =	sbr.rel @!p0 .LBB2_5-.Ltmp3, $4  }
0xcd: {  	v8 =	vsel vm4, v8, v60;
	v63 =	vbroadcast v62, $0xF  }
0xce: {  	v8 =	vsel vm5, v8, v61  }
0xcf: {  	v8 =	vsel vm6, v8, v63  }
0xd0: {  	[tilespmem:s23+$0x10508] =	vst.msk $0xff, v8  }
.LBB2_2:
0xd1: {  	s23 =	sshra.s32 s22, $0x2  }
0xd2: {  	v8 =	vld [tilespmem:s23+$0x8];
	_ =	sdelay $0x1  }
0xd3: {  	v9 =	vld [tilespmem:s23+$0x288];
	_ =	sdelay $0x2  }
0xd4: {  	(v2sf) =	vpush v8, $0x0;
	_ =	sdelay $0x1  }
0xd5: {  	(v2sf) =	vpush v9, $0x0;
	_ =	sdelay $0x2  }
0xd6: {  	(v2sf) =	vpush v8, $0x1;
	_ =	sdelay $0x2  }
0xd7: {  	(v2sf) =	vpush v9, $0x1;
	_ =	sdelay $0x2  }
0xd8: {  	(v2sf) =	vpush v8, $0x2;
	_ =	sdelay $0x2  }
0xd9: {  	(v2sf) =	vpush v9, $0x2  }
0xda: {  	s24 =	spop (v2sf)  }
0xdb: {  	s24 =	sand.u32 $0xFFFFF80, s24  }
0xdc: {  	(v2sf) =	vpush v8, $0x3;
	s25 =	spop (v2sf);
	s24 =	sadd.s32 s1, s24  }
0xdd: {  	[tilespmem:s30], [sflag:$0x2] =	stream.strided.gather [hbm4b:s24+s11], $0x800, s12, s11, $0x38;
	[tilespmem:$0x10780] =	vst v63  }
0xde: {  	s24 =	sand.u32 $0xFFFFF80, s25  }
0xdf: {  	(v2sf) =	vpush v9, $0x3;
	s25 =	spop (v2sf);
	s24 =	sadd.s32 s2, s24  }
0xe0: {  	[tilespmem:s31], [sflag:$0x2] =	stream.strided.gather [hbm4b:s24+s11], $0x800, s12, s11, $0x38;
	[tilespmem:$0x10780] =	vst v63  }
0xe1: {  	s24 =	sand.u32 $0xFFFFF80, s25  }
0xe2: {  	(v2sf) =	vpush v8, $0x4;
	s25 =	spop (v2sf);
	s24 =	sadd.s32 s1, s24  }
0xe3: {  	[tilespmem:s0], [sflag:$0x2] =	stream.strided.gather [hbm4b:s24+s11], $0x800, s12, s11, $0x38;
	[tilespmem:$0x10780] =	vst v63  }
0xe4: {  	s24 =	sand.u32 $0xFFFFF80, s25  }
0xe5: {  	(v2sf) =	vpush v9, $0x4;
	s25 =	spop (v2sf);
	s24 =	sadd.s32 s2, s24  }
0xe6: {  	[tilespmem:s3], [sflag:$0x2] =	stream.strided.gather [hbm4b:s24+s11], $0x800, s12, s11, $0x38;
	[tilespmem:$0x10780] =	vst v63  }
0xe7: {  	s24 =	sand.u32 $0xFFFFF80, s25  }
0xe8: {  	(v2sf) =	vpush v8, $0x5;
	s25 =	spop (v2sf);
	s24 =	sadd.s32 s1, s24  }
0xe9: {  	[tilespmem:s10], [sflag:$0x2] =	stream.strided.gather [hbm4b:s24+s11], $0x800, s12, s11, $0x38;
	[tilespmem:$0x10780] =	vst v63  }
0xea: {  	s24 =	sand.u32 $0xFFFFF80, s25  }
0xeb: {  	(v2sf) =	vpush v9, $0x5;
	s25 =	spop (v2sf);
	s24 =	sadd.s32 s2, s24  }
0xec: {  	[tilespmem:s5], [sflag:$0x2] =	stream.strided.gather [hbm4b:s24+s11], $0x800, s12, s11, $0x38;
	[tilespmem:$0x10780] =	vst v63  }
0xed: {  	s24 =	sand.u32 $0xFFFFF80, s25  }
0xee: {  	(v2sf) =	vpush v8, $0x6;
	s25 =	spop (v2sf);
	s24 =	sadd.s32 s1, s24  }
0xef: {  	[tilespmem:s6], [sflag:$0x2] =	stream.strided.gather [hbm4b:s24+s11], $0x800, s12, s11, $0x38;
	[tilespmem:$0x10780] =	vst v63  }
0xf0: {  	s24 =	sand.u32 $0xFFFFF80, s25  }
0xf1: {  	(v2sf) =	vpush v9, $0x6;
	s25 =	spop (v2sf);
	s24 =	sadd.s32 s2, s24  }
0xf2: {  	[tilespmem:s7], [sflag:$0x2] =	stream.strided.gather [hbm4b:s24+s11], $0x800, s12, s11, $0x38;
	[tilespmem:$0x10780] =	vst v63  }
0xf3: {  	s24 =	sand.u32 $0xFFFFF80, s25  }
0xf4: {  	(v2sf) =	vpush v8, $0x7;
	s25 =	spop (v2sf);
	s24 =	sadd.s32 s1, s24  }
0xf5: {  	[tilespmem:s8], [sflag:$0x2] =	stream.strided.gather [hbm4b:s24+s11], $0x800, s12, s11, $0x38;
	[tilespmem:$0x10780] =	vst v63  }
0xf6: {  	s24 =	sand.u32 $0xFFFFF80, s25  }
0xf7: {  	(v2sf) =	vpush v9, $0x7;
	s25 =	spop (v2sf);
	s24 =	sadd.s32 s2, s24  }
0xf8: {  	[tilespmem:s4], [sflag:$0x2] =	stream.strided.gather [hbm4b:s24+s11], $0x800, s12, s11, $0x38;
	[tilespmem:$0x10780] =	vst v63  }
0xf9: {  	s24 =	sand.u32 $0xFFFFF80, s25  }
0xfa: {  	s25 =	spop (v2sf);
	s24 =	sadd.s32 s1, s24  }
0xfb: {  	[tilespmem:s9], [sflag:$0x2] =	stream.strided.gather [hbm4b:s24+s11], $0x800, s12, s11, $0x38;
	[tilespmem:$0x10780] =	vst v63  }
0xfc: {  	s24 =	sand.u32 $0xFFFFF80, s25  }
0xfd: {  	s25 =	spop (v2sf);
	s24 =	sadd.s32 s2, s24  }
0xfe: {  	[tilespmem:s15], [sflag:$0x2] =	stream.strided.gather [hbm4b:s24+s11], $0x800, s12, s11, $0x38;
	[tilespmem:$0x10780] =	vst v63  }
0xff: {  	s24 =	sand.u32 $0xFFFFF80, s25  }
0x100: {  	s25 =	spop (v2sf);
	s24 =	sadd.s32 s1, s24  }
0x101: {  	[tilespmem:s16], [sflag:$0x2] =	stream.strided.gather [hbm4b:s24+s11], $0x800, s12, s11, $0x38;
	[tilespmem:$0x10780] =	vst v63  }
0x102: {  	s24 =	sand.u32 $0xFFFFF80, s25  }
0x103: {  	s25 =	spop (v2sf);
	s24 =	sadd.s32 s2, s24  }
0x104: {  	[tilespmem:s17], [sflag:$0x2] =	stream.strided.gather [hbm4b:s24+s11], $0x800, s12, s11, $0x38;
	[tilespmem:$0x10780] =	vst v63  }
0x105: {  	s24 =	sand.u32 $0xFFFFF80, s25  }
0x106: {  	s25 =	spop (v2sf);
	s24 =	sadd.s32 s1, s24  }
0x107: {  	[tilespmem:s18], [sflag:$0x2] =	stream.strided.gather [hbm4b:s24+s11], $0x800, s12, s11, $0x38;
	[tilespmem:$0x10780] =	vst v63  }
0x108: {  	s24 =	sand.u32 $0xFFFFF80, s25  }
0x109: {  	s24 =	sadd.s32 s2, s24  }
0x10a: {  	[tilespmem:s19], [sflag:$0x2] =	stream.strided.gather [hbm4b:s24+s11], $0x800, s12, s11, $0x38;
	[tilespmem:$0x10780] =	vst v63  }
0x10b: {  	_ =	swait.ge [sflag:s20], $0x800  }
0x10c: {  	[sflag:s20] =	ssyncset.done $0x0  }
0x10d: {  	[sflag:s20] =	ssyncadd.s32 $0xFFFFF800  }
0x10e: {  	_ =	swait.ge [sflag:s20], $0x800  }
0x10f: {  	[sflag:s20] =	ssyncset.done $0x0  }
0x110: {  	[sflag:s20] =	ssyncadd.s32 $0xFFFFF800  }
0x111: {  	_ =	swait.ge [sflag:s20], $0x800  }
0x112: {  	[sflag:s20] =	ssyncset.done $0x0  }
0x113: {  	[sflag:s20] =	ssyncadd.s32 $0xFFFFF800  }
0x114: {  	_ =	swait.ge [sflag:s20], $0x800  }
0x115: {  	[sflag:s20] =	ssyncset.done $0x0  }
0x116: {  	[sflag:s20] =	ssyncadd.s32 $0xFFFFF800  }
0x117: {  	_ =	swait.ge [sflag:s20], $0x800  }
0x118: {  	[sflag:s20] =	ssyncset.done $0x0  }
0x119: {  	[sflag:s20] =	ssyncadd.s32 $0xFFFFF800  }
0x11a: {  	_ =	swait.ge [sflag:s20], $0x800  }
0x11b: {  	[sflag:s20] =	ssyncset.done $0x0  }
0x11c: {  	[sflag:s20] =	ssyncadd.s32 $0xFFFFF800  }
0x11d: {  	_ =	swait.ge [sflag:s20], $0x800  }
0x11e: {  	[sflag:s20] =	ssyncset.done $0x0  }
0x11f: {  	[sflag:s20] =	ssyncadd.s32 $0xFFFFF800  }
0x120: {  	_ =	swait.ge [sflag:s20], $0x800  }
0x121: {  	[sflag:s20] =	ssyncset.done $0x0  }
0x122: {  	[sflag:s20] =	ssyncadd.s32 $0xFFFFF800  }
0x123: {  	_ =	swait.ge [sflag:s20], $0x800  }
0x124: {  	[sflag:s20] =	ssyncset.done $0x0  }
0x125: {  	[sflag:s20] =	ssyncadd.s32 $0xFFFFF800  }
0x126: {  	_ =	swait.ge [sflag:s20], $0x800  }
0x127: {  	[sflag:s20] =	ssyncset.done $0x0  }
0x128: {  	[sflag:s20] =	ssyncadd.s32 $0xFFFFF800  }
0x129: {  	_ =	swait.ge [sflag:s20], $0x800  }
0x12a: {  	[sflag:s20] =	ssyncset.done $0x0  }
0x12b: {  	[sflag:s20] =	ssyncadd.s32 $0xFFFFF800  }
0x12c: {  	_ =	swait.ge [sflag:s20], $0x800  }
0x12d: {  	[sflag:s20] =	ssyncset.done $0x0  }
0x12e: {  	[sflag:s20] =	ssyncadd.s32 $0xFFFFF800  }
0x12f: {  	_ =	swait.ge [sflag:s20], $0x800  }
0x130: {  	[sflag:s20] =	ssyncset.done $0x0  }
0x131: {  	[sflag:s20] =	ssyncadd.s32 $0xFFFFF800  }
0x132: {  	_ =	swait.ge [sflag:s20], $0x800  }
0x133: {  	[sflag:s20] =	ssyncset.done $0x0  }
0x134: {  	[sflag:s20] =	ssyncadd.s32 $0xFFFFF800  }
0x135: {  	_ =	swait.ge [sflag:s20], $0x800  }
0x136: {  	[sflag:s20] =	ssyncset.done $0x0  }
0x137: {  	[sflag:s20] =	ssyncadd.s32 $0xFFFFF800  }
0x138: {  	_ =	swait.ge [sflag:s20], $0x800  }
0x139: {  	[sflag:s20] =	ssyncset.done $0x0  }
0x13a: {  	[sflag:s20] =	ssyncadd.s32 $0xFFFFF800  }
0x13b: {  	v8 =	vld [tilespmem:s23+$0x0]  }
0x13c: {  	v44 =	vld [tilespmem:s23+$0x280];
	_ =	sdelay $0x3  }
0x13d: {  	(v2sf) =	vpush v8, $0x0  }
0x13e: {  	(v2sf) =	vpush v44, $0x0  }
0x13f: {  	(v2sf) =	vpush v8, $0x1  }
0x140: {  	(v2sf) =	vpush v44, $0x1  }
0x141: {  	(v2sf) =	vpush v8, $0x2  }
0x142: {  	(v2sf) =	vpush v44, $0x2  }
0x143: {  	(v2sf) =	vpush v8, $0x3  }
0x144: {  	(v2sf) =	vpush v44, $0x3  }
0x145: {  	(v2sf) =	vpush v8, $0x4  }
0x146: {  	(v2sf) =	vpush v44, $0x4  }
0x147: {  	(v2sf) =	vpush v8, $0x5  }
0x148: {  	(v2sf) =	vpush v44, $0x5  }
0x149: {  	(v2sf) =	vpush v8, $0x6  }
0x14a: {  	(v2sf) =	vpush v44, $0x6  }
0x14b: {  	(v2sf) =	vpush v8, $0x7  }
0x14c: {  	s24 =	spop (v2sf);
	(v2sf) =	vpush v44, $0x7  }
0x14d: {  	s25 =	spop (v2sf);
	s24 =	sand.u32 $0x7F, s24  }
0x14e: {  	v8 =	vor.u32 s24, v0;
	s24 =	spop (v2sf);
	s25 =	sand.u32 $0x7F, s25  }
0x14f: {  	v45 =	vor.u32 s25, v0;
	s25 =	spop (v2sf);
	s24 =	sand.u32 $0x7F, s24  }
0x150: {  	v10 =	vor.u32 s24, v1;
	s24 =	spop (v2sf);
	s25 =	sand.u32 $0x7F, s25  }
0x151: {  	v11 =	vor.u32 s25, v1;
	s25 =	spop (v2sf);
	s24 =	sand.u32 $0x7F, s24  }
0x152: {  	v12 =	vor.u32 s24, v2;
	s24 =	spop (v2sf);
	s25 =	sand.u32 $0x7F, s25  }
0x153: {  	v13 =	vor.u32 s25, v2;
	s25 =	spop (v2sf);
	v8 =	vld.idx.msk [tilespmem:v8+s13+$0x0], $0xffff;
	s24 =	sand.u32 $0x7F, s24  }
0x154: {  	v14 =	vor.u32 s24, v3;
	s24 =	spop (v2sf);
	v9 =	vld.idx.msk [tilespmem:v45+s14+$0x0], $0xffff;
	s25 =	sand.u32 $0x7F, s25  }
0x155: {  	v15 =	vor.u32 s25, v3;
	s25 =	spop (v2sf);
	v10 =	vld.idx.msk [tilespmem:v10+s13+$0x0], $0xffff;
	s24 =	sand.u32 $0x7F, s24  }
0x156: {  	v16 =	vor.u32 s24, v4;
	s24 =	spop (v2sf);
	v11 =	vld.idx.msk [tilespmem:v11+s14+$0x0], $0xffff;
	s25 =	sand.u32 $0x7F, s25  }
0x157: {  	v17 =	vor.u32 s25, v4;
	s25 =	spop (v2sf);
	v12 =	vld.idx.msk [tilespmem:v12+s13+$0x0], $0xffff;
	s24 =	sand.u32 $0x7F, s24  }
0x158: {  	v18 =	vor.u32 s24, v5;
	s24 =	spop (v2sf);
	v13 =	vld.idx.msk [tilespmem:v13+s14+$0x0], $0xffff;
	s25 =	sand.u32 $0x7F, s25  }
0x159: {  	v19 =	vor.u32 s25, v5;
	s25 =	spop (v2sf);
	v14 =	vld.idx.msk [tilespmem:v14+s13+$0x0], $0xffff;
	s24 =	sand.u32 $0x7F, s24  }
0x15a: {  	v20 =	vor.u32 s24, v6;
	s24 =	spop (v2sf);
	v15 =	vld.idx.msk [tilespmem:v15+s14+$0x0], $0xffff;
	s25 =	sand.u32 $0x7F, s25  }
0x15b: {  	v16 =	vld.idx.msk [tilespmem:v16+s13+$0x0], $0xffff;
	v21 =	vor.u32 s25, v6;
	s24 =	sand.u32 $0x7F, s24;
	s25 =	spop (v2sf)  }
0x15c: {  	v22 =	vor.u32 s24, v7;
	v17 =	vld.idx.msk [tilespmem:v17+s14+$0x0], $0xffff;
	s25 =	sand.u32 $0x7F, s25  }
0x15d: {  	v23 =	vor.u32 s25, v7;
	v18 =	vld.idx.msk [tilespmem:v18+s13+$0x0], $0xffff  }
0x15e: {  	v19 =	vld.idx.msk [tilespmem:v19+s14+$0x0], $0xffff  }
0x15f: {  	v20 =	vld.idx.msk [tilespmem:v20+s13+$0x0], $0xffff  }
0x160: {  	v8 =	vmul.f32 v9, v8;
	v46 =	vld.idx.msk [tilespmem:v21+s14+$0x0], $0xffff  }
0x161: {  	v10 =	vmul.f32 v11, v10;
	v47 =	vld.idx.msk [tilespmem:v22+s13+$0x0], $0xffff  }
0x162: {  	(xrf2) =	vadd.scan.msk.f32 $0xffff, v8;
	v8 =	vmul.f32 v13, v12;
	v48 =	vld.idx.msk [tilespmem:v23+s14+$0x0], $0xffff  }
0x163: {  	(xrf2) =	vadd.scan.msk.f32 $0xffff, v10;
	v49 =	vmul.f32 v15, v14  }
0x164: {  	(xrf2) =	vadd.scan.msk.f32 $0xffff, v8;
	v8 =	vmul.f32 v17, v16  }
0x165: {  	(xrf2) =	vadd.scan.msk.f32 $0xffff, v49;
	v50 =	vmul.f32 v19, v18  }
0x166: {  	(xrf2) =	vadd.scan.msk.f32 $0xffff, v8;
	v8 =	vmul.f32 v46, v20  }
0x167: {  	(xrf2) =	vadd.scan.msk.f32 $0xffff, v50;
	v51 =	vmul.f32 v48, v47  }
0x168: {  	(xrf2) =	vadd.scan.msk.f32 $0xffff, v8  }
0x169: {  	(xrf2) =	vadd.scan.msk.f32 $0xffff, v51;
	_ =	sdelay $0x2  }
0x16a: {  	v8, _, _ =	vpop (xrf2)  }
0x16b: {  	v52, _, _ =	vpop (xrf2)  }
0x16c: {  	v8 =	vbroadcast v8, $0xF;
	v53, _, _ =	vpop (xrf2);
	v9 =	vbroadcast v52, $0xF  }
0x16d: {  	v54, _, _ =	vpop (xrf2);
	v10 =	vbroadcast v53, $0xF  }
0x16e: {  	v55, _, _ =	vpop (xrf2);
	v8 =	vsel vm0, v8, v9;
	v56 =	vbroadcast v54, $0xF  }
0x16f: {  	v8 =	vsel vm1, v8, v10;
	v58 =	vbroadcast v55, $0xF;
	v57, _, _ =	vpop (xrf2)  }
0x170: {  	p0 =	seq.s32 s22, $0x7C0;
	v8 =	vsel vm2, v8, v56;
	v60 =	vbroadcast v57, $0xF;
	v59, _, _ =	vpop (xrf2)  }
.Ltmp4:
0x171: {  	v8 =	vsel vm3, v8, v58;
	v61 =	vbroadcast v59, $0xF;
	v62, _, _ =	vpop (xrf2);
	(pc) =	sbr.rel @p0 .LBB2_4-.Ltmp4, $4  }
0x172: {  	v8 =	vsel vm4, v8, v60;
	v63 =	vbroadcast v62, $0xF  }
0x173: {  	v8 =	vsel vm5, v8, v61  }
0x174: {  	v8 =	vsel vm6, v8, v63  }
0x175: {  	[tilespmem:s23+$0x10500] =	vst.msk $0xff, v8  }
0x176: {  	v8 =	vld [tilespmem:s23+$0x10];
	_ =	sdelay $0x2  }
0x177: {  	v9 =	vld [tilespmem:s23+$0x290];
	_ =	sdelay $0x1  }
0x178: {  	(v2sf) =	vpush v8, $0x0;
	_ =	sdelay $0x2  }
0x179: {  	(v2sf) =	vpush v9, $0x0;
	_ =	sdelay $0x2  }
0x17a: {  	(v2sf) =	vpush v8, $0x1;
	_ =	sdelay $0x4  }
0x17b: {  	(v2sf) =	vpush v9, $0x1;
	_ =	sdelay $0x3  }
0x17c: {  	s24 =	spop (v2sf);
	(v2sf) =	vpush v8, $0x2;
	_ =	sdelay $0x1  }
0x17d: {  	s24 =	sand.u32 $0xFFFFF80, s24  }
0x17e: {  	s25 =	spop (v2sf);
	s24 =	sadd.s32 s1, s24  }
0x17f: {  	(v2sf) =	vpush v9, $0x2;
	[tilespmem:s13], [sflag:$0x1] =	stream.strided.gather [hbm4b:s24+s11], $0x800, s12, s11, $0x38;
	[tilespmem:$0x10780] =	vst v63  }
0x180: {  	s24 =	sand.u32 $0xFFFFF80, s25  }
0x181: {  	s25 =	spop (v2sf);
	s24 =	sadd.s32 s2, s24  }
0x182: {  	[tilespmem:s14], [sflag:$0x1] =	stream.strided.gather [hbm4b:s24+s11], $0x800, s12, s11, $0x38;
	[tilespmem:$0x10780] =	vst v63  }
0x183: {  	(v2sf) =	vpush v8, $0x3;
	s24 =	sand.u32 $0xFFFFF80, s25  }
0x184: {  	s25 =	simm.s32 $0xD00;
	s24 =	sadd.s32 s1, s24  }
0x185: {  	[tilespmem:s25], [sflag:$0x1] =	stream.strided.gather [hbm4b:s24+s11], $0x800, s12, s11, $0x38;
	[tilespmem:$0x10780] =	vst v63  }
0x186: {  	s25 =	spop (v2sf)  }
0x187: {  	(v2sf) =	vpush v9, $0x3;
	s24 =	sand.u32 $0xFFFFF80, s25  }
0x188: {  	s25 =	simm.s32 $0x8D00;
	s24 =	sadd.s32 s2, s24  }
0x189: {  	[tilespmem:s25], [sflag:$0x1] =	stream.strided.gather [hbm4b:s24+s11], $0x800, s12, s11, $0x38;
	[tilespmem:$0x10780] =	vst v63  }
0x18a: {  	s25 =	spop (v2sf)  }
0x18b: {  	(v2sf) =	vpush v8, $0x4;
	s24 =	sand.u32 $0xFFFFF80, s25  }
0x18c: {  	s25 =	simm.s32 $0x1500;
	s24 =	sadd.s32 s1, s24  }
0x18d: {  	[tilespmem:s25], [sflag:$0x1] =	stream.strided.gather [hbm4b:s24+s11], $0x800, s12, s11, $0x38;
	[tilespmem:$0x10780] =	vst v63  }
0x18e: {  	s25 =	spop (v2sf)  }
0x18f: {  	(v2sf) =	vpush v9, $0x4;
	s24 =	sand.u32 $0xFFFFF80, s25  }
0x190: {  	s25 =	simm.s32 $0x9500;
	s24 =	sadd.s32 s2, s24  }
0x191: {  	[tilespmem:s25], [sflag:$0x1] =	stream.strided.gather [hbm4b:s24+s11], $0x800, s12, s11, $0x38;
	[tilespmem:$0x10780] =	vst v63  }
0x192: {  	s25 =	spop (v2sf)  }
0x193: {  	(v2sf) =	vpush v8, $0x5;
	s24 =	sand.u32 $0xFFFFF80, s25  }
0x194: {  	s25 =	simm.s32 $0x1D00;
	s24 =	sadd.s32 s1, s24  }
0x195: {  	[tilespmem:s25], [sflag:$0x1] =	stream.strided.gather [hbm4b:s24+s11], $0x800, s12, s11, $0x38;
	[tilespmem:$0x10780] =	vst v63  }
0x196: {  	s25 =	spop (v2sf)  }
0x197: {  	(v2sf) =	vpush v9, $0x5;
	s24 =	sand.u32 $0xFFFFF80, s25  }
0x198: {  	s25 =	simm.s32 $0x9D00;
	s24 =	sadd.s32 s2, s24  }
0x199: {  	[tilespmem:s25], [sflag:$0x1] =	stream.strided.gather [hbm4b:s24+s11], $0x800, s12, s11, $0x38;
	[tilespmem:$0x10780] =	vst v63  }
0x19a: {  	s25 =	spop (v2sf)  }
0x19b: {  	(v2sf) =	vpush v8, $0x6;
	s24 =	sand.u32 $0xFFFFF80, s25  }
0x19c: {  	s25 =	simm.s32 $0x2500;
	s24 =	sadd.s32 s1, s24  }
0x19d: {  	[tilespmem:s25], [sflag:$0x1] =	stream.strided.gather [hbm4b:s24+s11], $0x800, s12, s11, $0x38;
	[tilespmem:$0x10780] =	vst v63  }
0x19e: {  	s25 =	spop (v2sf)  }
0x19f: {  	(v2sf) =	vpush v9, $0x6;
	s24 =	sand.u32 $0xFFFFF80, s25  }
0x1a0: {  	s25 =	simm.s32 $0xA500;
	s24 =	sadd.s32 s2, s24  }
0x1a1: {  	[tilespmem:s25], [sflag:$0x1] =	stream.strided.gather [hbm4b:s24+s11], $0x800, s12, s11, $0x38;
	[tilespmem:$0x10780] =	vst v63  }
0x1a2: {  	s25 =	spop (v2sf)  }
0x1a3: {  	(v2sf) =	vpush v8, $0x7;
	s24 =	sand.u32 $0xFFFFF80, s25  }
0x1a4: {  	s25 =	simm.s32 $0x2D00;
	s24 =	sadd.s32 s1, s24  }
0x1a5: {  	[tilespmem:s25], [sflag:$0x1] =	stream.strided.gather [hbm4b:s24+s11], $0x800, s12, s11, $0x38;
	[tilespmem:$0x10780] =	vst v63  }
0x1a6: {  	s25 =	spop (v2sf)  }
0x1a7: {  	s24 =	sand.u32 $0xFFFFF80, s25  }
0x1a8: {  	(v2sf) =	vpush v9, $0x7;
	s25 =	simm.s32 $0xAD00;
	s24 =	sadd.s32 s2, s24  }
0x1a9: {  	[tilespmem:s25], [sflag:$0x1] =	stream.strided.gather [hbm4b:s24+s11], $0x800, s12, s11, $0x38;
	[tilespmem:$0x10780] =	vst v63  }
0x1aa: {  	s25 =	spop (v2sf)  }
0x1ab: {  	s24 =	sand.u32 $0xFFFFF80, s25  }
0x1ac: {  	s25 =	simm.s32 $0x3500;
	s24 =	sadd.s32 s1, s24  }
0x1ad: {  	[tilespmem:s25], [sflag:$0x1] =	stream.strided.gather [hbm4b:s24+s11], $0x800, s12, s11, $0x38;
	[tilespmem:$0x10780] =	vst v63  }
0x1ae: {  	s25 =	spop (v2sf)  }
0x1af: {  	s24 =	sand.u32 $0xFFFFF80, s25  }
0x1b0: {  	s24 =	sadd.s32 s2, s24  }
0x1b1: {  	[tilespmem:s26], [sflag:$0x1] =	stream.strided.gather [hbm4b:s24+s11], $0x800, s12, s11, $0x38;
	[tilespmem:$0x10780] =	vst v63  }
0x1b2: {  	s25 =	spop (v2sf)  }
0x1b3: {  	s24 =	sand.u32 $0xFFFFF80, s25  }
0x1b4: {  	s24 =	sadd.s32 s1, s24  }
0x1b5: {  	[tilespmem:s28], [sflag:$0x1] =	stream.strided.gather [hbm4b:s24+s11], $0x800, s12, s11, $0x38;
	[tilespmem:$0x10780] =	vst v63  }
.Ltmp5:
0x1b6: {  	_ = 	snop;
	(pc) =	sbr.rel .LBB2_4-.Ltmp5, $4  }
0x1b7: {  	s25 =	spop (v2sf)  }
0x1b8: {  	s24 =	sand.u32 $0xFFFFF80, s25  }
0x1b9: {  	s24 =	sadd.s32 s2, s24  }
0x1ba: {  	[tilespmem:s29], [sflag:$0x1] =	stream.strided.gather [hbm4b:s24+s11], $0x800, s12, s11, $0x38;
	[tilespmem:$0x10780] =	vst v63  }
.LBB2_6:
0x1bb: {  	_ =	sfence.sel $0x180000  }
0x1bc: {  	[bflag:$0x0] =	sbarrier.arrive $0xFFFF  }
0x1bd: {  	_ =	strace $0x90000047  }
0x1be: {  	s0 =	stileid.u32;
	[bflag:$0x2] =	sbarrier.arrive $0xFFFF  }
0x1bf: {  	p0 =	sne.s32 s0, $0x0;
	s0 =	rddreg [dreg:$0x5]  }
0x1c0: {  	s0 =	sadd.s32 @!p0 $0x100000, s0  }
0x1c1: {  	[sflag:s0] =	ssyncadd.tile.s32 @!p0 $0x1;
	_ =	shalt  }
.Lfunc_end2:
_tile_overlayer_lowered:
.L_overlay_start_2:
0x1c2: {  	(tag) =	ssettag $0x2  }
0x1c3: {  	s0 =	rddreg [dreg:$0x0];
	s2 =	stileid.u32  }
0x1c4: {  	s1 =	rddreg [dreg:$0x1];
	p0 =	sne.s32 s2, $0x0  }
0x1c5: {  	s3 =	rddreg [dreg:$0x2];
	[bflag:$0x3] =	sbarrier.arrive $0xFFFF;
	s2 =	simm.s32 @!p0 $0x1C03  }
0x1c6: {  	[timem:s3], [sflag:s2] =	dma.local @!p0 [hbm:s0], s1  }
0x1c7: {  	s0 =	simm.s32 @!p0 $0x3  }
0x1c8: {  	_ =	swait.ge @!p0 [sflag:s0], s1  }
0x1c9: {  	s1 =	ssub.s32 @!p0 $0x0, s1;
	[sflag:s0] =	ssyncset.done @!p0 $0x0  }
0x1ca: {  	[sflag:s0] =	ssyncadd.s32 @!p0 s1  }
0x1cb: {  	[bflag:$0x3] =	sbarrier.arrive $0xFFFF  }
0x1cc: {  	_ =	shalt  }

</sc_bundles>
